<compile_context>
chip_gen: v7x
topology: tpu7x:2x2x1
jax: 0.10.2.dev20260603
libtpu: 0.0.44.dev20260713+nightly
codegen_flags: <defaults>
</compile_context>

<pallas_src>
import dataclasses

import jax
import jax.numpy as jnp
from jax import lax
from jax.experimental import pallas as pl
from jax.experimental.pallas import tpu as pltpu
from jax.experimental.pallas import tpu_sc as plsc

EMB_DIM = 128
BATCH = 16384

NC, NS, L = 2, 16, 16
NW = NC * NS
B_PER_W = BATCH // NW
CHUNK = 128
N_CHUNKS = B_PER_W // CHUNK


def _mfcf_sc(u, i, U, I):
    mesh = plsc.VectorSubcoreMesh(core_axis_name="c", subcore_axis_name="s")
    cp = pltpu.CompilerParams()
    if "needs_layout_passes" in pltpu.CompilerParams.__dataclass_fields__:
        cp = dataclasses.replace(cp, needs_layout_passes=False)

    @pl.kernel(
        compiler_params=cp,
        out_type=jax.ShapeDtypeStruct((BATCH,), jnp.float32),
        mesh=mesh,
        scratch_types=[
            pltpu.VMEM((B_PER_W,), jnp.int32),
            pltpu.VMEM((B_PER_W,), jnp.int32),
            pltpu.VMEM((CHUNK, EMB_DIM), jnp.float32),
            pltpu.VMEM((CHUNK, EMB_DIM), jnp.float32),
            pltpu.VMEM((CHUNK, EMB_DIM), jnp.float32),
            pltpu.VMEM((CHUNK, EMB_DIM), jnp.float32),
            pltpu.VMEM((B_PER_W,), jnp.float32),
            pltpu.VMEM((L * (L + 1),), jnp.float32),
            pltpu.SemaphoreType.DMA,
            pltpu.SemaphoreType.DMA,
            pltpu.SemaphoreType.DMA,
            pltpu.SemaphoreType.DMA,
            pltpu.SemaphoreType.DMA,
        ],
    )
    def kern(u_hbm, i_hbm, U_hbm, I_hbm, o_hbm,
             uidx, iidx, ue0, ue1, ie0, ie1, outv, tbuf,
             semu0, semu1, semi0, semi1, semo):
        wid = lax.axis_index("s") * NC + lax.axis_index("c")
        base = wid * B_PER_W

        ue_bufs = (ue0, ue1)
        ie_bufs = (ie0, ie1)
        semu = (semu0, semu1)
        semi = (semi0, semi1)

        def start(c):
            b = c % 2
            cu = pltpu.async_copy(
                U_hbm.at[uidx.at[pl.ds(c * CHUNK, CHUNK)]], ue_bufs[b], semu[b])
            ci = pltpu.async_copy(
                I_hbm.at[iidx.at[pl.ds(c * CHUNK, CHUNK)]], ie_bufs[b], semi[b])
            return cu, ci

        tbase = lax.broadcasted_iota(jnp.int32, (L,), 0) * (L + 1)

        cu0 = pltpu.async_copy(
            u_hbm.at[pl.ds(base, CHUNK)], uidx.at[pl.ds(0, CHUNK)], semu0)
        ci0 = pltpu.async_copy(
            i_hbm.at[pl.ds(base, CHUNK)], iidx.at[pl.ds(0, CHUNK)], semi0)
        cu0.wait()
        gu0 = pltpu.async_copy(
            U_hbm.at[uidx.at[pl.ds(0, CHUNK)]], ue_bufs[0], semu[0])
        ci0.wait()
        gi0 = pltpu.async_copy(
            I_hbm.at[iidx.at[pl.ds(0, CHUNK)]], ie_bufs[0], semi[0])
        del gu0, gi0
        rest = B_PER_W - CHUNK
        pltpu.sync_copy(u_hbm.at[pl.ds(base + CHUNK, rest)],
                        uidx.at[pl.ds(CHUNK, rest)])
        pltpu.sync_copy(i_hbm.at[pl.ds(base + CHUNK, rest)],
                        iidx.at[pl.ds(CHUNK, rest)])

        start(1)

        def compute_chunk(ue, ie, c):
            def load_row(r):
                return [(ue[r, pl.ds(cc * L, L)], ie[r, pl.ds(cc * L, L)])
                        for cc in range(EMB_DIM // L)]

            @pl.loop(0, CHUNK // L)
            def _(g):
                lds = load_row(g * L)
                for j in range(L):
                    nxt = load_row(g * L + j + 1) if j + 1 < L else None
                    p = [a * b for a, b in lds]
                    while len(p) > 1:
                        p = [a + b for a, b in zip(p[::2], p[1::2])]
                    tbuf[pl.ds(j * (L + 1), L)] = p[0]
                    lds = nxt
                cols = [plsc.load_gather(tbuf, [tbase + l]) for l in range(L)]
                while len(cols) > 1:
                    cols = [a + b for a, b in zip(cols[::2], cols[1::2])]
                sig = 1.0 / (1.0 + jnp.exp(-cols[0]))
                outv[pl.ds(c * CHUNK + g * L, L)] = sig

        @pl.loop(0, N_CHUNKS // 2)
        def _(o):
            for par in range(2):
                c = 2 * o + par
                pltpu.make_async_copy(
                    U_hbm.at[pl.ds(0, CHUNK)], ue_bufs[par], semu[par]).wait()
                pltpu.make_async_copy(
                    I_hbm.at[pl.ds(0, CHUNK)], ie_bufs[par], semi[par]).wait()
                compute_chunk(ue_bufs[par], ie_bufs[par], c)
                pltpu.async_copy(
                    outv.at[pl.ds(c * CHUNK, CHUNK)],
                    o_hbm.at[pl.ds(base + c * CHUNK, CHUNK)], semo)

                @pl.when(o + 1 < N_CHUNKS // 2)
                def _():
                    start(2 + par)

        for _c in range(N_CHUNKS):
            pltpu.make_async_copy(
                outv.at[pl.ds(0, CHUNK)],
                o_hbm.at[pl.ds(base, CHUNK)], semo).wait()

    return kern(u, i, U, I)


def kernel(u, i, U, I):
    u = u.astype(jnp.int32)
    i = i.astype(jnp.int32)
    U = U.astype(jnp.float32)
    I = I.astype(jnp.float32)
    return _mfcf_sc(u, i, U, I)

# --- scband reference (transcript-rebuilt; emitter-appended) ---
"""Pipeline reference for scband-mfcf-55765855371457 (READ-ONLY COPY).

The authoritative reference and input builder live on the scoring server;
editing this copy changes nothing except your own understanding.
"""

import jax, jax.numpy as jnp
import numpy as np

N_USERS = 100000
N_ITEMS = 100000
EMB_DIM = 128
BATCH = 16384

def setup_inputs(seed: int = 0) -> dict:
    key = jax.random.key(seed)
    k1, k2, k3, k4 = jax.random.split(key, 4)
    u = jax.random.randint(k1, (BATCH,), 0, N_USERS, dtype=jnp.int64 if jax.config.jax_enable_x64 else jnp.int32)
    i = jax.random.randint(k2, (BATCH,), 0, N_ITEMS, dtype=jnp.int64 if jax.config.jax_enable_x64 else jnp.int32)
    U = jax.random.normal(k3, (N_USERS, EMB_DIM), dtype=jnp.float32) * 0.01
    I = jax.random.normal(k4, (N_ITEMS, EMB_DIM), dtype=jnp.float32) * 0.01
    return {"u": u, "i": i, "U": U, "I": I}

def reference(u, i, U, I):
    # MFCF forward: sigmoid(sum(U[u] * I[i], dim=1))
    ue = jnp.take(U, u, axis=0)
    ie = jnp.take(I, i, axis=0)
    return jax.nn.sigmoid(jnp.sum(ue * ie, axis=1))

if __name__ == "__main__":
    import jax
    _d = setup_inputs()
    print(jax.jit(kernel)(*tuple(_d.values())))

</pallas_src>

<mosaic_0001>
#map = affine_map<(d0, d1) -> (0)>
#map1 = affine_map<(d0, d1) -> (0, 0)>
module attributes {stable_mosaic.version = 14 : i64} {
  func.func @kern(%arg0: i32, %arg1: i32, %arg2: memref<16384xi32, #tpu.memory_space<hbm>>, %arg3: memref<16384xi32, #tpu.memory_space<hbm>>, %arg4: memref<100000x128xf32, #tpu.memory_space<hbm>>, %arg5: memref<100000x128xf32, #tpu.memory_space<hbm>>, %arg6: memref<16384xf32, #tpu.memory_space<hbm>>, %arg7: memref<512xi32, #tpu.memory_space<vmem>>, %arg8: memref<512xi32, #tpu.memory_space<vmem>>, %arg9: memref<128x128xf32, #tpu.memory_space<vmem>>, %arg10: memref<128x128xf32, #tpu.memory_space<vmem>>, %arg11: memref<128x128xf32, #tpu.memory_space<vmem>>, %arg12: memref<128x128xf32, #tpu.memory_space<vmem>>, %arg13: memref<512xf32, #tpu.memory_space<vmem>>, %arg14: memref<272xf32, #tpu.memory_space<vmem>>, %arg15: memref<!tpu.dma_semaphore, #tpu.memory_space<semaphore_mem>>, %arg16: memref<!tpu.dma_semaphore, #tpu.memory_space<semaphore_mem>>, %arg17: memref<!tpu.dma_semaphore, #tpu.memory_space<semaphore_mem>>, %arg18: memref<!tpu.dma_semaphore, #tpu.memory_space<semaphore_mem>>, %arg19: memref<!tpu.dma_semaphore, #tpu.memory_space<semaphore_mem>>) attributes {dimension_semantics = [#tpu.dimension_semantics<core_parallel>, #tpu.dimension_semantics<subcore_parallel>], iteration_bounds = array<i64: 2, 16>, scalar_prefetch = 0 : i64, scratch_operands = 13 : i64, tpu.core_type = #tpu.core_type<sc_vector_subcore>, window_params = [{transform_indices = #map}, {transform_indices = #map}, {transform_indices = #map1}, {transform_indices = #map1}, {transform_indices = #map}]} {
    %mul3A = arith.constant 2 : i32
    %mul3A_0 = arith.muli %arg1, %mul3A : i32
    %add3A = arith.addi %mul3A_0, %arg0 : i32
    %mul3A_1 = arith.constant 512 : i32
    %mul3A_2 = arith.muli %add3A, %mul3A_1 : i32
    %iota3A = tpu.iota {dimensions = array<i32: 0>} : vector<16xi32>
    %mul3A_3 = arith.constant 17 : i32
    %mul3A_4 = vector.broadcast %mul3A_3 : i32 to vector<16xi32>
    %mul3A_5 = arith.muli %iota3A, %mul3A_4 : vector<16xi32>
    %dma_start3A = arith.constant 0 : i32
    %dma_start3A_6 = tpu.memref_slice %arg7[%dma_start3A] : memref<512xi32, #tpu.memory_space<vmem>> -> memref<128xi32, #tpu.memory_space<vmem>>
    %dma_start3A_7 = tpu.memref_slice %arg2[%mul3A_2] : memref<16384xi32, #tpu.memory_space<hbm>> -> memref<128xi32, #tpu.memory_space<hbm>>
    %dma_start3A_8 = arith.constant 0 : i32
    %dma_start3A_9 = tpu.memref_slice %arg7[%dma_start3A_8] : memref<512xi32, #tpu.memory_space<vmem>> -> memref<128xi32, #tpu.memory_space<vmem>>
    %dma_start3A_10 = tpu.memref_slice %arg2[%mul3A_2] : memref<16384xi32, #tpu.memory_space<hbm>> -> memref<128xi32, #tpu.memory_space<hbm>>
    tpu.enqueue_dma source(%dma_start3A_10 : memref<128xi32, #tpu.memory_space<hbm>>) target(%dma_start3A_9 : memref<128xi32, #tpu.memory_space<vmem>>) target_semaphore(%arg15 : memref<!tpu.dma_semaphore, #tpu.memory_space<semaphore_mem>>)
    %dma_start3A_11 = arith.constant 0 : i32
    %dma_start3A_12 = tpu.memref_slice %arg8[%dma_start3A_11] : memref<512xi32, #tpu.memory_space<vmem>> -> memref<128xi32, #tpu.memory_space<vmem>>
    %dma_start3A_13 = tpu.memref_slice %arg3[%mul3A_2] : memref<16384xi32, #tpu.memory_space<hbm>> -> memref<128xi32, #tpu.memory_space<hbm>>
    %dma_start3A_14 = arith.constant 0 : i32
    %dma_start3A_15 = tpu.memref_slice %arg8[%dma_start3A_14] : memref<512xi32, #tpu.memory_space<vmem>> -> memref<128xi32, #tpu.memory_space<vmem>>
    %dma_start3A_16 = tpu.memref_slice %arg3[%mul3A_2] : memref<16384xi32, #tpu.memory_space<hbm>> -> memref<128xi32, #tpu.memory_space<hbm>>
    tpu.enqueue_dma source(%dma_start3A_16 : memref<128xi32, #tpu.memory_space<hbm>>) target(%dma_start3A_15 : memref<128xi32, #tpu.memory_space<vmem>>) target_semaphore(%arg17 : memref<!tpu.dma_semaphore, #tpu.memory_space<semaphore_mem>>)
    %dma_wait3A = arith.constant 0 : i32
    %dma_wait3A_17 = tpu.memref_slice %arg7[%dma_wait3A] : memref<512xi32, #tpu.memory_space<vmem>> -> memref<128xi32, #tpu.memory_space<vmem>>
    %dma_wait3A_18 = tpu.memref_slice %arg2[%mul3A_2] : memref<16384xi32, #tpu.memory_space<hbm>> -> memref<128xi32, #tpu.memory_space<hbm>>
    %dma_wait3A_19 = arith.constant 0 : i32
    %dma_wait3A_20 = tpu.memref_slice %arg7[%dma_wait3A_19] : memref<512xi32, #tpu.memory_space<vmem>> -> memref<128xi32, #tpu.memory_space<vmem>>
    %dma_wait3A_21 = tpu.memref_slice %arg2[%mul3A_2] : memref<16384xi32, #tpu.memory_space<hbm>> -> memref<128xi32, #tpu.memory_space<hbm>>
    tpu.wait_dma2 semaphore(%arg15 : memref<!tpu.dma_semaphore, #tpu.memory_space<semaphore_mem>>) src(%dma_wait3A_21 : memref<128xi32, #tpu.memory_space<hbm>>) dst(%dma_wait3A_20 : memref<128xi32, #tpu.memory_space<vmem>>)
    %dma_start3A_22 = arith.constant 0 : i32
    %dma_start3A_23 = tpu.memref_slice %arg7[%dma_start3A_22] : memref<512xi32, #tpu.memory_space<vmem>> -> memref<128xi32, #tpu.memory_space<vmem>>
    %dma_start3A_24 = arith.constant 0 : i32
    %dma_start3A_25 = arith.constant 0 : i32
    %dma_start3A_26 = tpu.memref_slice %arg4[%dma_start3A_24, %dma_start3A_25] : memref<100000x128xf32, #tpu.memory_space<hbm>> -> memref<100000x128xf32, #tpu.memory_space<hbm>>
    tpu.enqueue_indirect_dma source(%dma_start3A_26 : memref<100000x128xf32, #tpu.memory_space<hbm>>) target(%arg9 : memref<128x128xf32, #tpu.memory_space<vmem>>) offsets(%dma_start3A_23 : memref<128xi32, #tpu.memory_space<vmem>>) semaphore(%arg15 : memref<!tpu.dma_semaphore, #tpu.memory_space<semaphore_mem>>)
    %dma_wait3A_27 = arith.constant 0 : i32
    %dma_wait3A_28 = tpu.memref_slice %arg8[%dma_wait3A_27] : memref<512xi32, #tpu.memory_space<vmem>> -> memref<128xi32, #tpu.memory_space<vmem>>
    %dma_wait3A_29 = tpu.memref_slice %arg3[%mul3A_2] : memref<16384xi32, #tpu.memory_space<hbm>> -> memref<128xi32, #tpu.memory_space<hbm>>
    %dma_wait3A_30 = arith.constant 0 : i32
    %dma_wait3A_31 = tpu.memref_slice %arg8[%dma_wait3A_30] : memref<512xi32, #tpu.memory_space<vmem>> -> memref<128xi32, #tpu.memory_space<vmem>>
    %dma_wait3A_32 = tpu.memref_slice %arg3[%mul3A_2] : memref<16384xi32, #tpu.memory_space<hbm>> -> memref<128xi32, #tpu.memory_space<hbm>>
    tpu.wait_dma2 semaphore(%arg17 : memref<!tpu.dma_semaphore, #tpu.memory_space<semaphore_mem>>) src(%dma_wait3A_32 : memref<128xi32, #tpu.memory_space<hbm>>) dst(%dma_wait3A_31 : memref<128xi32, #tpu.memory_space<vmem>>)
    %dma_start3A_33 = arith.constant 0 : i32
    %dma_start3A_34 = tpu.memref_slice %arg8[%dma_start3A_33] : memref<512xi32, #tpu.memory_space<vmem>> -> memref<128xi32, #tpu.memory_space<vmem>>
    %dma_start3A_35 = arith.constant 0 : i32
    %dma_start3A_36 = arith.constant 0 : i32
    %dma_start3A_37 = tpu.memref_slice %arg5[%dma_start3A_35, %dma_start3A_36] : memref<100000x128xf32, #tpu.memory_space<hbm>> -> memref<100000x128xf32, #tpu.memory_space<hbm>>
    tpu.enqueue_indirect_dma source(%dma_start3A_37 : memref<100000x128xf32, #tpu.memory_space<hbm>>) target(%arg11 : memref<128x128xf32, #tpu.memory_space<vmem>>) offsets(%dma_start3A_34 : memref<128xi32, #tpu.memory_space<vmem>>) semaphore(%arg17 : memref<!tpu.dma_semaphore, #tpu.memory_space<semaphore_mem>>)
    %add3A_38 = arith.constant 128 : i32
    %add3A_39 = arith.addi %mul3A_2, %add3A_38 : i32
    "tpu.region"() ({
      %run_scoped3A = tpu.sem_alloc : memref<!tpu.dma_semaphore, #tpu.memory_space<semaphore_mem>>
      %dma_start3A_80 = arith.constant 128 : i32
      %dma_start3A_81 = tpu.memref_slice %arg7[%dma_start3A_80] : memref<512xi32, #tpu.memory_space<vmem>> -> memref<384xi32, #tpu.memory_space<vmem>>
      %dma_start3A_82 = tpu.memref_slice %arg2[%add3A_39] : memref<16384xi32, #tpu.memory_space<hbm>> -> memref<384xi32, #tpu.memory_space<hbm>>
      %dma_start3A_83 = arith.constant 128 : i32
      %dma_start3A_84 = tpu.memref_slice %arg7[%dma_start3A_83] : memref<512xi32, #tpu.memory_space<vmem>> -> memref<384xi32, #tpu.memory_space<vmem>>
      %dma_start3A_85 = tpu.memref_slice %arg2[%add3A_39] : memref<16384xi32, #tpu.memory_space<hbm>> -> memref<384xi32, #tpu.memory_space<hbm>>
      tpu.enqueue_dma source(%dma_start3A_85 : memref<384xi32, #tpu.memory_space<hbm>>) target(%dma_start3A_84 : memref<384xi32, #tpu.memory_space<vmem>>) target_semaphore(%run_scoped3A : memref<!tpu.dma_semaphore, #tpu.memory_space<semaphore_mem>>)
      %dma_wait3A_86 = arith.constant 128 : i32
      %dma_wait3A_87 = tpu.memref_slice %arg7[%dma_wait3A_86] : memref<512xi32, #tpu.memory_space<vmem>> -> memref<384xi32, #tpu.memory_space<vmem>>
      %dma_wait3A_88 = tpu.memref_slice %arg2[%add3A_39] : memref<16384xi32, #tpu.memory_space<hbm>> -> memref<384xi32, #tpu.memory_space<hbm>>
      %dma_wait3A_89 = arith.constant 128 : i32
      %dma_wait3A_90 = tpu.memref_slice %arg7[%dma_wait3A_89] : memref<512xi32, #tpu.memory_space<vmem>> -> memref<384xi32, #tpu.memory_space<vmem>>
      %dma_wait3A_91 = tpu.memref_slice %arg2[%add3A_39] : memref<16384xi32, #tpu.memory_space<hbm>> -> memref<384xi32, #tpu.memory_space<hbm>>
      tpu.wait_dma2 semaphore(%run_scoped3A : memref<!tpu.dma_semaphore, #tpu.memory_space<semaphore_mem>>) src(%dma_wait3A_91 : memref<384xi32, #tpu.memory_space<hbm>>) dst(%dma_wait3A_90 : memref<384xi32, #tpu.memory_space<vmem>>)
      tpu.yield
    }) : () -> ()
    %add3A_40 = arith.constant 128 : i32
    %add3A_41 = arith.addi %mul3A_2, %add3A_40 : i32
    "tpu.region"() ({
      %run_scoped3A = tpu.sem_alloc : memref<!tpu.dma_semaphore, #tpu.memory_space<semaphore_mem>>
      %dma_start3A_80 = arith.constant 128 : i32
      %dma_start3A_81 = tpu.memref_slice %arg8[%dma_start3A_80] : memref<512xi32, #tpu.memory_space<vmem>> -> memref<384xi32, #tpu.memory_space<vmem>>
      %dma_start3A_82 = tpu.memref_slice %arg3[%add3A_41] : memref<16384xi32, #tpu.memory_space<hbm>> -> memref<384xi32, #tpu.memory_space<hbm>>
      %dma_start3A_83 = arith.constant 128 : i32
      %dma_start3A_84 = tpu.memref_slice %arg8[%dma_start3A_83] : memref<512xi32, #tpu.memory_space<vmem>> -> memref<384xi32, #tpu.memory_space<vmem>>
      %dma_start3A_85 = tpu.memref_slice %arg3[%add3A_41] : memref<16384xi32, #tpu.memory_space<hbm>> -> memref<384xi32, #tpu.memory_space<hbm>>
      tpu.enqueue_dma source(%dma_start3A_85 : memref<384xi32, #tpu.memory_space<hbm>>) target(%dma_start3A_84 : memref<384xi32, #tpu.memory_space<vmem>>) target_semaphore(%run_scoped3A : memref<!tpu.dma_semaphore, #tpu.memory_space<semaphore_mem>>)
      %dma_wait3A_86 = arith.constant 128 : i32
      %dma_wait3A_87 = tpu.memref_slice %arg8[%dma_wait3A_86] : memref<512xi32, #tpu.memory_space<vmem>> -> memref<384xi32, #tpu.memory_space<vmem>>
      %dma_wait3A_88 = tpu.memref_slice %arg3[%add3A_41] : memref<16384xi32, #tpu.memory_space<hbm>> -> memref<384xi32, #tpu.memory_space<hbm>>
      %dma_wait3A_89 = arith.constant 128 : i32
      %dma_wait3A_90 = tpu.memref_slice %arg8[%dma_wait3A_89] : memref<512xi32, #tpu.memory_space<vmem>> -> memref<384xi32, #tpu.memory_space<vmem>>
      %dma_wait3A_91 = tpu.memref_slice %arg3[%add3A_41] : memref<16384xi32, #tpu.memory_space<hbm>> -> memref<384xi32, #tpu.memory_space<hbm>>
      tpu.wait_dma2 semaphore(%run_scoped3A : memref<!tpu.dma_semaphore, #tpu.memory_space<semaphore_mem>>) src(%dma_wait3A_91 : memref<384xi32, #tpu.memory_space<hbm>>) dst(%dma_wait3A_90 : memref<384xi32, #tpu.memory_space<vmem>>)
      tpu.yield
    }) : () -> ()
    %dma_start3A_42 = arith.constant 128 : i32
    %dma_start3A_43 = tpu.memref_slice %arg7[%dma_start3A_42] : memref<512xi32, #tpu.memory_space<vmem>> -> memref<128xi32, #tpu.memory_space<vmem>>
    %dma_start3A_44 = arith.constant 0 : i32
    %dma_start3A_45 = arith.constant 0 : i32
    %dma_start3A_46 = tpu.memref_slice %arg4[%dma_start3A_44, %dma_start3A_45] : memref<100000x128xf32, #tpu.memory_space<hbm>> -> memref<100000x128xf32, #tpu.memory_space<hbm>>
    tpu.enqueue_indirect_dma source(%dma_start3A_46 : memref<100000x128xf32, #tpu.memory_space<hbm>>) target(%arg10 : memref<128x128xf32, #tpu.memory_space<vmem>>) offsets(%dma_start3A_43 : memref<128xi32, #tpu.memory_space<vmem>>) semaphore(%arg16 : memref<!tpu.dma_semaphore, #tpu.memory_space<semaphore_mem>>)
    %dma_start3A_47 = arith.constant 128 : i32
    %dma_start3A_48 = tpu.memref_slice %arg8[%dma_start3A_47] : memref<512xi32, #tpu.memory_space<vmem>> -> memref<128xi32, #tpu.memory_space<vmem>>
    %dma_start3A_49 = arith.constant 0 : i32
    %dma_start3A_50 = arith.constant 0 : i32
    %dma_start3A_51 = tpu.memref_slice %arg5[%dma_start3A_49, %dma_start3A_50] : memref<100000x128xf32, #tpu.memory_space<hbm>> -> memref<100000x128xf32, #tpu.memory_space<hbm>>
    tpu.enqueue_indirect_dma source(%dma_start3A_51 : memref<100000x128xf32, #tpu.memory_space<hbm>>) target(%arg12 : memref<128x128xf32, #tpu.memory_space<vmem>>) offsets(%dma_start3A_48 : memref<128xi32, #tpu.memory_space<vmem>>) semaphore(%arg18 : memref<!tpu.dma_semaphore, #tpu.memory_space<semaphore_mem>>)
    %scan3A = arith.constant 0 : i32
    %scan3A_52 = arith.constant 2 : i32
    %scan3A_53 = arith.addi %scan3A, %scan3A_52 : i32
    %scan3A_54 = arith.constant 1 : i32
    scf.for %scan3A_80 = %scan3A to %scan3A_53 step %scan3A_54  : i32 {
      %mul3A_81 = arith.constant 1 : i32
      %mul3A_82 = arith.muli %scan3A_80, %mul3A_81 : i32
      %add3A_83 = arith.constant 0 : i32
      %add3A_84 = arith.addi %add3A_83, %mul3A_82 : i32
      %mul3A_85 = arith.constant 2 : i32
      %mul3A_86 = arith.muli %mul3A_85, %add3A_84 : i32
      %add3A_87 = arith.constant 0 : i32
      %add3A_88 = arith.addi %mul3A_86, %add3A_87 : i32
      %dma_wait3A_89 = arith.constant 0 : i32
      %dma_wait3A_90 = arith.constant 0 : i32
      %dma_wait3A_91 = tpu.memref_slice %arg4[%dma_wait3A_89, %dma_wait3A_90] : memref<100000x128xf32, #tpu.memory_space<hbm>> -> memref<128x128xf32, #tpu.memory_space<hbm>>
      %dma_wait3A_92 = arith.constant 0 : i32
      %dma_wait3A_93 = arith.constant 0 : i32
      %dma_wait3A_94 = tpu.memref_slice %arg4[%dma_wait3A_92, %dma_wait3A_93] : memref<100000x128xf32, #tpu.memory_space<hbm>> -> memref<128x128xf32, #tpu.memory_space<hbm>>
      tpu.wait_dma2 semaphore(%arg15 : memref<!tpu.dma_semaphore, #tpu.memory_space<semaphore_mem>>) src(%dma_wait3A_94 : memref<128x128xf32, #tpu.memory_space<hbm>>) dst(%arg9 : memref<128x128xf32, #tpu.memory_space<vmem>>)
      %dma_wait3A_95 = arith.constant 0 : i32
      %dma_wait3A_96 = arith.constant 0 : i32
      %dma_wait3A_97 = tpu.memref_slice %arg5[%dma_wait3A_95, %dma_wait3A_96] : memref<100000x128xf32, #tpu.memory_space<hbm>> -> memref<128x128xf32, #tpu.memory_space<hbm>>
      %dma_wait3A_98 = arith.constant 0 : i32
      %dma_wait3A_99 = arith.constant 0 : i32
      %dma_wait3A_100 = tpu.memref_slice %arg5[%dma_wait3A_98, %dma_wait3A_99] : memref<100000x128xf32, #tpu.memory_space<hbm>> -> memref<128x128xf32, #tpu.memory_space<hbm>>
      tpu.wait_dma2 semaphore(%arg17 : memref<!tpu.dma_semaphore, #tpu.memory_space<semaphore_mem>>) src(%dma_wait3A_100 : memref<128x128xf32, #tpu.memory_space<hbm>>) dst(%arg11 : memref<128x128xf32, #tpu.memory_space<vmem>>)
      %scan3A_101 = arith.constant 0 : i32
      %scan3A_102 = arith.constant 8 : i32
      %scan3A_103 = arith.addi %scan3A_101, %scan3A_102 : i32
      %scan3A_104 = arith.constant 1 : i32
      scf.for %scan3A_156 = %scan3A_101 to %scan3A_103 step %scan3A_104  : i32 {
        %mul3A_157 = arith.constant 1 : i32
        %mul3A_158 = arith.muli %scan3A_156, %mul3A_157 : i32
        %add3A_159 = arith.constant 0 : i32
        %add3A_160 = arith.addi %add3A_159, %mul3A_158 : i32
        %mul3A_161 = arith.constant 16 : i32
        %mul3A_162 = arith.muli %add3A_160, %mul3A_161 : i32
        %get3A = arith.index_cast %mul3A_162 : i32 to index
        %get3A_163 = arith.constant 0 : index
        %get3A_164 = tpu.vector_load %arg9[%get3A, %get3A_163] {strides = array<i32>} : memref<128x128xf32, #tpu.memory_space<vmem>>, vector<16xf32>,
        %get3A_165 = arith.index_cast %mul3A_162 : i32 to index
        %get3A_166 = arith.constant 0 : index
        %get3A_167 = tpu.vector_load %arg11[%get3A_165, %get3A_166] {strides = array<i32>} : memref<128x128xf32, #tpu.memory_space<vmem>>, vector<16xf32>,
        %get3A_168 = arith.index_cast %mul3A_162 : i32 to index
        %get3A_169 = arith.constant 16 : index
        %get3A_170 = tpu.vector_load %arg9[%get3A_168, %get3A_169] {strides = array<i32>} : memref<128x128xf32, #tpu.memory_space<vmem>>, vector<16xf32>,
        %get3A_171 = arith.index_cast %mul3A_162 : i32 to index
        %get3A_172 = arith.constant 16 : index
        %get3A_173 = tpu.vector_load %arg11[%get3A_171, %get3A_172] {strides = array<i32>} : memref<128x128xf32, #tpu.memory_space<vmem>>, vector<16xf32>,
        %get3A_174 = arith.index_cast %mul3A_162 : i32 to index
        %get3A_175 = arith.constant 32 : index
        %get3A_176 = tpu.vector_load %arg9[%get3A_174, %get3A_175] {strides = array<i32>} : memref<128x128xf32, #tpu.memory_space<vmem>>, vector<16xf32>,
        %get3A_177 = arith.index_cast %mul3A_162 : i32 to index
        %get3A_178 = arith.constant 32 : index
        %get3A_179 = tpu.vector_load %arg11[%get3A_177, %get3A_178] {strides = array<i32>} : memref<128x128xf32, #tpu.memory_space<vmem>>, vector<16xf32>,
        %get3A_180 = arith.index_cast %mul3A_162 : i32 to index
        %get3A_181 = arith.constant 48 : index
        %get3A_182 = tpu.vector_load %arg9[%get3A_180, %get3A_181] {strides = array<i32>} : memref<128x128xf32, #tpu.memory_space<vmem>>, vector<16xf32>,
        %get3A_183 = arith.index_cast %mul3A_162 : i32 to index
        %get3A_184 = arith.constant 48 : index
        %get3A_185 = tpu.vector_load %arg11[%get3A_183, %get3A_184] {strides = array<i32>} : memref<128x128xf32, #tpu.memory_space<vmem>>, vector<16xf32>,
        %get3A_186 = arith.index_cast %mul3A_162 : i32 to index
        %get3A_187 = arith.constant 64 : index
        %get3A_188 = tpu.vector_load %arg9[%get3A_186, %get3A_187] {strides = array<i32>} : memref<128x128xf32, #tpu.memory_space<vmem>>, vector<16xf32>,
        %get3A_189 = arith.index_cast %mul3A_162 : i32 to index
        %get3A_190 = arith.constant 64 : index
        %get3A_191 = tpu.vector_load %arg11[%get3A_189, %get3A_190] {strides = array<i32>} : memref<128x128xf32, #tpu.memory_space<vmem>>, vector<16xf32>,
        %get3A_192 = arith.index_cast %mul3A_162 : i32 to index
        %get3A_193 = arith.constant 80 : index
        %get3A_194 = tpu.vector_load %arg9[%get3A_192, %get3A_193] {strides = array<i32>} : memref<128x128xf32, #tpu.memory_space<vmem>>, vector<16xf32>,
        %get3A_195 = arith.index_cast %mul3A_162 : i32 to index
        %get3A_196 = arith.constant 80 : index
        %get3A_197 = tpu.vector_load %arg11[%get3A_195, %get3A_196] {strides = array<i32>} : memref<128x128xf32, #tpu.memory_space<vmem>>, vector<16xf32>,
        %get3A_198 = arith.index_cast %mul3A_162 : i32 to index
        %get3A_199 = arith.constant 96 : index
        %get3A_200 = tpu.vector_load %arg9[%get3A_198, %get3A_199] {strides = array<i32>} : memref<128x128xf32, #tpu.memory_space<vmem>>, vector<16xf32>,
        %get3A_201 = arith.index_cast %mul3A_162 : i32 to index
        %get3A_202 = arith.constant 96 : index
        %get3A_203 = tpu.vector_load %arg11[%get3A_201, %get3A_202] {strides = array<i32>} : memref<128x128xf32, #tpu.memory_space<vmem>>, vector<16xf32>,
        %get3A_204 = arith.index_cast %mul3A_162 : i32 to index
        %get3A_205 = arith.constant 112 : index
        %get3A_206 = tpu.vector_load %arg9[%get3A_204, %get3A_205] {strides = array<i32>} : memref<128x128xf32, #tpu.memory_space<vmem>>, vector<16xf32>,
        %get3A_207 = arith.index_cast %mul3A_162 : i32 to index
        %get3A_208 = arith.constant 112 : index
        %get3A_209 = tpu.vector_load %arg11[%get3A_207, %get3A_208] {strides = array<i32>} : memref<128x128xf32, #tpu.memory_space<vmem>>, vector<16xf32>,
        %mul3A_210 = arith.constant 16 : i32
        %mul3A_211 = arith.muli %add3A_160, %mul3A_210 : i32
        %add3A_212 = arith.constant 0 : i32
        %add3A_213 = arith.addi %mul3A_211, %add3A_212 : i32
        %add3A_214 = arith.constant 1 : i32
        %add3A_215 = arith.addi %add3A_213, %add3A_214 : i32
        %get3A_216 = arith.index_cast %add3A_215 : i32 to index
        %get3A_217 = arith.constant 0 : index
        %get3A_218 = tpu.vector_load %arg9[%get3A_216, %get3A_217] {strides = array<i32>} : memref<128x128xf32, #tpu.memory_space<vmem>>, vector<16xf32>,
        %get3A_219 = arith.index_cast %add3A_215 : i32 to index
        %get3A_220 = arith.constant 0 : index
        %get3A_221 = tpu.vector_load %arg11[%get3A_219, %get3A_220] {strides = array<i32>} : memref<128x128xf32, #tpu.memory_space<vmem>>, vector<16xf32>,
        %get3A_222 = arith.index_cast %add3A_215 : i32 to index
        %get3A_223 = arith.constant 16 : index
        %get3A_224 = tpu.vector_load %arg9[%get3A_222, %get3A_223] {strides = array<i32>} : memref<128x128xf32, #tpu.memory_space<vmem>>, vector<16xf32>,
        %get3A_225 = arith.index_cast %add3A_215 : i32 to index
        %get3A_226 = arith.constant 16 : index
        %get3A_227 = tpu.vector_load %arg11[%get3A_225, %get3A_226] {strides = array<i32>} : memref<128x128xf32, #tpu.memory_space<vmem>>, vector<16xf32>,
        %get3A_228 = arith.index_cast %add3A_215 : i32 to index
        %get3A_229 = arith.constant 32 : index
        %get3A_230 = tpu.vector_load %arg9[%get3A_228, %get3A_229] {strides = array<i32>} : memref<128x128xf32, #tpu.memory_space<vmem>>, vector<16xf32>,
        %get3A_231 = arith.index_cast %add3A_215 : i32 to index
        %get3A_232 = arith.constant 32 : index
        %get3A_233 = tpu.vector_load %arg11[%get3A_231, %get3A_232] {strides = array<i32>} : memref<128x128xf32, #tpu.memory_space<vmem>>, vector<16xf32>,
        %get3A_234 = arith.index_cast %add3A_215 : i32 to index
        %get3A_235 = arith.constant 48 : index
        %get3A_236 = tpu.vector_load %arg9[%get3A_234, %get3A_235] {strides = array<i32>} : memref<128x128xf32, #tpu.memory_space<vmem>>, vector<16xf32>,
        %get3A_237 = arith.index_cast %add3A_215 : i32 to index
        %get3A_238 = arith.constant 48 : index
        %get3A_239 = tpu.vector_load %arg11[%get3A_237, %get3A_238] {strides = array<i32>} : memref<128x128xf32, #tpu.memory_space<vmem>>, vector<16xf32>,
        %get3A_240 = arith.index_cast %add3A_215 : i32 to index
        %get3A_241 = arith.constant 64 : index
        %get3A_242 = tpu.vector_load %arg9[%get3A_240, %get3A_241] {strides = array<i32>} : memref<128x128xf32, #tpu.memory_space<vmem>>, vector<16xf32>,
        %get3A_243 = arith.index_cast %add3A_215 : i32 to index
        %get3A_244 = arith.constant 64 : index
        %get3A_245 = tpu.vector_load %arg11[%get3A_243, %get3A_244] {strides = array<i32>} : memref<128x128xf32, #tpu.memory_space<vmem>>, vector<16xf32>,
        %get3A_246 = arith.index_cast %add3A_215 : i32 to index
        %get3A_247 = arith.constant 80 : index
        %get3A_248 = tpu.vector_load %arg9[%get3A_246, %get3A_247] {strides = array<i32>} : memref<128x128xf32, #tpu.memory_space<vmem>>, vector<16xf32>,
        %get3A_249 = arith.index_cast %add3A_215 : i32 to index
        %get3A_250 = arith.constant 80 : index
        %get3A_251 = tpu.vector_load %arg11[%get3A_249, %get3A_250] {strides = array<i32>} : memref<128x128xf32, #tpu.memory_space<vmem>>, vector<16xf32>,
        %get3A_252 = arith.index_cast %add3A_215 : i32 to index
        %get3A_253 = arith.constant 96 : index
        %get3A_254 = tpu.vector_load %arg9[%get3A_252, %get3A_253] {strides = array<i32>} : memref<128x128xf32, #tpu.memory_space<vmem>>, vector<16xf32>,
        %get3A_255 = arith.index_cast %add3A_215 : i32 to index
        %get3A_256 = arith.constant 96 : index
        %get3A_257 = tpu.vector_load %arg11[%get3A_255, %get3A_256] {strides = array<i32>} : memref<128x128xf32, #tpu.memory_space<vmem>>, vector<16xf32>,
        %get3A_258 = arith.index_cast %add3A_215 : i32 to index
        %get3A_259 = arith.constant 112 : index
        %get3A_260 = tpu.vector_load %arg9[%get3A_258, %get3A_259] {strides = array<i32>} : memref<128x128xf32, #tpu.memory_space<vmem>>, vector<16xf32>,
        %get3A_261 = arith.index_cast %add3A_215 : i32 to index
        %get3A_262 = arith.constant 112 : index
        %get3A_263 = tpu.vector_load %arg11[%get3A_261, %get3A_262] {strides = array<i32>} : memref<128x128xf32, #tpu.memory_space<vmem>>, vector<16xf32>,
        %mul3A_264 = arith.mulf %get3A_164, %get3A_167 : vector<16xf32>
        %mul3A_265 = arith.mulf %get3A_170, %get3A_173 : vector<16xf32>
        %mul3A_266 = arith.mulf %get3A_176, %get3A_179 : vector<16xf32>
        %mul3A_267 = arith.mulf %get3A_182, %get3A_185 : vector<16xf32>
        %mul3A_268 = arith.mulf %get3A_188, %get3A_191 : vector<16xf32>
        %mul3A_269 = arith.mulf %get3A_194, %get3A_197 : vector<16xf32>
        %mul3A_270 = arith.mulf %get3A_200, %get3A_203 : vector<16xf32>
        %mul3A_271 = arith.mulf %get3A_206, %get3A_209 : vector<16xf32>
        %add3A_272 = arith.addf %mul3A_264, %mul3A_265 : vector<16xf32>
        %add3A_273 = arith.addf %mul3A_266, %mul3A_267 : vector<16xf32>
        %add3A_274 = arith.addf %mul3A_268, %mul3A_269 : vector<16xf32>
        %add3A_275 = arith.addf %mul3A_270, %mul3A_271 : vector<16xf32>
        %add3A_276 = arith.addf %add3A_272, %add3A_273 : vector<16xf32>
        %add3A_277 = arith.addf %add3A_274, %add3A_275 : vector<16xf32>
        %add3A_278 = arith.addf %add3A_276, %add3A_277 : vector<16xf32>
        %swap3A = arith.constant 0 : index
        %swap3A_279 = tpu.vector_load %arg14[%swap3A] {strides = array<i32>} : memref<272xf32, #tpu.memory_space<vmem>>, vector<16xf32>,
        tpu.vector_store %arg14[%swap3A], %add3A_278 {strides = array<i32>} : memref<272xf32, #tpu.memory_space<vmem>>, vector<16xf32>,
        %mul3A_280 = arith.constant 16 : i32
        %mul3A_281 = arith.muli %add3A_160, %mul3A_280 : i32
        %add3A_282 = arith.constant 1 : i32
        %add3A_283 = arith.addi %mul3A_281, %add3A_282 : i32
        %add3A_284 = arith.constant 1 : i32
        %add3A_285 = arith.addi %add3A_283, %add3A_284 : i32
        %get3A_286 = arith.index_cast %add3A_285 : i32 to index
        %get3A_287 = arith.constant 0 : index
        %get3A_288 = tpu.vector_load %arg9[%get3A_286, %get3A_287] {strides = array<i32>} : memref<128x128xf32, #tpu.memory_space<vmem>>, vector<16xf32>,
        %get3A_289 = arith.index_cast %add3A_285 : i32 to index
        %get3A_290 = arith.constant 0 : index
        %get3A_291 = tpu.vector_load %arg11[%get3A_289, %get3A_290] {strides = array<i32>} : memref<128x128xf32, #tpu.memory_space<vmem>>, vector<16xf32>,
        %get3A_292 = arith.index_cast %add3A_285 : i32 to index
        %get3A_293 = arith.constant 16 : index
        %get3A_294 = tpu.vector_load %arg9[%get3A_292, %get3A_293] {strides = array<i32>} : memref<128x128xf32, #tpu.memory_space<vmem>>, vector<16xf32>,
        %get3A_295 = arith.index_cast %add3A_285 : i32 to index
        %get3A_296 = arith.constant 16 : index
        %get3A_297 = tpu.vector_load %arg11[%get3A_295, %get3A_296] {strides = array<i32>} : memref<128x128xf32, #tpu.memory_space<vmem>>, vector<16xf32>,
        %get3A_298 = arith.index_cast %add3A_285 : i32 to index
        %get3A_299 = arith.constant 32 : index
        %get3A_300 = tpu.vector_load %arg9[%get3A_298, %get3A_299] {strides = array<i32>} : memref<128x128xf32, #tpu.memory_space<vmem>>, vector<16xf32>,
        %get3A_301 = arith.index_cast %add3A_285 : i32 to index
        %get3A_302 = arith.constant 32 : index
        %get3A_303 = tpu.vector_load %arg11[%get3A_301, %get3A_302] {strides = array<i32>} : memref<128x128xf32, #tpu.memory_space<vmem>>, vector<16xf32>,
        %get3A_304 = arith.index_cast %add3A_285 : i32 to index
        %get3A_305 = arith.constant 48 : index
        %get3A_306 = tpu.vector_load %arg9[%get3A_304, %get3A_305] {strides = array<i32>} : memref<128x128xf32, #tpu.memory_space<vmem>>, vector<16xf32>,
        %get3A_307 = arith.index_cast %add3A_285 : i32 to index
        %get3A_308 = arith.constant 48 : index
        %get3A_309 = tpu.vector_load %arg11[%get3A_307, %get3A_308] {strides = array<i32>} : memref<128x128xf32, #tpu.memory_space<vmem>>, vector<16xf32>,
        %get3A_310 = arith.index_cast %add3A_285 : i32 to index
        %get3A_311 = arith.constant 64 : index
        %get3A_312 = tpu.vector_load %arg9[%get3A_310, %get3A_311] {strides = array<i32>} : memref<128x128xf32, #tpu.memory_space<vmem>>, vector<16xf32>,
        %get3A_313 = arith.index_cast %add3A_285 : i32 to index
        %get3A_314 = arith.constant 64 : index
        %get3A_315 = tpu.vector_load %arg11[%get3A_313, %get3A_314] {strides = array<i32>} : memref<128x128xf32, #tpu.memory_space<vmem>>, vector<16xf32>,
        %get3A_316 = arith.index_cast %add3A_285 : i32 to index
        %get3A_317 = arith.constant 80 : index
        %get3A_318 = tpu.vector_load %arg9[%get3A_316, %get3A_317] {strides = array<i32>} : memref<128x128xf32, #tpu.memory_space<vmem>>, vector<16xf32>,
        %get3A_319 = arith.index_cast %add3A_285 : i32 to index
        %get3A_320 = arith.constant 80 : index
        %get3A_321 = tpu.vector_load %arg11[%get3A_319, %get3A_320] {strides = array<i32>} : memref<128x128xf32, #tpu.memory_space<vmem>>, vector<16xf32>,
        %get3A_322 = arith.index_cast %add3A_285 : i32 to index
        %get3A_323 = arith.constant 96 : index
        %get3A_324 = tpu.vector_load %arg9[%get3A_322, %get3A_323] {strides = array<i32>} : memref<128x128xf32, #tpu.memory_space<vmem>>, vector<16xf32>,
        %get3A_325 = arith.index_cast %add3A_285 : i32 to index
        %get3A_326 = arith.constant 96 : index
        %get3A_327 = tpu.vector_load %arg11[%get3A_325, %get3A_326] {strides = array<i32>} : memref<128x128xf32, #tpu.memory_space<vmem>>, vector<16xf32>,
        %get3A_328 = arith.index_cast %add3A_285 : i32 to index
        %get3A_329 = arith.constant 112 : index
        %get3A_330 = tpu.vector_load %arg9[%get3A_328, %get3A_329] {strides = array<i32>} : memref<128x128xf32, #tpu.memory_space<vmem>>, vector<16xf32>,
        %get3A_331 = arith.index_cast %add3A_285 : i32 to index
        %get3A_332 = arith.constant 112 : index
        %get3A_333 = tpu.vector_load %arg11[%get3A_331, %get3A_332] {strides = array<i32>} : memref<128x128xf32, #tpu.memory_space<vmem>>, vector<16xf32>,
        %mul3A_334 = arith.mulf %get3A_218, %get3A_221 : vector<16xf32>
        %mul3A_335 = arith.mulf %get3A_224, %get3A_227 : vector<16xf32>
        %mul3A_336 = arith.mulf %get3A_230, %get3A_233 : vector<16xf32>
        %mul3A_337 = arith.mulf %get3A_236, %get3A_239 : vector<16xf32>
        %mul3A_338 = arith.mulf %get3A_242, %get3A_245 : vector<16xf32>
        %mul3A_339 = arith.mulf %get3A_248, %get3A_251 : vector<16xf32>
        %mul3A_340 = arith.mulf %get3A_254, %get3A_257 : vector<16xf32>
        %mul3A_341 = arith.mulf %get3A_260, %get3A_263 : vector<16xf32>
        %add3A_342 = arith.addf %mul3A_334, %mul3A_335 : vector<16xf32>
        %add3A_343 = arith.addf %mul3A_336, %mul3A_337 : vector<16xf32>
        %add3A_344 = arith.addf %mul3A_338, %mul3A_339 : vector<16xf32>
        %add3A_345 = arith.addf %mul3A_340, %mul3A_341 : vector<16xf32>
        %add3A_346 = arith.addf %add3A_342, %add3A_343 : vector<16xf32>
        %add3A_347 = arith.addf %add3A_344, %add3A_345 : vector<16xf32>
        %add3A_348 = arith.addf %add3A_346, %add3A_347 : vector<16xf32>
        %swap3A_349 = arith.constant 17 : index
        %swap3A_350 = tpu.vector_load %arg14[%swap3A_349] {strides = array<i32>} : memref<272xf32, #tpu.memory_space<vmem>>, vector<16xf32>,
        tpu.vector_store %arg14[%swap3A_349], %add3A_348 {strides = array<i32>} : memref<272xf32, #tpu.memory_space<vmem>>, vector<16xf32>,
        %mul3A_351 = arith.constant 16 : i32
        %mul3A_352 = arith.muli %add3A_160, %mul3A_351 : i32
        %add3A_353 = arith.constant 2 : i32
        %add3A_354 = arith.addi %mul3A_352, %add3A_353 : i32
        %add3A_355 = arith.constant 1 : i32
        %add3A_356 = arith.addi %add3A_354, %add3A_355 : i32
        %get3A_357 = arith.index_cast %add3A_356 : i32 to index
        %get3A_358 = arith.constant 0 : index
        %get3A_359 = tpu.vector_load %arg9[%get3A_357, %get3A_358] {strides = array<i32>} : memref<128x128xf32, #tpu.memory_space<vmem>>, vector<16xf32>,
        %get3A_360 = arith.index_cast %add3A_356 : i32 to index
        %get3A_361 = arith.constant 0 : index
        %get3A_362 = tpu.vector_load %arg11[%get3A_360, %get3A_361] {strides = array<i32>} : memref<128x128xf32, #tpu.memory_space<vmem>>, vector<16xf32>,
        %get3A_363 = arith.index_cast %add3A_356 : i32 to index
        %get3A_364 = arith.constant 16 : index
        %get3A_365 = tpu.vector_load %arg9[%get3A_363, %get3A_364] {strides = array<i32>} : memref<128x128xf32, #tpu.memory_space<vmem>>, vector<16xf32>,
        %get3A_366 = arith.index_cast %add3A_356 : i32 to index
        %get3A_367 = arith.constant 16 : index
        %get3A_368 = tpu.vector_load %arg11[%get3A_366, %get3A_367] {strides = array<i32>} : memref<128x128xf32, #tpu.memory_space<vmem>>, vector<16xf32>,
        %get3A_369 = arith.index_cast %add3A_356 : i32 to index
        %get3A_370 = arith.constant 32 : index
        %get3A_371 = tpu.vector_load %arg9[%get3A_369, %get3A_370] {strides = array<i32>} : memref<128x128xf32, #tpu.memory_space<vmem>>, vector<16xf32>,
        %get3A_372 = arith.index_cast %add3A_356 : i32 to index
        %get3A_373 = arith.constant 32 : index
        %get3A_374 = tpu.vector_load %arg11[%get3A_372, %get3A_373] {strides = array<i32>} : memref<128x128xf32, #tpu.memory_space<vmem>>, vector<16xf32>,
        %get3A_375 = arith.index_cast %add3A_356 : i32 to index
        %get3A_376 = arith.constant 48 : index
        %get3A_377 = tpu.vector_load %arg9[%get3A_375, %get3A_376] {strides = array<i32>} : memref<128x128xf32, #tpu.memory_space<vmem>>, vector<16xf32>,
        %get3A_378 = arith.index_cast %add3A_356 : i32 to index
        %get3A_379 = arith.constant 48 : index
        %get3A_380 = tpu.vector_load %arg11[%get3A_378, %get3A_379] {strides = array<i32>} : memref<128x128xf32, #tpu.memory_space<vmem>>, vector<16xf32>,
        %get3A_381 = arith.index_cast %add3A_356 : i32 to index
        %get3A_382 = arith.constant 64 : index
        %get3A_383 = tpu.vector_load %arg9[%get3A_381, %get3A_382] {strides = array<i32>} : memref<128x128xf32, #tpu.memory_space<vmem>>, vector<16xf32>,
        %get3A_384 = arith.index_cast %add3A_356 : i32 to index
        %get3A_385 = arith.constant 64 : index
        %get3A_386 = tpu.vector_load %arg11[%get3A_384, %get3A_385] {strides = array<i32>} : memref<128x128xf32, #tpu.memory_space<vmem>>, vector<16xf32>,
        %get3A_387 = arith.index_cast %add3A_356 : i32 to index
        %get3A_388 = arith.constant 80 : index
        %get3A_389 = tpu.vector_load %arg9[%get3A_387, %get3A_388] {strides = array<i32>} : memref<128x128xf32, #tpu.memory_space<vmem>>, vector<16xf32>,
        %get3A_390 = arith.index_cast %add3A_356 : i32 to index
        %get3A_391 = arith.constant 80 : index
        %get3A_392 = tpu.vector_load %arg11[%get3A_390, %get3A_391] {strides = array<i32>} : memref<128x128xf32, #tpu.memory_space<vmem>>, vector<16xf32>,
        %get3A_393 = arith.index_cast %add3A_356 : i32 to index
        %get3A_394 = arith.constant 96 : index
        %get3A_395 = tpu.vector_load %arg9[%get3A_393, %get3A_394] {strides = array<i32>} : memref<128x128xf32, #tpu.memory_space<vmem>>, vector<16xf32>,
        %get3A_396 = arith.index_cast %add3A_356 : i32 to index
        %get3A_397 = arith.constant 96 : index
        %get3A_398 = tpu.vector_load %arg11[%get3A_396, %get3A_397] {strides = array<i32>} : memref<128x128xf32, #tpu.memory_space<vmem>>, vector<16xf32>,
        %get3A_399 = arith.index_cast %add3A_356 : i32 to index
        %get3A_400 = arith.constant 112 : index
        %get3A_401 = tpu.vector_load %arg9[%get3A_399, %get3A_400] {strides = array<i32>} : memref<128x128xf32, #tpu.memory_space<vmem>>, vector<16xf32>,
        %get3A_402 = arith.index_cast %add3A_356 : i32 to index
        %get3A_403 = arith.constant 112 : index
        %get3A_404 = tpu.vector_load %arg11[%get3A_402, %get3A_403] {strides = array<i32>} : memref<128x128xf32, #tpu.memory_space<vmem>>, vector<16xf32>,
        %mul3A_405 = arith.mulf %get3A_288, %get3A_291 : vector<16xf32>
        %mul3A_406 = arith.mulf %get3A_294, %get3A_297 : vector<16xf32>
        %mul3A_407 = arith.mulf %get3A_300, %get3A_303 : vector<16xf32>
        %mul3A_408 = arith.mulf %get3A_306, %get3A_309 : vector<16xf32>
        %mul3A_409 = arith.mulf %get3A_312, %get3A_315 : vector<16xf32>
        %mul3A_410 = arith.mulf %get3A_318, %get3A_321 : vector<16xf32>
        %mul3A_411 = arith.mulf %get3A_324, %get3A_327 : vector<16xf32>
        %mul3A_412 = arith.mulf %get3A_330, %get3A_333 : vector<16xf32>
        %add3A_413 = arith.addf %mul3A_405, %mul3A_406 : vector<16xf32>
        %add3A_414 = arith.addf %mul3A_407, %mul3A_408 : vector<16xf32>
        %add3A_415 = arith.addf %mul3A_409, %mul3A_410 : vector<16xf32>
        %add3A_416 = arith.addf %mul3A_411, %mul3A_412 : vector<16xf32>
        %add3A_417 = arith.addf %add3A_413, %add3A_414 : vector<16xf32>
        %add3A_418 = arith.addf %add3A_415, %add3A_416 : vector<16xf32>
        %add3A_419 = arith.addf %add3A_417, %add3A_418 : vector<16xf32>
        %swap3A_420 = arith.constant 34 : index
        %swap3A_421 = tpu.vector_load %arg14[%swap3A_420] {strides = array<i32>} : memref<272xf32, #tpu.memory_space<vmem>>, vector<16xf32>,
        tpu.vector_store %arg14[%swap3A_420], %add3A_419 {strides = array<i32>} : memref<272xf32, #tpu.memory_space<vmem>>, vector<16xf32>,
        %mul3A_422 = arith.constant 16 : i32
        %mul3A_423 = arith.muli %add3A_160, %mul3A_422 : i32
        %add3A_424 = arith.constant 3 : i32
        %add3A_425 = arith.addi %mul3A_423, %add3A_424 : i32
        %add3A_426 = arith.constant 1 : i32
        %add3A_427 = arith.addi %add3A_425, %add3A_426 : i32
        %get3A_428 = arith.index_cast %add3A_427 : i32 to index
        %get3A_429 = arith.constant 0 : index
        %get3A_430 = tpu.vector_load %arg9[%get3A_428, %get3A_429] {strides = array<i32>} : memref<128x128xf32, #tpu.memory_space<vmem>>, vector<16xf32>,
        %get3A_431 = arith.index_cast %add3A_427 : i32 to index
        %get3A_432 = arith.constant 0 : index
        %get3A_433 = tpu.vector_load %arg11[%get3A_431, %get3A_432] {strides = array<i32>} : memref<128x128xf32, #tpu.memory_space<vmem>>, vector<16xf32>,
        %get3A_434 = arith.index_cast %add3A_427 : i32 to index
        %get3A_435 = arith.constant 16 : index
        %get3A_436 = tpu.vector_load %arg9[%get3A_434, %get3A_435] {strides = array<i32>} : memref<128x128xf32, #tpu.memory_space<vmem>>, vector<16xf32>,
        %get3A_437 = arith.index_cast %add3A_427 : i32 to index
        %get3A_438 = arith.constant 16 : index
        %get3A_439 = tpu.vector_load %arg11[%get3A_437, %get3A_438] {strides = array<i32>} : memref<128x128xf32, #tpu.memory_space<vmem>>, vector<16xf32>,
        %get3A_440 = arith.index_cast %add3A_427 : i32 to index
        %get3A_441 = arith.constant 32 : index
        %get3A_442 = tpu.vector_load %arg9[%get3A_440, %get3A_441] {strides = array<i32>} : memref<128x128xf32, #tpu.memory_space<vmem>>, vector<16xf32>,
        %get3A_443 = arith.index_cast %add3A_427 : i32 to index
        %get3A_444 = arith.constant 32 : index
        %get3A_445 = tpu.vector_load %arg11[%get3A_443, %get3A_444] {strides = array<i32>} : memref<128x128xf32, #tpu.memory_space<vmem>>, vector<16xf32>,
        %get3A_446 = arith.index_cast %add3A_427 : i32 to index
        %get3A_447 = arith.constant 48 : index
        %get3A_448 = tpu.vector_load %arg9[%get3A_446, %get3A_447] {strides = array<i32>} : memref<128x128xf32, #tpu.memory_space<vmem>>, vector<16xf32>,
        %get3A_449 = arith.index_cast %add3A_427 : i32 to index
        %get3A_450 = arith.constant 48 : index
        %get3A_451 = tpu.vector_load %arg11[%get3A_449, %get3A_450] {strides = array<i32>} : memref<128x128xf32, #tpu.memory_space<vmem>>, vector<16xf32>,
        %get3A_452 = arith.index_cast %add3A_427 : i32 to index
        %get3A_453 = arith.constant 64 : index
        %get3A_454 = tpu.vector_load %arg9[%get3A_452, %get3A_453] {strides = array<i32>} : memref<128x128xf32, #tpu.memory_space<vmem>>, vector<16xf32>,
        %get3A_455 = arith.index_cast %add3A_427 : i32 to index
        %get3A_456 = arith.constant 64 : index
        %get3A_457 = tpu.vector_load %arg11[%get3A_455, %get3A_456] {strides = array<i32>} : memref<128x128xf32, #tpu.memory_space<vmem>>, vector<16xf32>,
        %get3A_458 = arith.index_cast %add3A_427 : i32 to index
        %get3A_459 = arith.constant 80 : index
        %get3A_460 = tpu.vector_load %arg9[%get3A_458, %get3A_459] {strides = array<i32>} : memref<128x128xf32, #tpu.memory_space<vmem>>, vector<16xf32>,
        %get3A_461 = arith.index_cast %add3A_427 : i32 to index
        %get3A_462 = arith.constant 80 : index
        %get3A_463 = tpu.vector_load %arg11[%get3A_461, %get3A_462] {strides = array<i32>} : memref<128x128xf32, #tpu.memory_space<vmem>>, vector<16xf32>,
        %get3A_464 = arith.index_cast %add3A_427 : i32 to index
        %get3A_465 = arith.constant 96 : index
        %get3A_466 = tpu.vector_load %arg9[%get3A_464, %get3A_465] {strides = array<i32>} : memref<128x128xf32, #tpu.memory_space<vmem>>, vector<16xf32>,
        %get3A_467 = arith.index_cast %add3A_427 : i32 to index
        %get3A_468 = arith.constant 96 : index
        %get3A_469 = tpu.vector_load %arg11[%get3A_467, %get3A_468] {strides = array<i32>} : memref<128x128xf32, #tpu.memory_space<vmem>>, vector<16xf32>,
        %get3A_470 = arith.index_cast %add3A_427 : i32 to index
        %get3A_471 = arith.constant 112 : index
        %get3A_472 = tpu.vector_load %arg9[%get3A_470, %get3A_471] {strides = array<i32>} : memref<128x128xf32, #tpu.memory_space<vmem>>, vector<16xf32>,
        %get3A_473 = arith.index_cast %add3A_427 : i32 to index
        %get3A_474 = arith.constant 112 : index
        %get3A_475 = tpu.vector_load %arg11[%get3A_473, %get3A_474] {strides = array<i32>} : memref<128x128xf32, #tpu.memory_space<vmem>>, vector<16xf32>,
        %mul3A_476 = arith.mulf %get3A_359, %get3A_362 : vector<16xf32>
        %mul3A_477 = arith.mulf %get3A_365, %get3A_368 : vector<16xf32>
        %mul3A_478 = arith.mulf %get3A_371, %get3A_374 : vector<16xf32>
        %mul3A_479 = arith.mulf %get3A_377, %get3A_380 : vector<16xf32>
        %mul3A_480 = arith.mulf %get3A_383, %get3A_386 : vector<16xf32>
        %mul3A_481 = arith.mulf %get3A_389, %get3A_392 : vector<16xf32>
        %mul3A_482 = arith.mulf %get3A_395, %get3A_398 : vector<16xf32>
        %mul3A_483 = arith.mulf %get3A_401, %get3A_404 : vector<16xf32>
        %add3A_484 = arith.addf %mul3A_476, %mul3A_477 : vector<16xf32>
        %add3A_485 = arith.addf %mul3A_478, %mul3A_479 : vector<16xf32>
        %add3A_486 = arith.addf %mul3A_480, %mul3A_481 : vector<16xf32>
        %add3A_487 = arith.addf %mul3A_482, %mul3A_483 : vector<16xf32>
        %add3A_488 = arith.addf %add3A_484, %add3A_485 : vector<16xf32>
        %add3A_489 = arith.addf %add3A_486, %add3A_487 : vector<16xf32>
        %add3A_490 = arith.addf %add3A_488, %add3A_489 : vector<16xf32>
        %swap3A_491 = arith.constant 51 : index
        %swap3A_492 = tpu.vector_load %arg14[%swap3A_491] {strides = array<i32>} : memref<272xf32, #tpu.memory_space<vmem>>, vector<16xf32>,
        tpu.vector_store %arg14[%swap3A_491], %add3A_490 {strides = array<i32>} : memref<272xf32, #tpu.memory_space<vmem>>, vector<16xf32>,
        %mul3A_493 = arith.constant 16 : i32
        %mul3A_494 = arith.muli %add3A_160, %mul3A_493 : i32
        %add3A_495 = arith.constant 4 : i32
        %add3A_496 = arith.addi %mul3A_494, %add3A_495 : i32
        %add3A_497 = arith.constant 1 : i32
        %add3A_498 = arith.addi %add3A_496, %add3A_497 : i32
        %get3A_499 = arith.index_cast %add3A_498 : i32 to index
        %get3A_500 = arith.constant 0 : index
        %get3A_501 = tpu.vector_load %arg9[%get3A_499, %get3A_500] {strides = array<i32>} : memref<128x128xf32, #tpu.memory_space<vmem>>, vector<16xf32>,
        %get3A_502 = arith.index_cast %add3A_498 : i32 to index
        %get3A_503 = arith.constant 0 : index
        %get3A_504 = tpu.vector_load %arg11[%get3A_502, %get3A_503] {strides = array<i32>} : memref<128x128xf32, #tpu.memory_space<vmem>>, vector<16xf32>,
        %get3A_505 = arith.index_cast %add3A_498 : i32 to index
        %get3A_506 = arith.constant 16 : index
        %get3A_507 = tpu.vector_load %arg9[%get3A_505, %get3A_506] {strides = array<i32>} : memref<128x128xf32, #tpu.memory_space<vmem>>, vector<16xf32>,
        %get3A_508 = arith.index_cast %add3A_498 : i32 to index
        %get3A_509 = arith.constant 16 : index
        %get3A_510 = tpu.vector_load %arg11[%get3A_508, %get3A_509] {strides = array<i32>} : memref<128x128xf32, #tpu.memory_space<vmem>>, vector<16xf32>,
        %get3A_511 = arith.index_cast %add3A_498 : i32 to index
        %get3A_512 = arith.constant 32 : index
        %get3A_513 = tpu.vector_load %arg9[%get3A_511, %get3A_512] {strides = array<i32>} : memref<128x128xf32, #tpu.memory_space<vmem>>, vector<16xf32>,
        %get3A_514 = arith.index_cast %add3A_498 : i32 to index
        %get3A_515 = arith.constant 32 : index
        %get3A_516 = tpu.vector_load %arg11[%get3A_514, %get3A_515] {strides = array<i32>} : memref<128x128xf32, #tpu.memory_space<vmem>>, vector<16xf32>,
        %get3A_517 = arith.index_cast %add3A_498 : i32 to index
        %get3A_518 = arith.constant 48 : index
        %get3A_519 = tpu.vector_load %arg9[%get3A_517, %get3A_518] {strides = array<i32>} : memref<128x128xf32, #tpu.memory_space<vmem>>, vector<16xf32>,
        %get3A_520 = arith.index_cast %add3A_498 : i32 to index
        %get3A_521 = arith.constant 48 : index
        %get3A_522 = tpu.vector_load %arg11[%get3A_520, %get3A_521] {strides = array<i32>} : memref<128x128xf32, #tpu.memory_space<vmem>>, vector<16xf32>,
        %get3A_523 = arith.index_cast %add3A_498 : i32 to index
        %get3A_524 = arith.constant 64 : index
        %get3A_525 = tpu.vector_load %arg9[%get3A_523, %get3A_524] {strides = array<i32>} : memref<128x128xf32, #tpu.memory_space<vmem>>, vector<16xf32>,
        %get3A_526 = arith.index_cast %add3A_498 : i32 to index
        %get3A_527 = arith.constant 64 : index
        %get3A_528 = tpu.vector_load %arg11[%get3A_526, %get3A_527] {strides = array<i32>} : memref<128x128xf32, #tpu.memory_space<vmem>>, vector<16xf32>,
        %get3A_529 = arith.index_cast %add3A_498 : i32 to index
        %get3A_530 = arith.constant 80 : index
        %get3A_531 = tpu.vector_load %arg9[%get3A_529, %get3A_530] {strides = array<i32>} : memref<128x128xf32, #tpu.memory_space<vmem>>, vector<16xf32>,
        %get3A_532 = arith.index_cast %add3A_498 : i32 to index
        %get3A_533 = arith.constant 80 : index
        %get3A_534 = tpu.vector_load %arg11[%get3A_532, %get3A_533] {strides = array<i32>} : memref<128x128xf32, #tpu.memory_space<vmem>>, vector<16xf32>,
        %get3A_535 = arith.index_cast %add3A_498 : i32 to index
        %get3A_536 = arith.constant 96 : index
        %get3A_537 = tpu.vector_load %arg9[%get3A_535, %get3A_536] {strides = array<i32>} : memref<128x128xf32, #tpu.memory_space<vmem>>, vector<16xf32>,
        %get3A_538 = arith.index_cast %add3A_498 : i32 to index
        %get3A_539 = arith.constant 96 : index
        %get3A_540 = tpu.vector_load %arg11[%get3A_538, %get3A_539] {strides = array<i32>} : memref<128x128xf32, #tpu.memory_space<vmem>>, vector<16xf32>,
        %get3A_541 = arith.index_cast %add3A_498 : i32 to index
        %get3A_542 = arith.constant 112 : index
        %get3A_543 = tpu.vector_load %arg9[%get3A_541, %get3A_542] {strides = array<i32>} : memref<128x128xf32, #tpu.memory_space<vmem>>, vector<16xf32>,
        %get3A_544 = arith.index_cast %add3A_498 : i32 to index
        %get3A_545 = arith.constant 112 : index
        %get3A_546 = tpu.vector_load %arg11[%get3A_544, %get3A_545] {strides = array<i32>} : memref<128x128xf32, #tpu.memory_space<vmem>>, vector<16xf32>,
        %mul3A_547 = arith.mulf %get3A_430, %get3A_433 : vector<16xf32>
        %mul3A_548 = arith.mulf %get3A_436, %get3A_439 : vector<16xf32>
        %mul3A_549 = arith.mulf %get3A_442, %get3A_445 : vector<16xf32>
        %mul3A_550 = arith.mulf %get3A_448, %get3A_451 : vector<16xf32>
        %mul3A_551 = arith.mulf %get3A_454, %get3A_457 : vector<16xf32>
        %mul3A_552 = arith.mulf %get3A_460, %get3A_463 : vector<16xf32>
        %mul3A_553 = arith.mulf %get3A_466, %get3A_469 : vector<16xf32>
        %mul3A_554 = arith.mulf %get3A_472, %get3A_475 : vector<16xf32>
        %add3A_555 = arith.addf %mul3A_547, %mul3A_548 : vector<16xf32>
        %add3A_556 = arith.addf %mul3A_549, %mul3A_550 : vector<16xf32>
        %add3A_557 = arith.addf %mul3A_551, %mul3A_552 : vector<16xf32>
        %add3A_558 = arith.addf %mul3A_553, %mul3A_554 : vector<16xf32>
        %add3A_559 = arith.addf %add3A_555, %add3A_556 : vector<16xf32>
        %add3A_560 = arith.addf %add3A_557, %add3A_558 : vector<16xf32>
        %add3A_561 = arith.addf %add3A_559, %add3A_560 : vector<16xf32>
        %swap3A_562 = arith.constant 68 : index
        %swap3A_563 = tpu.vector_load %arg14[%swap3A_562] {strides = array<i32>} : memref<272xf32, #tpu.memory_space<vmem>>, vector<16xf32>,
        tpu.vector_store %arg14[%swap3A_562], %add3A_561 {strides = array<i32>} : memref<272xf32, #tpu.memory_space<vmem>>, vector<16xf32>,
        %mul3A_564 = arith.constant 16 : i32
        %mul3A_565 = arith.muli %add3A_160, %mul3A_564 : i32
        %add3A_566 = arith.constant 5 : i32
        %add3A_567 = arith.addi %mul3A_565, %add3A_566 : i32
        %add3A_568 = arith.constant 1 : i32
        %add3A_569 = arith.addi %add3A_567, %add3A_568 : i32
        %get3A_570 = arith.index_cast %add3A_569 : i32 to index
        %get3A_571 = arith.constant 0 : index
        %get3A_572 = tpu.vector_load %arg9[%get3A_570, %get3A_571] {strides = array<i32>} : memref<128x128xf32, #tpu.memory_space<vmem>>, vector<16xf32>,
        %get3A_573 = arith.index_cast %add3A_569 : i32 to index
        %get3A_574 = arith.constant 0 : index
        %get3A_575 = tpu.vector_load %arg11[%get3A_573, %get3A_574] {strides = array<i32>} : memref<128x128xf32, #tpu.memory_space<vmem>>, vector<16xf32>,
        %get3A_576 = arith.index_cast %add3A_569 : i32 to index
        %get3A_577 = arith.constant 16 : index
        %get3A_578 = tpu.vector_load %arg9[%get3A_576, %get3A_577] {strides = array<i32>} : memref<128x128xf32, #tpu.memory_space<vmem>>, vector<16xf32>,
        %get3A_579 = arith.index_cast %add3A_569 : i32 to index
        %get3A_580 = arith.constant 16 : index
        %get3A_581 = tpu.vector_load %arg11[%get3A_579, %get3A_580] {strides = array<i32>} : memref<128x128xf32, #tpu.memory_space<vmem>>, vector<16xf32>,
        %get3A_582 = arith.index_cast %add3A_569 : i32 to index
        %get3A_583 = arith.constant 32 : index
        %get3A_584 = tpu.vector_load %arg9[%get3A_582, %get3A_583] {strides = array<i32>} : memref<128x128xf32, #tpu.memory_space<vmem>>, vector<16xf32>,
        %get3A_585 = arith.index_cast %add3A_569 : i32 to index
        %get3A_586 = arith.constant 32 : index
        %get3A_587 = tpu.vector_load %arg11[%get3A_585, %get3A_586] {strides = array<i32>} : memref<128x128xf32, #tpu.memory_space<vmem>>, vector<16xf32>,
        %get3A_588 = arith.index_cast %add3A_569 : i32 to index
        %get3A_589 = arith.constant 48 : index
        %get3A_590 = tpu.vector_load %arg9[%get3A_588, %get3A_589] {strides = array<i32>} : memref<128x128xf32, #tpu.memory_space<vmem>>, vector<16xf32>,
        %get3A_591 = arith.index_cast %add3A_569 : i32 to index
        %get3A_592 = arith.constant 48 : index
        %get3A_593 = tpu.vector_load %arg11[%get3A_591, %get3A_592] {strides = array<i32>} : memref<128x128xf32, #tpu.memory_space<vmem>>, vector<16xf32>,
        %get3A_594 = arith.index_cast %add3A_569 : i32 to index
        %get3A_595 = arith.constant 64 : index
        %get3A_596 = tpu.vector_load %arg9[%get3A_594, %get3A_595] {strides = array<i32>} : memref<128x128xf32, #tpu.memory_space<vmem>>, vector<16xf32>,
        %get3A_597 = arith.index_cast %add3A_569 : i32 to index
        %get3A_598 = arith.constant 64 : index
        %get3A_599 = tpu.vector_load %arg11[%get3A_597, %get3A_598] {strides = array<i32>} : memref<128x128xf32, #tpu.memory_space<vmem>>, vector<16xf32>,
        %get3A_600 = arith.index_cast %add3A_569 : i32 to index
        %get3A_601 = arith.constant 80 : index
        %get3A_602 = tpu.vector_load %arg9[%get3A_600, %get3A_601] {strides = array<i32>} : memref<128x128xf32, #tpu.memory_space<vmem>>, vector<16xf32>,
        %get3A_603 = arith.index_cast %add3A_569 : i32 to index
        %get3A_604 = arith.constant 80 : index
        %get3A_605 = tpu.vector_load %arg11[%get3A_603, %get3A_604] {strides = array<i32>} : memref<128x128xf32, #tpu.memory_space<vmem>>, vector<16xf32>,
        %get3A_606 = arith.index_cast %add3A_569 : i32 to index
        %get3A_607 = arith.constant 96 : index
        %get3A_608 = tpu.vector_load %arg9[%get3A_606, %get3A_607] {strides = array<i32>} : memref<128x128xf32, #tpu.memory_space<vmem>>, vector<16xf32>,
        %get3A_609 = arith.index_cast %add3A_569 : i32 to index
        %get3A_610 = arith.constant 96 : index
        %get3A_611 = tpu.vector_load %arg11[%get3A_609, %get3A_610] {strides = array<i32>} : memref<128x128xf32, #tpu.memory_space<vmem>>, vector<16xf32>,
        %get3A_612 = arith.index_cast %add3A_569 : i32 to index
        %get3A_613 = arith.constant 112 : index
        %get3A_614 = tpu.vector_load %arg9[%get3A_612, %get3A_613] {strides = array<i32>} : memref<128x128xf32, #tpu.memory_space<vmem>>, vector<16xf32>,
        %get3A_615 = arith.index_cast %add3A_569 : i32 to index
        %get3A_616 = arith.constant 112 : index
        %get3A_617 = tpu.vector_load %arg11[%get3A_615, %get3A_616] {strides = array<i32>} : memref<128x128xf32, #tpu.memory_space<vmem>>, vector<16xf32>,
        %mul3A_618 = arith.mulf %get3A_501, %get3A_504 : vector<16xf32>
        %mul3A_619 = arith.mulf %get3A_507, %get3A_510 : vector<16xf32>
        %mul3A_620 = arith.mulf %get3A_513, %get3A_516 : vector<16xf32>
        %mul3A_621 = arith.mulf %get3A_519, %get3A_522 : vector<16xf32>
        %mul3A_622 = arith.mulf %get3A_525, %get3A_528 : vector<16xf32>
        %mul3A_623 = arith.mulf %get3A_531, %get3A_534 : vector<16xf32>
        %mul3A_624 = arith.mulf %get3A_537, %get3A_540 : vector<16xf32>
        %mul3A_625 = arith.mulf %get3A_543, %get3A_546 : vector<16xf32>
        %add3A_626 = arith.addf %mul3A_618, %mul3A_619 : vector<16xf32>
        %add3A_627 = arith.addf %mul3A_620, %mul3A_621 : vector<16xf32>
        %add3A_628 = arith.addf %mul3A_622, %mul3A_623 : vector<16xf32>
        %add3A_629 = arith.addf %mul3A_624, %mul3A_625 : vector<16xf32>
        %add3A_630 = arith.addf %add3A_626, %add3A_627 : vector<16xf32>
        %add3A_631 = arith.addf %add3A_628, %add3A_629 : vector<16xf32>
        %add3A_632 = arith.addf %add3A_630, %add3A_631 : vector<16xf32>
        %swap3A_633 = arith.constant 85 : index
        %swap3A_634 = tpu.vector_load %arg14[%swap3A_633] {strides = array<i32>} : memref<272xf32, #tpu.memory_space<vmem>>, vector<16xf32>,
        tpu.vector_store %arg14[%swap3A_633], %add3A_632 {strides = array<i32>} : memref<272xf32, #tpu.memory_space<vmem>>, vector<16xf32>,
        %mul3A_635 = arith.constant 16 : i32
        %mul3A_636 = arith.muli %add3A_160, %mul3A_635 : i32
        %add3A_637 = arith.constant 6 : i32
        %add3A_638 = arith.addi %mul3A_636, %add3A_637 : i32
        %add3A_639 = arith.constant 1 : i32
        %add3A_640 = arith.addi %add3A_638, %add3A_639 : i32
        %get3A_641 = arith.index_cast %add3A_640 : i32 to index
        %get3A_642 = arith.constant 0 : index
        %get3A_643 = tpu.vector_load %arg9[%get3A_641, %get3A_642] {strides = array<i32>} : memref<128x128xf32, #tpu.memory_space<vmem>>, vector<16xf32>,
        %get3A_644 = arith.index_cast %add3A_640 : i32 to index
        %get3A_645 = arith.constant 0 : index
        %get3A_646 = tpu.vector_load %arg11[%get3A_644, %get3A_645] {strides = array<i32>} : memref<128x128xf32, #tpu.memory_space<vmem>>, vector<16xf32>,
        %get3A_647 = arith.index_cast %add3A_640 : i32 to index
        %get3A_648 = arith.constant 16 : index
        %get3A_649 = tpu.vector_load %arg9[%get3A_647, %get3A_648] {strides = array<i32>} : memref<128x128xf32, #tpu.memory_space<vmem>>, vector<16xf32>,
        %get3A_650 = arith.index_cast %add3A_640 : i32 to index
        %get3A_651 = arith.constant 16 : index
        %get3A_652 = tpu.vector_load %arg11[%get3A_650, %get3A_651] {strides = array<i32>} : memref<128x128xf32, #tpu.memory_space<vmem>>, vector<16xf32>,
        %get3A_653 = arith.index_cast %add3A_640 : i32 to index
        %get3A_654 = arith.constant 32 : index
        %get3A_655 = tpu.vector_load %arg9[%get3A_653, %get3A_654] {strides = array<i32>} : memref<128x128xf32, #tpu.memory_space<vmem>>, vector<16xf32>,
        %get3A_656 = arith.index_cast %add3A_640 : i32 to index
        %get3A_657 = arith.constant 32 : index
        %get3A_658 = tpu.vector_load %arg11[%get3A_656, %get3A_657] {strides = array<i32>} : memref<128x128xf32, #tpu.memory_space<vmem>>, vector<16xf32>,
        %get3A_659 = arith.index_cast %add3A_640 : i32 to index
        %get3A_660 = arith.constant 48 : index
        %get3A_661 = tpu.vector_load %arg9[%get3A_659, %get3A_660] {strides = array<i32>} : memref<128x128xf32, #tpu.memory_space<vmem>>, vector<16xf32>,
        %get3A_662 = arith.index_cast %add3A_640 : i32 to index
        %get3A_663 = arith.constant 48 : index
        %get3A_664 = tpu.vector_load %arg11[%get3A_662, %get3A_663] {strides = array<i32>} : memref<128x128xf32, #tpu.memory_space<vmem>>, vector<16xf32>,
        %get3A_665 = arith.index_cast %add3A_640 : i32 to index
        %get3A_666 = arith.constant 64 : index
        %get3A_667 = tpu.vector_load %arg9[%get3A_665, %get3A_666] {strides = array<i32>} : memref<128x128xf32, #tpu.memory_space<vmem>>, vector<16xf32>,
        %get3A_668 = arith.index_cast %add3A_640 : i32 to index
        %get3A_669 = arith.constant 64 : index
        %get3A_670 = tpu.vector_load %arg11[%get3A_668, %get3A_669] {strides = array<i32>} : memref<128x128xf32, #tpu.memory_space<vmem>>, vector<16xf32>,
        %get3A_671 = arith.index_cast %add3A_640 : i32 to index
        %get3A_672 = arith.constant 80 : index
        %get3A_673 = tpu.vector_load %arg9[%get3A_671, %get3A_672] {strides = array<i32>} : memref<128x128xf32, #tpu.memory_space<vmem>>, vector<16xf32>,
        %get3A_674 = arith.index_cast %add3A_640 : i32 to index
        %get3A_675 = arith.constant 80 : index
        %get3A_676 = tpu.vector_load %arg11[%get3A_674, %get3A_675] {strides = array<i32>} : memref<128x128xf32, #tpu.memory_space<vmem>>, vector<16xf32>,
        %get3A_677 = arith.index_cast %add3A_640 : i32 to index
        %get3A_678 = arith.constant 96 : index
        %get3A_679 = tpu.vector_load %arg9[%get3A_677, %get3A_678] {strides = array<i32>} : memref<128x128xf32, #tpu.memory_space<vmem>>, vector<16xf32>,
        %get3A_680 = arith.index_cast %add3A_640 : i32 to index
        %get3A_681 = arith.constant 96 : index
        %get3A_682 = tpu.vector_load %arg11[%get3A_680, %get3A_681] {strides = array<i32>} : memref<128x128xf32, #tpu.memory_space<vmem>>, vector<16xf32>,
        %get3A_683 = arith.index_cast %add3A_640 : i32 to index
        %get3A_684 = arith.constant 112 : index
        %get3A_685 = tpu.vector_load %arg9[%get3A_683, %get3A_684] {strides = array<i32>} : memref<128x128xf32, #tpu.memory_space<vmem>>, vector<16xf32>,
        %get3A_686 = arith.index_cast %add3A_640 : i32 to index
        %get3A_687 = arith.constant 112 : index
        %get3A_688 = tpu.vector_load %arg11[%get3A_686, %get3A_687] {strides = array<i32>} : memref<128x128xf32, #tpu.memory_space<vmem>>, vector<16xf32>,
        %mul3A_689 = arith.mulf %get3A_572, %get3A_575 : vector<16xf32>
        %mul3A_690 = arith.mulf %get3A_578, %get3A_581 : vector<16xf32>
        %mul3A_691 = arith.mulf %get3A_584, %get3A_587 : vector<16xf32>
        %mul3A_692 = arith.mulf %get3A_590, %get3A_593 : vector<16xf32>
        %mul3A_693 = arith.mulf %get3A_596, %get3A_599 : vector<16xf32>
        %mul3A_694 = arith.mulf %get3A_602, %get3A_605 : vector<16xf32>
        %mul3A_695 = arith.mulf %get3A_608, %get3A_611 : vector<16xf32>
        %mul3A_696 = arith.mulf %get3A_614, %get3A_617 : vector<16xf32>
        %add3A_697 = arith.addf %mul3A_689, %mul3A_690 : vector<16xf32>
        %add3A_698 = arith.addf %mul3A_691, %mul3A_692 : vector<16xf32>
        %add3A_699 = arith.addf %mul3A_693, %mul3A_694 : vector<16xf32>
        %add3A_700 = arith.addf %mul3A_695, %mul3A_696 : vector<16xf32>
        %add3A_701 = arith.addf %add3A_697, %add3A_698 : vector<16xf32>
        %add3A_702 = arith.addf %add3A_699, %add3A_700 : vector<16xf32>
        %add3A_703 = arith.addf %add3A_701, %add3A_702 : vector<16xf32>
        %swap3A_704 = arith.constant 102 : index
        %swap3A_705 = tpu.vector_load %arg14[%swap3A_704] {strides = array<i32>} : memref<272xf32, #tpu.memory_space<vmem>>, vector<16xf32>,
        tpu.vector_store %arg14[%swap3A_704], %add3A_703 {strides = array<i32>} : memref<272xf32, #tpu.memory_space<vmem>>, vector<16xf32>,
        %mul3A_706 = arith.constant 16 : i32
        %mul3A_707 = arith.muli %add3A_160, %mul3A_706 : i32
        %add3A_708 = arith.constant 7 : i32
        %add3A_709 = arith.addi %mul3A_707, %add3A_708 : i32
        %add3A_710 = arith.constant 1 : i32
        %add3A_711 = arith.addi %add3A_709, %add3A_710 : i32
        %get3A_712 = arith.index_cast %add3A_711 : i32 to index
        %get3A_713 = arith.constant 0 : index
        %get3A_714 = tpu.vector_load %arg9[%get3A_712, %get3A_713] {strides = array<i32>} : memref<128x128xf32, #tpu.memory_space<vmem>>, vector<16xf32>,
        %get3A_715 = arith.index_cast %add3A_711 : i32 to index
        %get3A_716 = arith.constant 0 : index
        %get3A_717 = tpu.vector_load %arg11[%get3A_715, %get3A_716] {strides = array<i32>} : memref<128x128xf32, #tpu.memory_space<vmem>>, vector<16xf32>,
        %get3A_718 = arith.index_cast %add3A_711 : i32 to index
        %get3A_719 = arith.constant 16 : index
        %get3A_720 = tpu.vector_load %arg9[%get3A_718, %get3A_719] {strides = array<i32>} : memref<128x128xf32, #tpu.memory_space<vmem>>, vector<16xf32>,
        %get3A_721 = arith.index_cast %add3A_711 : i32 to index
        %get3A_722 = arith.constant 16 : index
        %get3A_723 = tpu.vector_load %arg11[%get3A_721, %get3A_722] {strides = array<i32>} : memref<128x128xf32, #tpu.memory_space<vmem>>, vector<16xf32>,
        %get3A_724 = arith.index_cast %add3A_711 : i32 to index
        %get3A_725 = arith.constant 32 : index
        %get3A_726 = tpu.vector_load %arg9[%get3A_724, %get3A_725] {strides = array<i32>} : memref<128x128xf32, #tpu.memory_space<vmem>>, vector<16xf32>,
        %get3A_727 = arith.index_cast %add3A_711 : i32 to index
        %get3A_728 = arith.constant 32 : index
        %get3A_729 = tpu.vector_load %arg11[%get3A_727, %get3A_728] {strides = array<i32>} : memref<128x128xf32, #tpu.memory_space<vmem>>, vector<16xf32>,
        %get3A_730 = arith.index_cast %add3A_711 : i32 to index
        %get3A_731 = arith.constant 48 : index
        %get3A_732 = tpu.vector_load %arg9[%get3A_730, %get3A_731] {strides = array<i32>} : memref<128x128xf32, #tpu.memory_space<vmem>>, vector<16xf32>,
        %get3A_733 = arith.index_cast %add3A_711 : i32 to index
        %get3A_734 = arith.constant 48 : index
        %get3A_735 = tpu.vector_load %arg11[%get3A_733, %get3A_734] {strides = array<i32>} : memref<128x128xf32, #tpu.memory_space<vmem>>, vector<16xf32>,
        %get3A_736 = arith.index_cast %add3A_711 : i32 to index
        %get3A_737 = arith.constant 64 : index
        %get3A_738 = tpu.vector_load %arg9[%get3A_736, %get3A_737] {strides = array<i32>} : memref<128x128xf32, #tpu.memory_space<vmem>>, vector<16xf32>,
        %get3A_739 = arith.index_cast %add3A_711 : i32 to index
        %get3A_740 = arith.constant 64 : index
        %get3A_741 = tpu.vector_load %arg11[%get3A_739, %get3A_740] {strides = array<i32>} : memref<128x128xf32, #tpu.memory_space<vmem>>, vector<16xf32>,
        %get3A_742 = arith.index_cast %add3A_711 : i32 to index
        %get3A_743 = arith.constant 80 : index
        %get3A_744 = tpu.vector_load %arg9[%get3A_742, %get3A_743] {strides = array<i32>} : memref<128x128xf32, #tpu.memory_space<vmem>>, vector<16xf32>,
        %get3A_745 = arith.index_cast %add3A_711 : i32 to index
        %get3A_746 = arith.constant 80 : index
        %get3A_747 = tpu.vector_load %arg11[%get3A_745, %get3A_746] {strides = array<i32>} : memref<128x128xf32, #tpu.memory_space<vmem>>, vector<16xf32>,
        %get3A_748 = arith.index_cast %add3A_711 : i32 to index
        %get3A_749 = arith.constant 96 : index
        %get3A_750 = tpu.vector_load %arg9[%get3A_748, %get3A_749] {strides = array<i32>} : memref<128x128xf32, #tpu.memory_space<vmem>>, vector<16xf32>,
        %get3A_751 = arith.index_cast %add3A_711 : i32 to index
        %get3A_752 = arith.constant 96 : index
        %get3A_753 = tpu.vector_load %arg11[%get3A_751, %get3A_752] {strides = array<i32>} : memref<128x128xf32, #tpu.memory_space<vmem>>, vector<16xf32>,
        %get3A_754 = arith.index_cast %add3A_711 : i32 to index
        %get3A_755 = arith.constant 112 : index
        %get3A_756 = tpu.vector_load %arg9[%get3A_754, %get3A_755] {strides = array<i32>} : memref<128x128xf32, #tpu.memory_space<vmem>>, vector<16xf32>,
        %get3A_757 = arith.index_cast %add3A_711 : i32 to index
        %get3A_758 = arith.constant 112 : index
        %get3A_759 = tpu.vector_load %arg11[%get3A_757, %get3A_758] {strides = array<i32>} : memref<128x128xf32, #tpu.memory_space<vmem>>, vector<16xf32>,
        %mul3A_760 = arith.mulf %get3A_643, %get3A_646 : vector<16xf32>
        %mul3A_761 = arith.mulf %get3A_649, %get3A_652 : vector<16xf32>
        %mul3A_762 = arith.mulf %get3A_655, %get3A_658 : vector<16xf32>
        %mul3A_763 = arith.mulf %get3A_661, %get3A_664 : vector<16xf32>
        %mul3A_764 = arith.mulf %get3A_667, %get3A_670 : vector<16xf32>
        %mul3A_765 = arith.mulf %get3A_673, %get3A_676 : vector<16xf32>
        %mul3A_766 = arith.mulf %get3A_679, %get3A_682 : vector<16xf32>
        %mul3A_767 = arith.mulf %get3A_685, %get3A_688 : vector<16xf32>
        %add3A_768 = arith.addf %mul3A_760, %mul3A_761 : vector<16xf32>
        %add3A_769 = arith.addf %mul3A_762, %mul3A_763 : vector<16xf32>
        %add3A_770 = arith.addf %mul3A_764, %mul3A_765 : vector<16xf32>
        %add3A_771 = arith.addf %mul3A_766, %mul3A_767 : vector<16xf32>
        %add3A_772 = arith.addf %add3A_768, %add3A_769 : vector<16xf32>
        %add3A_773 = arith.addf %add3A_770, %add3A_771 : vector<16xf32>
        %add3A_774 = arith.addf %add3A_772, %add3A_773 : vector<16xf32>
        %swap3A_775 = arith.constant 119 : index
        %swap3A_776 = tpu.vector_load %arg14[%swap3A_775] {strides = array<i32>} : memref<272xf32, #tpu.memory_space<vmem>>, vector<16xf32>,
        tpu.vector_store %arg14[%swap3A_775], %add3A_774 {strides = array<i32>} : memref<272xf32, #tpu.memory_space<vmem>>, vector<16xf32>,
        %mul3A_777 = arith.constant 16 : i32
        %mul3A_778 = arith.muli %add3A_160, %mul3A_777 : i32
        %add3A_779 = arith.constant 8 : i32
        %add3A_780 = arith.addi %mul3A_778, %add3A_779 : i32
        %add3A_781 = arith.constant 1 : i32
        %add3A_782 = arith.addi %add3A_780, %add3A_781 : i32
        %get3A_783 = arith.index_cast %add3A_782 : i32 to index
        %get3A_784 = arith.constant 0 : index
        %get3A_785 = tpu.vector_load %arg9[%get3A_783, %get3A_784] {strides = array<i32>} : memref<128x128xf32, #tpu.memory_space<vmem>>, vector<16xf32>,
        %get3A_786 = arith.index_cast %add3A_782 : i32 to index
        %get3A_787 = arith.constant 0 : index
        %get3A_788 = tpu.vector_load %arg11[%get3A_786, %get3A_787] {strides = array<i32>} : memref<128x128xf32, #tpu.memory_space<vmem>>, vector<16xf32>,
        %get3A_789 = arith.index_cast %add3A_782 : i32 to index
        %get3A_790 = arith.constant 16 : index
        %get3A_791 = tpu.vector_load %arg9[%get3A_789, %get3A_790] {strides = array<i32>} : memref<128x128xf32, #tpu.memory_space<vmem>>, vector<16xf32>,
        %get3A_792 = arith.index_cast %add3A_782 : i32 to index
        %get3A_793 = arith.constant 16 : index
        %get3A_794 = tpu.vector_load %arg11[%get3A_792, %get3A_793] {strides = array<i32>} : memref<128x128xf32, #tpu.memory_space<vmem>>, vector<16xf32>,
        %get3A_795 = arith.index_cast %add3A_782 : i32 to index
        %get3A_796 = arith.constant 32 : index
        %get3A_797 = tpu.vector_load %arg9[%get3A_795, %get3A_796] {strides = array<i32>} : memref<128x128xf32, #tpu.memory_space<vmem>>, vector<16xf32>,
        %get3A_798 = arith.index_cast %add3A_782 : i32 to index
        %get3A_799 = arith.constant 32 : index
        %get3A_800 = tpu.vector_load %arg11[%get3A_798, %get3A_799] {strides = array<i32>} : memref<128x128xf32, #tpu.memory_space<vmem>>, vector<16xf32>,
        %get3A_801 = arith.index_cast %add3A_782 : i32 to index
        %get3A_802 = arith.constant 48 : index
        %get3A_803 = tpu.vector_load %arg9[%get3A_801, %get3A_802] {strides = array<i32>} : memref<128x128xf32, #tpu.memory_space<vmem>>, vector<16xf32>,
        %get3A_804 = arith.index_cast %add3A_782 : i32 to index
        %get3A_805 = arith.constant 48 : index
        %get3A_806 = tpu.vector_load %arg11[%get3A_804, %get3A_805] {strides = array<i32>} : memref<128x128xf32, #tpu.memory_space<vmem>>, vector<16xf32>,
        %get3A_807 = arith.index_cast %add3A_782 : i32 to index
        %get3A_808 = arith.constant 64 : index
        %get3A_809 = tpu.vector_load %arg9[%get3A_807, %get3A_808] {strides = array<i32>} : memref<128x128xf32, #tpu.memory_space<vmem>>, vector<16xf32>,
        %get3A_810 = arith.index_cast %add3A_782 : i32 to index
        %get3A_811 = arith.constant 64 : index
        %get3A_812 = tpu.vector_load %arg11[%get3A_810, %get3A_811] {strides = array<i32>} : memref<128x128xf32, #tpu.memory_space<vmem>>, vector<16xf32>,
        %get3A_813 = arith.index_cast %add3A_782 : i32 to index
        %get3A_814 = arith.constant 80 : index
        %get3A_815 = tpu.vector_load %arg9[%get3A_813, %get3A_814] {strides = array<i32>} : memref<128x128xf32, #tpu.memory_space<vmem>>, vector<16xf32>,
        %get3A_816 = arith.index_cast %add3A_782 : i32 to index
        %get3A_817 = arith.constant 80 : index
        %get3A_818 = tpu.vector_load %arg11[%get3A_816, %get3A_817] {strides = array<i32>} : memref<128x128xf32, #tpu.memory_space<vmem>>, vector<16xf32>,
        %get3A_819 = arith.index_cast %add3A_782 : i32 to index
        %get3A_820 = arith.constant 96 : index
        %get3A_821 = tpu.vector_load %arg9[%get3A_819, %get3A_820] {strides = array<i32>} : memref<128x128xf32, #tpu.memory_space<vmem>>, vector<16xf32>,
        %get3A_822 = arith.index_cast %add3A_782 : i32 to index
        %get3A_823 = arith.constant 96 : index
        %get3A_824 = tpu.vector_load %arg11[%get3A_822, %get3A_823] {strides = array<i32>} : memref<128x128xf32, #tpu.memory_space<vmem>>, vector<16xf32>,
        %get3A_825 = arith.index_cast %add3A_782 : i32 to index
        %get3A_826 = arith.constant 112 : index
        %get3A_827 = tpu.vector_load %arg9[%get3A_825, %get3A_826] {strides = array<i32>} : memref<128x128xf32, #tpu.memory_space<vmem>>, vector<16xf32>,
        %get3A_828 = arith.index_cast %add3A_782 : i32 to index
        %get3A_829 = arith.constant 112 : index
        %get3A_830 = tpu.vector_load %arg11[%get3A_828, %get3A_829] {strides = array<i32>} : memref<128x128xf32, #tpu.memory_space<vmem>>, vector<16xf32>,
        %mul3A_831 = arith.mulf %get3A_714, %get3A_717 : vector<16xf32>
        %mul3A_832 = arith.mulf %get3A_720, %get3A_723 : vector<16xf32>
        %mul3A_833 = arith.mulf %get3A_726, %get3A_729 : vector<16xf32>
        %mul3A_834 = arith.mulf %get3A_732, %get3A_735 : vector<16xf32>
        %mul3A_835 = arith.mulf %get3A_738, %get3A_741 : vector<16xf32>
        %mul3A_836 = arith.mulf %get3A_744, %get3A_747 : vector<16xf32>
        %mul3A_837 = arith.mulf %get3A_750, %get3A_753 : vector<16xf32>
        %mul3A_838 = arith.mulf %get3A_756, %get3A_759 : vector<16xf32>
        %add3A_839 = arith.addf %mul3A_831, %mul3A_832 : vector<16xf32>
        %add3A_840 = arith.addf %mul3A_833, %mul3A_834 : vector<16xf32>
        %add3A_841 = arith.addf %mul3A_835, %mul3A_836 : vector<16xf32>
        %add3A_842 = arith.addf %mul3A_837, %mul3A_838 : vector<16xf32>
        %add3A_843 = arith.addf %add3A_839, %add3A_840 : vector<16xf32>
        %add3A_844 = arith.addf %add3A_841, %add3A_842 : vector<16xf32>
        %add3A_845 = arith.addf %add3A_843, %add3A_844 : vector<16xf32>
        %swap3A_846 = arith.constant 136 : index
        %swap3A_847 = tpu.vector_load %arg14[%swap3A_846] {strides = array<i32>} : memref<272xf32, #tpu.memory_space<vmem>>, vector<16xf32>,
        tpu.vector_store %arg14[%swap3A_846], %add3A_845 {strides = array<i32>} : memref<272xf32, #tpu.memory_space<vmem>>, vector<16xf32>,
        %mul3A_848 = arith.constant 16 : i32
        %mul3A_849 = arith.muli %add3A_160, %mul3A_848 : i32
        %add3A_850 = arith.constant 9 : i32
        %add3A_851 = arith.addi %mul3A_849, %add3A_850 : i32
        %add3A_852 = arith.constant 1 : i32
        %add3A_853 = arith.addi %add3A_851, %add3A_852 : i32
        %get3A_854 = arith.index_cast %add3A_853 : i32 to index
        %get3A_855 = arith.constant 0 : index
        %get3A_856 = tpu.vector_load %arg9[%get3A_854, %get3A_855] {strides = array<i32>} : memref<128x128xf32, #tpu.memory_space<vmem>>, vector<16xf32>,
        %get3A_857 = arith.index_cast %add3A_853 : i32 to index
        %get3A_858 = arith.constant 0 : index
        %get3A_859 = tpu.vector_load %arg11[%get3A_857, %get3A_858] {strides = array<i32>} : memref<128x128xf32, #tpu.memory_space<vmem>>, vector<16xf32>,
        %get3A_860 = arith.index_cast %add3A_853 : i32 to index
        %get3A_861 = arith.constant 16 : index
        %get3A_862 = tpu.vector_load %arg9[%get3A_860, %get3A_861] {strides = array<i32>} : memref<128x128xf32, #tpu.memory_space<vmem>>, vector<16xf32>,
        %get3A_863 = arith.index_cast %add3A_853 : i32 to index
        %get3A_864 = arith.constant 16 : index
        %get3A_865 = tpu.vector_load %arg11[%get3A_863, %get3A_864] {strides = array<i32>} : memref<128x128xf32, #tpu.memory_space<vmem>>, vector<16xf32>,
        %get3A_866 = arith.index_cast %add3A_853 : i32 to index
        %get3A_867 = arith.constant 32 : index
        %get3A_868 = tpu.vector_load %arg9[%get3A_866, %get3A_867] {strides = array<i32>} : memref<128x128xf32, #tpu.memory_space<vmem>>, vector<16xf32>,
        %get3A_869 = arith.index_cast %add3A_853 : i32 to index
        %get3A_870 = arith.constant 32 : index
        %get3A_871 = tpu.vector_load %arg11[%get3A_869, %get3A_870] {strides = array<i32>} : memref<128x128xf32, #tpu.memory_space<vmem>>, vector<16xf32>,
        %get3A_872 = arith.index_cast %add3A_853 : i32 to index
        %get3A_873 = arith.constant 48 : index
        %get3A_874 = tpu.vector_load %arg9[%get3A_872, %get3A_873] {strides = array<i32>} : memref<128x128xf32, #tpu.memory_space<vmem>>, vector<16xf32>,
        %get3A_875 = arith.index_cast %add3A_853 : i32 to index
        %get3A_876 = arith.constant 48 : index
        %get3A_877 = tpu.vector_load %arg11[%get3A_875, %get3A_876] {strides = array<i32>} : memref<128x128xf32, #tpu.memory_space<vmem>>, vector<16xf32>,
        %get3A_878 = arith.index_cast %add3A_853 : i32 to index
        %get3A_879 = arith.constant 64 : index
        %get3A_880 = tpu.vector_load %arg9[%get3A_878, %get3A_879] {strides = array<i32>} : memref<128x128xf32, #tpu.memory_space<vmem>>, vector<16xf32>,
        %get3A_881 = arith.index_cast %add3A_853 : i32 to index
        %get3A_882 = arith.constant 64 : index
        %get3A_883 = tpu.vector_load %arg11[%get3A_881, %get3A_882] {strides = array<i32>} : memref<128x128xf32, #tpu.memory_space<vmem>>, vector<16xf32>,
        %get3A_884 = arith.index_cast %add3A_853 : i32 to index
        %get3A_885 = arith.constant 80 : index
        %get3A_886 = tpu.vector_load %arg9[%get3A_884, %get3A_885] {strides = array<i32>} : memref<128x128xf32, #tpu.memory_space<vmem>>, vector<16xf32>,
        %get3A_887 = arith.index_cast %add3A_853 : i32 to index
        %get3A_888 = arith.constant 80 : index
        %get3A_889 = tpu.vector_load %arg11[%get3A_887, %get3A_888] {strides = array<i32>} : memref<128x128xf32, #tpu.memory_space<vmem>>, vector<16xf32>,
        %get3A_890 = arith.index_cast %add3A_853 : i32 to index
        %get3A_891 = arith.constant 96 : index
        %get3A_892 = tpu.vector_load %arg9[%get3A_890, %get3A_891] {strides = array<i32>} : memref<128x128xf32, #tpu.memory_space<vmem>>, vector<16xf32>,
        %get3A_893 = arith.index_cast %add3A_853 : i32 to index
        %get3A_894 = arith.constant 96 : index
        %get3A_895 = tpu.vector_load %arg11[%get3A_893, %get3A_894] {strides = array<i32>} : memref<128x128xf32, #tpu.memory_space<vmem>>, vector<16xf32>,
        %get3A_896 = arith.index_cast %add3A_853 : i32 to index
        %get3A_897 = arith.constant 112 : index
        %get3A_898 = tpu.vector_load %arg9[%get3A_896, %get3A_897] {strides = array<i32>} : memref<128x128xf32, #tpu.memory_space<vmem>>, vector<16xf32>,
        %get3A_899 = arith.index_cast %add3A_853 : i32 to index
        %get3A_900 = arith.constant 112 : index
        %get3A_901 = tpu.vector_load %arg11[%get3A_899, %get3A_900] {strides = array<i32>} : memref<128x128xf32, #tpu.memory_space<vmem>>, vector<16xf32>,
        %mul3A_902 = arith.mulf %get3A_785, %get3A_788 : vector<16xf32>
        %mul3A_903 = arith.mulf %get3A_791, %get3A_794 : vector<16xf32>
        %mul3A_904 = arith.mulf %get3A_797, %get3A_800 : vector<16xf32>
        %mul3A_905 = arith.mulf %get3A_803, %get3A_806 : vector<16xf32>
        %mul3A_906 = arith.mulf %get3A_809, %get3A_812 : vector<16xf32>
        %mul3A_907 = arith.mulf %get3A_815, %get3A_818 : vector<16xf32>
        %mul3A_908 = arith.mulf %get3A_821, %get3A_824 : vector<16xf32>
        %mul3A_909 = arith.mulf %get3A_827, %get3A_830 : vector<16xf32>
        %add3A_910 = arith.addf %mul3A_902, %mul3A_903 : vector<16xf32>
        %add3A_911 = arith.addf %mul3A_904, %mul3A_905 : vector<16xf32>
        %add3A_912 = arith.addf %mul3A_906, %mul3A_907 : vector<16xf32>
        %add3A_913 = arith.addf %mul3A_908, %mul3A_909 : vector<16xf32>
        %add3A_914 = arith.addf %add3A_910, %add3A_911 : vector<16xf32>
        %add3A_915 = arith.addf %add3A_912, %add3A_913 : vector<16xf32>
        %add3A_916 = arith.addf %add3A_914, %add3A_915 : vector<16xf32>
        %swap3A_917 = arith.constant 153 : index
        %swap3A_918 = tpu.vector_load %arg14[%swap3A_917] {strides = array<i32>} : memref<272xf32, #tpu.memory_space<vmem>>, vector<16xf32>,
        tpu.vector_store %arg14[%swap3A_917], %add3A_916 {strides = array<i32>} : memref<272xf32, #tpu.memory_space<vmem>>, vector<16xf32>,
        %mul3A_919 = arith.constant 16 : i32
        %mul3A_920 = arith.muli %add3A_160, %mul3A_919 : i32
        %add3A_921 = arith.constant 10 : i32
        %add3A_922 = arith.addi %mul3A_920, %add3A_921 : i32
        %add3A_923 = arith.constant 1 : i32
        %add3A_924 = arith.addi %add3A_922, %add3A_923 : i32
        %get3A_925 = arith.index_cast %add3A_924 : i32 to index
        %get3A_926 = arith.constant 0 : index
        %get3A_927 = tpu.vector_load %arg9[%get3A_925, %get3A_926] {strides = array<i32>} : memref<128x128xf32, #tpu.memory_space<vmem>>, vector<16xf32>,
        %get3A_928 = arith.index_cast %add3A_924 : i32 to index
        %get3A_929 = arith.constant 0 : index
        %get3A_930 = tpu.vector_load %arg11[%get3A_928, %get3A_929] {strides = array<i32>} : memref<128x128xf32, #tpu.memory_space<vmem>>, vector<16xf32>,
        %get3A_931 = arith.index_cast %add3A_924 : i32 to index
        %get3A_932 = arith.constant 16 : index
        %get3A_933 = tpu.vector_load %arg9[%get3A_931, %get3A_932] {strides = array<i32>} : memref<128x128xf32, #tpu.memory_space<vmem>>, vector<16xf32>,
        %get3A_934 = arith.index_cast %add3A_924 : i32 to index
        %get3A_935 = arith.constant 16 : index
        %get3A_936 = tpu.vector_load %arg11[%get3A_934, %get3A_935] {strides = array<i32>} : memref<128x128xf32, #tpu.memory_space<vmem>>, vector<16xf32>,
        %get3A_937 = arith.index_cast %add3A_924 : i32 to index
        %get3A_938 = arith.constant 32 : index
        %get3A_939 = tpu.vector_load %arg9[%get3A_937, %get3A_938] {strides = array<i32>} : memref<128x128xf32, #tpu.memory_space<vmem>>, vector<16xf32>,
        %get3A_940 = arith.index_cast %add3A_924 : i32 to index
        %get3A_941 = arith.constant 32 : index
        %get3A_942 = tpu.vector_load %arg11[%get3A_940, %get3A_941] {strides = array<i32>} : memref<128x128xf32, #tpu.memory_space<vmem>>, vector<16xf32>,
        %get3A_943 = arith.index_cast %add3A_924 : i32 to index
        %get3A_944 = arith.constant 48 : index
        %get3A_945 = tpu.vector_load %arg9[%get3A_943, %get3A_944] {strides = array<i32>} : memref<128x128xf32, #tpu.memory_space<vmem>>, vector<16xf32>,
        %get3A_946 = arith.index_cast %add3A_924 : i32 to index
        %get3A_947 = arith.constant 48 : index
        %get3A_948 = tpu.vector_load %arg11[%get3A_946, %get3A_947] {strides = array<i32>} : memref<128x128xf32, #tpu.memory_space<vmem>>, vector<16xf32>,
        %get3A_949 = arith.index_cast %add3A_924 : i32 to index
        %get3A_950 = arith.constant 64 : index
        %get3A_951 = tpu.vector_load %arg9[%get3A_949, %get3A_950] {strides = array<i32>} : memref<128x128xf32, #tpu.memory_space<vmem>>, vector<16xf32>,
        %get3A_952 = arith.index_cast %add3A_924 : i32 to index
        %get3A_953 = arith.constant 64 : index
        %get3A_954 = tpu.vector_load %arg11[%get3A_952, %get3A_953] {strides = array<i32>} : memref<128x128xf32, #tpu.memory_space<vmem>>, vector<16xf32>,
        %get3A_955 = arith.index_cast %add3A_924 : i32 to index
        %get3A_956 = arith.constant 80 : index
        %get3A_957 = tpu.vector_load %arg9[%get3A_955, %get3A_956] {strides = array<i32>} : memref<128x128xf32, #tpu.memory_space<vmem>>, vector<16xf32>,
        %get3A_958 = arith.index_cast %add3A_924 : i32 to index
        %get3A_959 = arith.constant 80 : index
        %get3A_960 = tpu.vector_load %arg11[%get3A_958, %get3A_959] {strides = array<i32>} : memref<128x128xf32, #tpu.memory_space<vmem>>, vector<16xf32>,
        %get3A_961 = arith.index_cast %add3A_924 : i32 to index
        %get3A_962 = arith.constant 96 : index
        %get3A_963 = tpu.vector_load %arg9[%get3A_961, %get3A_962] {strides = array<i32>} : memref<128x128xf32, #tpu.memory_space<vmem>>, vector<16xf32>,
        %get3A_964 = arith.index_cast %add3A_924 : i32 to index
        %get3A_965 = arith.constant 96 : index
        %get3A_966 = tpu.vector_load %arg11[%get3A_964, %get3A_965] {strides = array<i32>} : memref<128x128xf32, #tpu.memory_space<vmem>>, vector<16xf32>,
        %get3A_967 = arith.index_cast %add3A_924 : i32 to index
        %get3A_968 = arith.constant 112 : index
        %get3A_969 = tpu.vector_load %arg9[%get3A_967, %get3A_968] {strides = array<i32>} : memref<128x128xf32, #tpu.memory_space<vmem>>, vector<16xf32>,
        %get3A_970 = arith.index_cast %add3A_924 : i32 to index
        %get3A_971 = arith.constant 112 : index
        %get3A_972 = tpu.vector_load %arg11[%get3A_970, %get3A_971] {strides = array<i32>} : memref<128x128xf32, #tpu.memory_space<vmem>>, vector<16xf32>,
        %mul3A_973 = arith.mulf %get3A_856, %get3A_859 : vector<16xf32>
        %mul3A_974 = arith.mulf %get3A_862, %get3A_865 : vector<16xf32>
        %mul3A_975 = arith.mulf %get3A_868, %get3A_871 : vector<16xf32>
        %mul3A_976 = arith.mulf %get3A_874, %get3A_877 : vector<16xf32>
        %mul3A_977 = arith.mulf %get3A_880, %get3A_883 : vector<16xf32>
        %mul3A_978 = arith.mulf %get3A_886, %get3A_889 : vector<16xf32>
        %mul3A_979 = arith.mulf %get3A_892, %get3A_895 : vector<16xf32>
        %mul3A_980 = arith.mulf %get3A_898, %get3A_901 : vector<16xf32>
        %add3A_981 = arith.addf %mul3A_973, %mul3A_974 : vector<16xf32>
        %add3A_982 = arith.addf %mul3A_975, %mul3A_976 : vector<16xf32>
        %add3A_983 = arith.addf %mul3A_977, %mul3A_978 : vector<16xf32>
        %add3A_984 = arith.addf %mul3A_979, %mul3A_980 : vector<16xf32>
        %add3A_985 = arith.addf %add3A_981, %add3A_982 : vector<16xf32>
        %add3A_986 = arith.addf %add3A_983, %add3A_984 : vector<16xf32>
        %add3A_987 = arith.addf %add3A_985, %add3A_986 : vector<16xf32>
        %swap3A_988 = arith.constant 170 : index
        %swap3A_989 = tpu.vector_load %arg14[%swap3A_988] {strides = array<i32>} : memref<272xf32, #tpu.memory_space<vmem>>, vector<16xf32>,
        tpu.vector_store %arg14[%swap3A_988], %add3A_987 {strides = array<i32>} : memref<272xf32, #tpu.memory_space<vmem>>, vector<16xf32>,
        %mul3A_990 = arith.constant 16 : i32
        %mul3A_991 = arith.muli %add3A_160, %mul3A_990 : i32
        %add3A_992 = arith.constant 11 : i32
        %add3A_993 = arith.addi %mul3A_991, %add3A_992 : i32
        %add3A_994 = arith.constant 1 : i32
        %add3A_995 = arith.addi %add3A_993, %add3A_994 : i32
        %get3A_996 = arith.index_cast %add3A_995 : i32 to index
        %get3A_997 = arith.constant 0 : index
        %get3A_998 = tpu.vector_load %arg9[%get3A_996, %get3A_997] {strides = array<i32>} : memref<128x128xf32, #tpu.memory_space<vmem>>, vector<16xf32>,
        %get3A_999 = arith.index_cast %add3A_995 : i32 to index
        %get3A_1000 = arith.constant 0 : index
        %get3A_1001 = tpu.vector_load %arg11[%get3A_999, %get3A_1000] {strides = array<i32>} : memref<128x128xf32, #tpu.memory_space<vmem>>, vector<16xf32>,
        %get3A_1002 = arith.index_cast %add3A_995 : i32 to index
        %get3A_1003 = arith.constant 16 : index
        %get3A_1004 = tpu.vector_load %arg9[%get3A_1002, %get3A_1003] {strides = array<i32>} : memref<128x128xf32, #tpu.memory_space<vmem>>, vector<16xf32>,
        %get3A_1005 = arith.index_cast %add3A_995 : i32 to index
        %get3A_1006 = arith.constant 16 : index
        %get3A_1007 = tpu.vector_load %arg11[%get3A_1005, %get3A_1006] {strides = array<i32>} : memref<128x128xf32, #tpu.memory_space<vmem>>, vector<16xf32>,
        %get3A_1008 = arith.index_cast %add3A_995 : i32 to index
        %get3A_1009 = arith.constant 32 : index
        %get3A_1010 = tpu.vector_load %arg9[%get3A_1008, %get3A_1009] {strides = array<i32>} : memref<128x128xf32, #tpu.memory_space<vmem>>, vector<16xf32>,
        %get3A_1011 = arith.index_cast %add3A_995 : i32 to index
        %get3A_1012 = arith.constant 32 : index
        %get3A_1013 = tpu.vector_load %arg11[%get3A_1011, %get3A_1012] {strides = array<i32>} : memref<128x128xf32, #tpu.memory_space<vmem>>, vector<16xf32>,
        %get3A_1014 = arith.index_cast %add3A_995 : i32 to index
        %get3A_1015 = arith.constant 48 : index
        %get3A_1016 = tpu.vector_load %arg9[%get3A_1014, %get3A_1015] {strides = array<i32>} : memref<128x128xf32, #tpu.memory_space<vmem>>, vector<16xf32>,
        %get3A_1017 = arith.index_cast %add3A_995 : i32 to index
        %get3A_1018 = arith.constant 48 : index
        %get3A_1019 = tpu.vector_load %arg11[%get3A_1017, %get3A_1018] {strides = array<i32>} : memref<128x128xf32, #tpu.memory_space<vmem>>, vector<16xf32>,
        %get3A_1020 = arith.index_cast %add3A_995 : i32 to index
        %get3A_1021 = arith.constant 64 : index
        %get3A_1022 = tpu.vector_load %arg9[%get3A_1020, %get3A_1021] {strides = array<i32>} : memref<128x128xf32, #tpu.memory_space<vmem>>, vector<16xf32>,
        %get3A_1023 = arith.index_cast %add3A_995 : i32 to index
        %get3A_1024 = arith.constant 64 : index
        %get3A_1025 = tpu.vector_load %arg11[%get3A_1023, %get3A_1024] {strides = array<i32>} : memref<128x128xf32, #tpu.memory_space<vmem>>, vector<16xf32>,
        %get3A_1026 = arith.index_cast %add3A_995 : i32 to index
        %get3A_1027 = arith.constant 80 : index
        %get3A_1028 = tpu.vector_load %arg9[%get3A_1026, %get3A_1027] {strides = array<i32>} : memref<128x128xf32, #tpu.memory_space<vmem>>, vector<16xf32>,
        %get3A_1029 = arith.index_cast %add3A_995 : i32 to index
        %get3A_1030 = arith.constant 80 : index
        %get3A_1031 = tpu.vector_load %arg11[%get3A_1029, %get3A_1030] {strides = array<i32>} : memref<128x128xf32, #tpu.memory_space<vmem>>, vector<16xf32>,
        %get3A_1032 = arith.index_cast %add3A_995 : i32 to index
        %get3A_1033 = arith.constant 96 : index
        %get3A_1034 = tpu.vector_load %arg9[%get3A_1032, %get3A_1033] {strides = array<i32>} : memref<128x128xf32, #tpu.memory_space<vmem>>, vector<16xf32>,
        %get3A_1035 = arith.index_cast %add3A_995 : i32 to index
        %get3A_1036 = arith.constant 96 : index
        %get3A_1037 = tpu.vector_load %arg11[%get3A_1035, %get3A_1036] {strides = array<i32>} : memref<128x128xf32, #tpu.memory_space<vmem>>, vector<16xf32>,
        %get3A_1038 = arith.index_cast %add3A_995 : i32 to index
        %get3A_1039 = arith.constant 112 : index
        %get3A_1040 = tpu.vector_load %arg9[%get3A_1038, %get3A_1039] {strides = array<i32>} : memref<128x128xf32, #tpu.memory_space<vmem>>, vector<16xf32>,
        %get3A_1041 = arith.index_cast %add3A_995 : i32 to index
        %get3A_1042 = arith.constant 112 : index
        %get3A_1043 = tpu.vector_load %arg11[%get3A_1041, %get3A_1042] {strides = array<i32>} : memref<128x128xf32, #tpu.memory_space<vmem>>, vector<16xf32>,
        %mul3A_1044 = arith.mulf %get3A_927, %get3A_930 : vector<16xf32>
        %mul3A_1045 = arith.mulf %get3A_933, %get3A_936 : vector<16xf32>
        %mul3A_1046 = arith.mulf %get3A_939, %get3A_942 : vector<16xf32>
        %mul3A_1047 = arith.mulf %get3A_945, %get3A_948 : vector<16xf32>
        %mul3A_1048 = arith.mulf %get3A_951, %get3A_954 : vector<16xf32>
        %mul3A_1049 = arith.mulf %get3A_957, %get3A_960 : vector<16xf32>
        %mul3A_1050 = arith.mulf %get3A_963, %get3A_966 : vector<16xf32>
        %mul3A_1051 = arith.mulf %get3A_969, %get3A_972 : vector<16xf32>
        %add3A_1052 = arith.addf %mul3A_1044, %mul3A_1045 : vector<16xf32>
        %add3A_1053 = arith.addf %mul3A_1046, %mul3A_1047 : vector<16xf32>
        %add3A_1054 = arith.addf %mul3A_1048, %mul3A_1049 : vector<16xf32>
        %add3A_1055 = arith.addf %mul3A_1050, %mul3A_1051 : vector<16xf32>
        %add3A_1056 = arith.addf %add3A_1052, %add3A_1053 : vector<16xf32>
        %add3A_1057 = arith.addf %add3A_1054, %add3A_1055 : vector<16xf32>
        %add3A_1058 = arith.addf %add3A_1056, %add3A_1057 : vector<16xf32>
        %swap3A_1059 = arith.constant 187 : index
        %swap3A_1060 = tpu.vector_load %arg14[%swap3A_1059] {strides = array<i32>} : memref<272xf32, #tpu.memory_space<vmem>>, vector<16xf32>,
        tpu.vector_store %arg14[%swap3A_1059], %add3A_1058 {strides = array<i32>} : memref<272xf32, #tpu.memory_space<vmem>>, vector<16xf32>,
        %mul3A_1061 = arith.constant 16 : i32
        %mul3A_1062 = arith.muli %add3A_160, %mul3A_1061 : i32
        %add3A_1063 = arith.constant 12 : i32
        %add3A_1064 = arith.addi %mul3A_1062, %add3A_1063 : i32
        %add3A_1065 = arith.constant 1 : i32
        %add3A_1066 = arith.addi %add3A_1064, %add3A_1065 : i32
        %get3A_1067 = arith.index_cast %add3A_1066 : i32 to index
        %get3A_1068 = arith.constant 0 : index
        %get3A_1069 = tpu.vector_load %arg9[%get3A_1067, %get3A_1068] {strides = array<i32>} : memref<128x128xf32, #tpu.memory_space<vmem>>, vector<16xf32>,
        %get3A_1070 = arith.index_cast %add3A_1066 : i32 to index
        %get3A_1071 = arith.constant 0 : index
        %get3A_1072 = tpu.vector_load %arg11[%get3A_1070, %get3A_1071] {strides = array<i32>} : memref<128x128xf32, #tpu.memory_space<vmem>>, vector<16xf32>,
        %get3A_1073 = arith.index_cast %add3A_1066 : i32 to index
        %get3A_1074 = arith.constant 16 : index
        %get3A_1075 = tpu.vector_load %arg9[%get3A_1073, %get3A_1074] {strides = array<i32>} : memref<128x128xf32, #tpu.memory_space<vmem>>, vector<16xf32>,
        %get3A_1076 = arith.index_cast %add3A_1066 : i32 to index
        %get3A_1077 = arith.constant 16 : index
        %get3A_1078 = tpu.vector_load %arg11[%get3A_1076, %get3A_1077] {strides = array<i32>} : memref<128x128xf32, #tpu.memory_space<vmem>>, vector<16xf32>,
        %get3A_1079 = arith.index_cast %add3A_1066 : i32 to index
        %get3A_1080 = arith.constant 32 : index
        %get3A_1081 = tpu.vector_load %arg9[%get3A_1079, %get3A_1080] {strides = array<i32>} : memref<128x128xf32, #tpu.memory_space<vmem>>, vector<16xf32>,
        %get3A_1082 = arith.index_cast %add3A_1066 : i32 to index
        %get3A_1083 = arith.constant 32 : index
        %get3A_1084 = tpu.vector_load %arg11[%get3A_1082, %get3A_1083] {strides = array<i32>} : memref<128x128xf32, #tpu.memory_space<vmem>>, vector<16xf32>,
        %get3A_1085 = arith.index_cast %add3A_1066 : i32 to index
        %get3A_1086 = arith.constant 48 : index
        %get3A_1087 = tpu.vector_load %arg9[%get3A_1085, %get3A_1086] {strides = array<i32>} : memref<128x128xf32, #tpu.memory_space<vmem>>, vector<16xf32>,
        %get3A_1088 = arith.index_cast %add3A_1066 : i32 to index
        %get3A_1089 = arith.constant 48 : index
        %get3A_1090 = tpu.vector_load %arg11[%get3A_1088, %get3A_1089] {strides = array<i32>} : memref<128x128xf32, #tpu.memory_space<vmem>>, vector<16xf32>,
        %get3A_1091 = arith.index_cast %add3A_1066 : i32 to index
        %get3A_1092 = arith.constant 64 : index
        %get3A_1093 = tpu.vector_load %arg9[%get3A_1091, %get3A_1092] {strides = array<i32>} : memref<128x128xf32, #tpu.memory_space<vmem>>, vector<16xf32>,
        %get3A_1094 = arith.index_cast %add3A_1066 : i32 to index
        %get3A_1095 = arith.constant 64 : index
        %get3A_1096 = tpu.vector_load %arg11[%get3A_1094, %get3A_1095] {strides = array<i32>} : memref<128x128xf32, #tpu.memory_space<vmem>>, vector<16xf32>,
        %get3A_1097 = arith.index_cast %add3A_1066 : i32 to index
        %get3A_1098 = arith.constant 80 : index
        %get3A_1099 = tpu.vector_load %arg9[%get3A_1097, %get3A_1098] {strides = array<i32>} : memref<128x128xf32, #tpu.memory_space<vmem>>, vector<16xf32>,
        %get3A_1100 = arith.index_cast %add3A_1066 : i32 to index
        %get3A_1101 = arith.constant 80 : index
        %get3A_1102 = tpu.vector_load %arg11[%get3A_1100, %get3A_1101] {strides = array<i32>} : memref<128x128xf32, #tpu.memory_space<vmem>>, vector<16xf32>,
        %get3A_1103 = arith.index_cast %add3A_1066 : i32 to index
        %get3A_1104 = arith.constant 96 : index
        %get3A_1105 = tpu.vector_load %arg9[%get3A_1103, %get3A_1104] {strides = array<i32>} : memref<128x128xf32, #tpu.memory_space<vmem>>, vector<16xf32>,
        %get3A_1106 = arith.index_cast %add3A_1066 : i32 to index
        %get3A_1107 = arith.constant 96 : index
        %get3A_1108 = tpu.vector_load %arg11[%get3A_1106, %get3A_1107] {strides = array<i32>} : memref<128x128xf32, #tpu.memory_space<vmem>>, vector<16xf32>,
        %get3A_1109 = arith.index_cast %add3A_1066 : i32 to index
        %get3A_1110 = arith.constant 112 : index
        %get3A_1111 = tpu.vector_load %arg9[%get3A_1109, %get3A_1110] {strides = array<i32>} : memref<128x128xf32, #tpu.memory_space<vmem>>, vector<16xf32>,
        %get3A_1112 = arith.index_cast %add3A_1066 : i32 to index
        %get3A_1113 = arith.constant 112 : index
        %get3A_1114 = tpu.vector_load %arg11[%get3A_1112, %get3A_1113] {strides = array<i32>} : memref<128x128xf32, #tpu.memory_space<vmem>>, vector<16xf32>,
        %mul3A_1115 = arith.mulf %get3A_998, %get3A_1001 : vector<16xf32>
        %mul3A_1116 = arith.mulf %get3A_1004, %get3A_1007 : vector<16xf32>
        %mul3A_1117 = arith.mulf %get3A_1010, %get3A_1013 : vector<16xf32>
        %mul3A_1118 = arith.mulf %get3A_1016, %get3A_1019 : vector<16xf32>
        %mul3A_1119 = arith.mulf %get3A_1022, %get3A_1025 : vector<16xf32>
        %mul3A_1120 = arith.mulf %get3A_1028, %get3A_1031 : vector<16xf32>
        %mul3A_1121 = arith.mulf %get3A_1034, %get3A_1037 : vector<16xf32>
        %mul3A_1122 = arith.mulf %get3A_1040, %get3A_1043 : vector<16xf32>
        %add3A_1123 = arith.addf %mul3A_1115, %mul3A_1116 : vector<16xf32>
        %add3A_1124 = arith.addf %mul3A_1117, %mul3A_1118 : vector<16xf32>
        %add3A_1125 = arith.addf %mul3A_1119, %mul3A_1120 : vector<16xf32>
        %add3A_1126 = arith.addf %mul3A_1121, %mul3A_1122 : vector<16xf32>
        %add3A_1127 = arith.addf %add3A_1123, %add3A_1124 : vector<16xf32>
        %add3A_1128 = arith.addf %add3A_1125, %add3A_1126 : vector<16xf32>
        %add3A_1129 = arith.addf %add3A_1127, %add3A_1128 : vector<16xf32>
        %swap3A_1130 = arith.constant 204 : index
        %swap3A_1131 = tpu.vector_load %arg14[%swap3A_1130] {strides = array<i32>} : memref<272xf32, #tpu.memory_space<vmem>>, vector<16xf32>,
        tpu.vector_store %arg14[%swap3A_1130], %add3A_1129 {strides = array<i32>} : memref<272xf32, #tpu.memory_space<vmem>>, vector<16xf32>,
        %mul3A_1132 = arith.constant 16 : i32
        %mul3A_1133 = arith.muli %add3A_160, %mul3A_1132 : i32
        %add3A_1134 = arith.constant 13 : i32
        %add3A_1135 = arith.addi %mul3A_1133, %add3A_1134 : i32
        %add3A_1136 = arith.constant 1 : i32
        %add3A_1137 = arith.addi %add3A_1135, %add3A_1136 : i32
        %get3A_1138 = arith.index_cast %add3A_1137 : i32 to index
        %get3A_1139 = arith.constant 0 : index
        %get3A_1140 = tpu.vector_load %arg9[%get3A_1138, %get3A_1139] {strides = array<i32>} : memref<128x128xf32, #tpu.memory_space<vmem>>, vector<16xf32>,
        %get3A_1141 = arith.index_cast %add3A_1137 : i32 to index
        %get3A_1142 = arith.constant 0 : index
        %get3A_1143 = tpu.vector_load %arg11[%get3A_1141, %get3A_1142] {strides = array<i32>} : memref<128x128xf32, #tpu.memory_space<vmem>>, vector<16xf32>,
        %get3A_1144 = arith.index_cast %add3A_1137 : i32 to index
        %get3A_1145 = arith.constant 16 : index
        %get3A_1146 = tpu.vector_load %arg9[%get3A_1144, %get3A_1145] {strides = array<i32>} : memref<128x128xf32, #tpu.memory_space<vmem>>, vector<16xf32>,
        %get3A_1147 = arith.index_cast %add3A_1137 : i32 to index
        %get3A_1148 = arith.constant 16 : index
        %get3A_1149 = tpu.vector_load %arg11[%get3A_1147, %get3A_1148] {strides = array<i32>} : memref<128x128xf32, #tpu.memory_space<vmem>>, vector<16xf32>,
        %get3A_1150 = arith.index_cast %add3A_1137 : i32 to index
        %get3A_1151 = arith.constant 32 : index
        %get3A_1152 = tpu.vector_load %arg9[%get3A_1150, %get3A_1151] {strides = array<i32>} : memref<128x128xf32, #tpu.memory_space<vmem>>, vector<16xf32>,
        %get3A_1153 = arith.index_cast %add3A_1137 : i32 to index
        %get3A_1154 = arith.constant 32 : index
        %get3A_1155 = tpu.vector_load %arg11[%get3A_1153, %get3A_1154] {strides = array<i32>} : memref<128x128xf32, #tpu.memory_space<vmem>>, vector<16xf32>,
        %get3A_1156 = arith.index_cast %add3A_1137 : i32 to index
        %get3A_1157 = arith.constant 48 : index
        %get3A_1158 = tpu.vector_load %arg9[%get3A_1156, %get3A_1157] {strides = array<i32>} : memref<128x128xf32, #tpu.memory_space<vmem>>, vector<16xf32>,
        %get3A_1159 = arith.index_cast %add3A_1137 : i32 to index
        %get3A_1160 = arith.constant 48 : index
        %get3A_1161 = tpu.vector_load %arg11[%get3A_1159, %get3A_1160] {strides = array<i32>} : memref<128x128xf32, #tpu.memory_space<vmem>>, vector<16xf32>,
        %get3A_1162 = arith.index_cast %add3A_1137 : i32 to index
        %get3A_1163 = arith.constant 64 : index
        %get3A_1164 = tpu.vector_load %arg9[%get3A_1162, %get3A_1163] {strides = array<i32>} : memref<128x128xf32, #tpu.memory_space<vmem>>, vector<16xf32>,
        %get3A_1165 = arith.index_cast %add3A_1137 : i32 to index
        %get3A_1166 = arith.constant 64 : index
        %get3A_1167 = tpu.vector_load %arg11[%get3A_1165, %get3A_1166] {strides = array<i32>} : memref<128x128xf32, #tpu.memory_space<vmem>>, vector<16xf32>,
        %get3A_1168 = arith.index_cast %add3A_1137 : i32 to index
        %get3A_1169 = arith.constant 80 : index
        %get3A_1170 = tpu.vector_load %arg9[%get3A_1168, %get3A_1169] {strides = array<i32>} : memref<128x128xf32, #tpu.memory_space<vmem>>, vector<16xf32>,
        %get3A_1171 = arith.index_cast %add3A_1137 : i32 to index
        %get3A_1172 = arith.constant 80 : index
        %get3A_1173 = tpu.vector_load %arg11[%get3A_1171, %get3A_1172] {strides = array<i32>} : memref<128x128xf32, #tpu.memory_space<vmem>>, vector<16xf32>,
        %get3A_1174 = arith.index_cast %add3A_1137 : i32 to index
        %get3A_1175 = arith.constant 96 : index
        %get3A_1176 = tpu.vector_load %arg9[%get3A_1174, %get3A_1175] {strides = array<i32>} : memref<128x128xf32, #tpu.memory_space<vmem>>, vector<16xf32>,
        %get3A_1177 = arith.index_cast %add3A_1137 : i32 to index
        %get3A_1178 = arith.constant 96 : index
        %get3A_1179 = tpu.vector_load %arg11[%get3A_1177, %get3A_1178] {strides = array<i32>} : memref<128x128xf32, #tpu.memory_space<vmem>>, vector<16xf32>,
        %get3A_1180 = arith.index_cast %add3A_1137 : i32 to index
        %get3A_1181 = arith.constant 112 : index
        %get3A_1182 = tpu.vector_load %arg9[%get3A_1180, %get3A_1181] {strides = array<i32>} : memref<128x128xf32, #tpu.memory_space<vmem>>, vector<16xf32>,
        %get3A_1183 = arith.index_cast %add3A_1137 : i32 to index
        %get3A_1184 = arith.constant 112 : index
        %get3A_1185 = tpu.vector_load %arg11[%get3A_1183, %get3A_1184] {strides = array<i32>} : memref<128x128xf32, #tpu.memory_space<vmem>>, vector<16xf32>,
        %mul3A_1186 = arith.mulf %get3A_1069, %get3A_1072 : vector<16xf32>
        %mul3A_1187 = arith.mulf %get3A_1075, %get3A_1078 : vector<16xf32>
        %mul3A_1188 = arith.mulf %get3A_1081, %get3A_1084 : vector<16xf32>
        %mul3A_1189 = arith.mulf %get3A_1087, %get3A_1090 : vector<16xf32>
        %mul3A_1190 = arith.mulf %get3A_1093, %get3A_1096 : vector<16xf32>
        %mul3A_1191 = arith.mulf %get3A_1099, %get3A_1102 : vector<16xf32>
        %mul3A_1192 = arith.mulf %get3A_1105, %get3A_1108 : vector<16xf32>
        %mul3A_1193 = arith.mulf %get3A_1111, %get3A_1114 : vector<16xf32>
        %add3A_1194 = arith.addf %mul3A_1186, %mul3A_1187 : vector<16xf32>
        %add3A_1195 = arith.addf %mul3A_1188, %mul3A_1189 : vector<16xf32>
        %add3A_1196 = arith.addf %mul3A_1190, %mul3A_1191 : vector<16xf32>
        %add3A_1197 = arith.addf %mul3A_1192, %mul3A_1193 : vector<16xf32>
        %add3A_1198 = arith.addf %add3A_1194, %add3A_1195 : vector<16xf32>
        %add3A_1199 = arith.addf %add3A_1196, %add3A_1197 : vector<16xf32>
        %add3A_1200 = arith.addf %add3A_1198, %add3A_1199 : vector<16xf32>
        %swap3A_1201 = arith.constant 221 : index
        %swap3A_1202 = tpu.vector_load %arg14[%swap3A_1201] {strides = array<i32>} : memref<272xf32, #tpu.memory_space<vmem>>, vector<16xf32>,
        tpu.vector_store %arg14[%swap3A_1201], %add3A_1200 {strides = array<i32>} : memref<272xf32, #tpu.memory_space<vmem>>, vector<16xf32>,
        %mul3A_1203 = arith.constant 16 : i32
        %mul3A_1204 = arith.muli %add3A_160, %mul3A_1203 : i32
        %add3A_1205 = arith.constant 14 : i32
        %add3A_1206 = arith.addi %mul3A_1204, %add3A_1205 : i32
        %add3A_1207 = arith.constant 1 : i32
        %add3A_1208 = arith.addi %add3A_1206, %add3A_1207 : i32
        %get3A_1209 = arith.index_cast %add3A_1208 : i32 to index
        %get3A_1210 = arith.constant 0 : index
        %get3A_1211 = tpu.vector_load %arg9[%get3A_1209, %get3A_1210] {strides = array<i32>} : memref<128x128xf32, #tpu.memory_space<vmem>>, vector<16xf32>,
        %get3A_1212 = arith.index_cast %add3A_1208 : i32 to index
        %get3A_1213 = arith.constant 0 : index
        %get3A_1214 = tpu.vector_load %arg11[%get3A_1212, %get3A_1213] {strides = array<i32>} : memref<128x128xf32, #tpu.memory_space<vmem>>, vector<16xf32>,
        %get3A_1215 = arith.index_cast %add3A_1208 : i32 to index
        %get3A_1216 = arith.constant 16 : index
        %get3A_1217 = tpu.vector_load %arg9[%get3A_1215, %get3A_1216] {strides = array<i32>} : memref<128x128xf32, #tpu.memory_space<vmem>>, vector<16xf32>,
        %get3A_1218 = arith.index_cast %add3A_1208 : i32 to index
        %get3A_1219 = arith.constant 16 : index
        %get3A_1220 = tpu.vector_load %arg11[%get3A_1218, %get3A_1219] {strides = array<i32>} : memref<128x128xf32, #tpu.memory_space<vmem>>, vector<16xf32>,
        %get3A_1221 = arith.index_cast %add3A_1208 : i32 to index
        %get3A_1222 = arith.constant 32 : index
        %get3A_1223 = tpu.vector_load %arg9[%get3A_1221, %get3A_1222] {strides = array<i32>} : memref<128x128xf32, #tpu.memory_space<vmem>>, vector<16xf32>,
        %get3A_1224 = arith.index_cast %add3A_1208 : i32 to index
        %get3A_1225 = arith.constant 32 : index
        %get3A_1226 = tpu.vector_load %arg11[%get3A_1224, %get3A_1225] {strides = array<i32>} : memref<128x128xf32, #tpu.memory_space<vmem>>, vector<16xf32>,
        %get3A_1227 = arith.index_cast %add3A_1208 : i32 to index
        %get3A_1228 = arith.constant 48 : index
        %get3A_1229 = tpu.vector_load %arg9[%get3A_1227, %get3A_1228] {strides = array<i32>} : memref<128x128xf32, #tpu.memory_space<vmem>>, vector<16xf32>,
        %get3A_1230 = arith.index_cast %add3A_1208 : i32 to index
        %get3A_1231 = arith.constant 48 : index
        %get3A_1232 = tpu.vector_load %arg11[%get3A_1230, %get3A_1231] {strides = array<i32>} : memref<128x128xf32, #tpu.memory_space<vmem>>, vector<16xf32>,
        %get3A_1233 = arith.index_cast %add3A_1208 : i32 to index
        %get3A_1234 = arith.constant 64 : index
        %get3A_1235 = tpu.vector_load %arg9[%get3A_1233, %get3A_1234] {strides = array<i32>} : memref<128x128xf32, #tpu.memory_space<vmem>>, vector<16xf32>,
        %get3A_1236 = arith.index_cast %add3A_1208 : i32 to index
        %get3A_1237 = arith.constant 64 : index
        %get3A_1238 = tpu.vector_load %arg11[%get3A_1236, %get3A_1237] {strides = array<i32>} : memref<128x128xf32, #tpu.memory_space<vmem>>, vector<16xf32>,
        %get3A_1239 = arith.index_cast %add3A_1208 : i32 to index
        %get3A_1240 = arith.constant 80 : index
        %get3A_1241 = tpu.vector_load %arg9[%get3A_1239, %get3A_1240] {strides = array<i32>} : memref<128x128xf32, #tpu.memory_space<vmem>>, vector<16xf32>,
        %get3A_1242 = arith.index_cast %add3A_1208 : i32 to index
        %get3A_1243 = arith.constant 80 : index
        %get3A_1244 = tpu.vector_load %arg11[%get3A_1242, %get3A_1243] {strides = array<i32>} : memref<128x128xf32, #tpu.memory_space<vmem>>, vector<16xf32>,
        %get3A_1245 = arith.index_cast %add3A_1208 : i32 to index
        %get3A_1246 = arith.constant 96 : index
        %get3A_1247 = tpu.vector_load %arg9[%get3A_1245, %get3A_1246] {strides = array<i32>} : memref<128x128xf32, #tpu.memory_space<vmem>>, vector<16xf32>,
        %get3A_1248 = arith.index_cast %add3A_1208 : i32 to index
        %get3A_1249 = arith.constant 96 : index
        %get3A_1250 = tpu.vector_load %arg11[%get3A_1248, %get3A_1249] {strides = array<i32>} : memref<128x128xf32, #tpu.memory_space<vmem>>, vector<16xf32>,
        %get3A_1251 = arith.index_cast %add3A_1208 : i32 to index
        %get3A_1252 = arith.constant 112 : index
        %get3A_1253 = tpu.vector_load %arg9[%get3A_1251, %get3A_1252] {strides = array<i32>} : memref<128x128xf32, #tpu.memory_space<vmem>>, vector<16xf32>,
        %get3A_1254 = arith.index_cast %add3A_1208 : i32 to index
        %get3A_1255 = arith.constant 112 : index
        %get3A_1256 = tpu.vector_load %arg11[%get3A_1254, %get3A_1255] {strides = array<i32>} : memref<128x128xf32, #tpu.memory_space<vmem>>, vector<16xf32>,
        %mul3A_1257 = arith.mulf %get3A_1140, %get3A_1143 : vector<16xf32>
        %mul3A_1258 = arith.mulf %get3A_1146, %get3A_1149 : vector<16xf32>
        %mul3A_1259 = arith.mulf %get3A_1152, %get3A_1155 : vector<16xf32>
        %mul3A_1260 = arith.mulf %get3A_1158, %get3A_1161 : vector<16xf32>
        %mul3A_1261 = arith.mulf %get3A_1164, %get3A_1167 : vector<16xf32>
        %mul3A_1262 = arith.mulf %get3A_1170, %get3A_1173 : vector<16xf32>
        %mul3A_1263 = arith.mulf %get3A_1176, %get3A_1179 : vector<16xf32>
        %mul3A_1264 = arith.mulf %get3A_1182, %get3A_1185 : vector<16xf32>
        %add3A_1265 = arith.addf %mul3A_1257, %mul3A_1258 : vector<16xf32>
        %add3A_1266 = arith.addf %mul3A_1259, %mul3A_1260 : vector<16xf32>
        %add3A_1267 = arith.addf %mul3A_1261, %mul3A_1262 : vector<16xf32>
        %add3A_1268 = arith.addf %mul3A_1263, %mul3A_1264 : vector<16xf32>
        %add3A_1269 = arith.addf %add3A_1265, %add3A_1266 : vector<16xf32>
        %add3A_1270 = arith.addf %add3A_1267, %add3A_1268 : vector<16xf32>
        %add3A_1271 = arith.addf %add3A_1269, %add3A_1270 : vector<16xf32>
        %swap3A_1272 = arith.constant 238 : index
        %swap3A_1273 = tpu.vector_load %arg14[%swap3A_1272] {strides = array<i32>} : memref<272xf32, #tpu.memory_space<vmem>>, vector<16xf32>,
        tpu.vector_store %arg14[%swap3A_1272], %add3A_1271 {strides = array<i32>} : memref<272xf32, #tpu.memory_space<vmem>>, vector<16xf32>,
        %mul3A_1274 = arith.mulf %get3A_1211, %get3A_1214 : vector<16xf32>
        %mul3A_1275 = arith.mulf %get3A_1217, %get3A_1220 : vector<16xf32>
        %mul3A_1276 = arith.mulf %get3A_1223, %get3A_1226 : vector<16xf32>
        %mul3A_1277 = arith.mulf %get3A_1229, %get3A_1232 : vector<16xf32>
        %mul3A_1278 = arith.mulf %get3A_1235, %get3A_1238 : vector<16xf32>
        %mul3A_1279 = arith.mulf %get3A_1241, %get3A_1244 : vector<16xf32>
        %mul3A_1280 = arith.mulf %get3A_1247, %get3A_1250 : vector<16xf32>
        %mul3A_1281 = arith.mulf %get3A_1253, %get3A_1256 : vector<16xf32>
        %add3A_1282 = arith.addf %mul3A_1274, %mul3A_1275 : vector<16xf32>
        %add3A_1283 = arith.addf %mul3A_1276, %mul3A_1277 : vector<16xf32>
        %add3A_1284 = arith.addf %mul3A_1278, %mul3A_1279 : vector<16xf32>
        %add3A_1285 = arith.addf %mul3A_1280, %mul3A_1281 : vector<16xf32>
        %add3A_1286 = arith.addf %add3A_1282, %add3A_1283 : vector<16xf32>
        %add3A_1287 = arith.addf %add3A_1284, %add3A_1285 : vector<16xf32>
        %add3A_1288 = arith.addf %add3A_1286, %add3A_1287 : vector<16xf32>
        %swap3A_1289 = arith.constant 255 : index
        %swap3A_1290 = tpu.vector_load %arg14[%swap3A_1289] {strides = array<i32>} : memref<272xf32, #tpu.memory_space<vmem>>, vector<16xf32>,
        tpu.vector_store %arg14[%swap3A_1289], %add3A_1288 {strides = array<i32>} : memref<272xf32, #tpu.memory_space<vmem>>, vector<16xf32>,
        %add3A_1291 = arith.constant 0 : i32
        %add3A_1292 = vector.broadcast %add3A_1291 : i32 to vector<16xi32>
        %add3A_1293 = arith.addi %mul3A_5, %add3A_1292 : vector<16xi32>
        %gather3A = tpu.vector_load_idx %arg14[%add3A_1293] : memref<272xf32, #tpu.memory_space<vmem>>[vector<16xi32>], vector<16xf32>,
        %add3A_1294 = arith.constant 1 : i32
        %add3A_1295 = vector.broadcast %add3A_1294 : i32 to vector<16xi32>
        %add3A_1296 = arith.addi %mul3A_5, %add3A_1295 : vector<16xi32>
        %gather3A_1297 = tpu.vector_load_idx %arg14[%add3A_1296] : memref<272xf32, #tpu.memory_space<vmem>>[vector<16xi32>], vector<16xf32>,
        %add3A_1298 = arith.constant 2 : i32
        %add3A_1299 = vector.broadcast %add3A_1298 : i32 to vector<16xi32>
        %add3A_1300 = arith.addi %mul3A_5, %add3A_1299 : vector<16xi32>
        %gather3A_1301 = tpu.vector_load_idx %arg14[%add3A_1300] : memref<272xf32, #tpu.memory_space<vmem>>[vector<16xi32>], vector<16xf32>,
        %add3A_1302 = arith.constant 3 : i32
        %add3A_1303 = vector.broadcast %add3A_1302 : i32 to vector<16xi32>
        %add3A_1304 = arith.addi %mul3A_5, %add3A_1303 : vector<16xi32>
        %gather3A_1305 = tpu.vector_load_idx %arg14[%add3A_1304] : memref<272xf32, #tpu.memory_space<vmem>>[vector<16xi32>], vector<16xf32>,
        %add3A_1306 = arith.constant 4 : i32
        %add3A_1307 = vector.broadcast %add3A_1306 : i32 to vector<16xi32>
        %add3A_1308 = arith.addi %mul3A_5, %add3A_1307 : vector<16xi32>
        %gather3A_1309 = tpu.vector_load_idx %arg14[%add3A_1308] : memref<272xf32, #tpu.memory_space<vmem>>[vector<16xi32>], vector<16xf32>,
        %add3A_1310 = arith.constant 5 : i32
        %add3A_1311 = vector.broadcast %add3A_1310 : i32 to vector<16xi32>
        %add3A_1312 = arith.addi %mul3A_5, %add3A_1311 : vector<16xi32>
        %gather3A_1313 = tpu.vector_load_idx %arg14[%add3A_1312] : memref<272xf32, #tpu.memory_space<vmem>>[vector<16xi32>], vector<16xf32>,
        %add3A_1314 = arith.constant 6 : i32
        %add3A_1315 = vector.broadcast %add3A_1314 : i32 to vector<16xi32>
        %add3A_1316 = arith.addi %mul3A_5, %add3A_1315 : vector<16xi32>
        %gather3A_1317 = tpu.vector_load_idx %arg14[%add3A_1316] : memref<272xf32, #tpu.memory_space<vmem>>[vector<16xi32>], vector<16xf32>,
        %add3A_1318 = arith.constant 7 : i32
        %add3A_1319 = vector.broadcast %add3A_1318 : i32 to vector<16xi32>
        %add3A_1320 = arith.addi %mul3A_5, %add3A_1319 : vector<16xi32>
        %gather3A_1321 = tpu.vector_load_idx %arg14[%add3A_1320] : memref<272xf32, #tpu.memory_space<vmem>>[vector<16xi32>], vector<16xf32>,
        %add3A_1322 = arith.constant 8 : i32
        %add3A_1323 = vector.broadcast %add3A_1322 : i32 to vector<16xi32>
        %add3A_1324 = arith.addi %mul3A_5, %add3A_1323 : vector<16xi32>
        %gather3A_1325 = tpu.vector_load_idx %arg14[%add3A_1324] : memref<272xf32, #tpu.memory_space<vmem>>[vector<16xi32>], vector<16xf32>,
        %add3A_1326 = arith.constant 9 : i32
        %add3A_1327 = vector.broadcast %add3A_1326 : i32 to vector<16xi32>
        %add3A_1328 = arith.addi %mul3A_5, %add3A_1327 : vector<16xi32>
        %gather3A_1329 = tpu.vector_load_idx %arg14[%add3A_1328] : memref<272xf32, #tpu.memory_space<vmem>>[vector<16xi32>], vector<16xf32>,
        %add3A_1330 = arith.constant 10 : i32
        %add3A_1331 = vector.broadcast %add3A_1330 : i32 to vector<16xi32>
        %add3A_1332 = arith.addi %mul3A_5, %add3A_1331 : vector<16xi32>
        %gather3A_1333 = tpu.vector_load_idx %arg14[%add3A_1332] : memref<272xf32, #tpu.memory_space<vmem>>[vector<16xi32>], vector<16xf32>,
        %add3A_1334 = arith.constant 11 : i32
        %add3A_1335 = vector.broadcast %add3A_1334 : i32 to vector<16xi32>
        %add3A_1336 = arith.addi %mul3A_5, %add3A_1335 : vector<16xi32>
        %gather3A_1337 = tpu.vector_load_idx %arg14[%add3A_1336] : memref<272xf32, #tpu.memory_space<vmem>>[vector<16xi32>], vector<16xf32>,
        %add3A_1338 = arith.constant 12 : i32
        %add3A_1339 = vector.broadcast %add3A_1338 : i32 to vector<16xi32>
        %add3A_1340 = arith.addi %mul3A_5, %add3A_1339 : vector<16xi32>
        %gather3A_1341 = tpu.vector_load_idx %arg14[%add3A_1340] : memref<272xf32, #tpu.memory_space<vmem>>[vector<16xi32>], vector<16xf32>,
        %add3A_1342 = arith.constant 13 : i32
        %add3A_1343 = vector.broadcast %add3A_1342 : i32 to vector<16xi32>
        %add3A_1344 = arith.addi %mul3A_5, %add3A_1343 : vector<16xi32>
        %gather3A_1345 = tpu.vector_load_idx %arg14[%add3A_1344] : memref<272xf32, #tpu.memory_space<vmem>>[vector<16xi32>], vector<16xf32>,
        %add3A_1346 = arith.constant 14 : i32
        %add3A_1347 = vector.broadcast %add3A_1346 : i32 to vector<16xi32>
        %add3A_1348 = arith.addi %mul3A_5, %add3A_1347 : vector<16xi32>
        %gather3A_1349 = tpu.vector_load_idx %arg14[%add3A_1348] : memref<272xf32, #tpu.memory_space<vmem>>[vector<16xi32>], vector<16xf32>,
        %add3A_1350 = arith.constant 15 : i32
        %add3A_1351 = vector.broadcast %add3A_1350 : i32 to vector<16xi32>
        %add3A_1352 = arith.addi %mul3A_5, %add3A_1351 : vector<16xi32>
        %gather3A_1353 = tpu.vector_load_idx %arg14[%add3A_1352] : memref<272xf32, #tpu.memory_space<vmem>>[vector<16xi32>], vector<16xf32>,
        %add3A_1354 = arith.addf %gather3A, %gather3A_1297 : vector<16xf32>
        %add3A_1355 = arith.addf %gather3A_1301, %gather3A_1305 : vector<16xf32>
        %add3A_1356 = arith.addf %gather3A_1309, %gather3A_1313 : vector<16xf32>
        %add3A_1357 = arith.addf %gather3A_1317, %gather3A_1321 : vector<16xf32>
        %add3A_1358 = arith.addf %gather3A_1325, %gather3A_1329 : vector<16xf32>
        %add3A_1359 = arith.addf %gather3A_1333, %gather3A_1337 : vector<16xf32>
        %add3A_1360 = arith.addf %gather3A_1341, %gather3A_1345 : vector<16xf32>
        %add3A_1361 = arith.addf %gather3A_1349, %gather3A_1353 : vector<16xf32>
        %add3A_1362 = arith.addf %add3A_1354, %add3A_1355 : vector<16xf32>
        %add3A_1363 = arith.addf %add3A_1356, %add3A_1357 : vector<16xf32>
        %add3A_1364 = arith.addf %add3A_1358, %add3A_1359 : vector<16xf32>
        %add3A_1365 = arith.addf %add3A_1360, %add3A_1361 : vector<16xf32>
        %add3A_1366 = arith.addf %add3A_1362, %add3A_1363 : vector<16xf32>
        %add3A_1367 = arith.addf %add3A_1364, %add3A_1365 : vector<16xf32>
        %add3A_1368 = arith.addf %add3A_1366, %add3A_1367 : vector<16xf32>
        %neg3A = arith.constant 0.000000e+00 : f32
        %neg3A_1369 = vector.broadcast %neg3A : f32 to vector<16xf32>
        %neg3A_1370 = arith.subf %neg3A_1369, %add3A_1368 : vector<16xf32>
        %exp3A = math.exp %neg3A_1370 : vector<16xf32>
        %add3A_1371 = arith.constant 1.000000e+00 : f32
        %add3A_1372 = vector.broadcast %add3A_1371 : f32 to vector<16xf32>
        %add3A_1373 = arith.addf %add3A_1372, %exp3A : vector<16xf32>
        %div3A = arith.constant 1.000000e+00 : f32
        %div3A_1374 = vector.broadcast %div3A : f32 to vector<16xf32>
        %div3A_1375 = arith.divf %div3A_1374, %add3A_1373 : vector<16xf32>
        %mul3A_1376 = arith.constant 128 : i32
        %mul3A_1377 = arith.muli %add3A_88, %mul3A_1376 : i32
        %mul3A_1378 = arith.constant 16 : i32
        %mul3A_1379 = arith.muli %add3A_160, %mul3A_1378 : i32
        %add3A_1380 = arith.addi %mul3A_1377, %mul3A_1379 : i32
        %swap3A_1381 = arith.index_cast %add3A_1380 : i32 to index
        %swap3A_1382 = tpu.vector_load %arg13[%swap3A_1381] {strides = array<i32>} : memref<512xf32, #tpu.memory_space<vmem>>, vector<16xf32>,
        tpu.vector_store %arg13[%swap3A_1381], %div3A_1375 {strides = array<i32>} : memref<512xf32, #tpu.memory_space<vmem>>, vector<16xf32>,
      }
      %scan3A_105 = arith.constant 8 : i32
      %mul3A_106 = arith.constant 128 : i32
      %mul3A_107 = arith.muli %add3A_88, %mul3A_106 : i32
      %mul3A_108 = arith.constant 128 : i32
      %mul3A_109 = arith.muli %add3A_88, %mul3A_108 : i32
      %add3A_110 = arith.addi %mul3A_2, %mul3A_109 : i32
      %dma_start3A_111 = tpu.memref_slice %arg13[%mul3A_107] : memref<512xf32, #tpu.memory_space<vmem>> -> memref<128xf32, #tpu.memory_space<vmem>>
      %dma_start3A_112 = tpu.memref_slice %arg6[%add3A_110] : memref<16384xf32, #tpu.memory_space<hbm>> -> memref<128xf32, #tpu.memory_space<hbm>>
      %dma_start3A_113 = tpu.memref_slice %arg6[%add3A_110] : memref<16384xf32, #tpu.memory_space<hbm>> -> memref<128xf32, #tpu.memory_space<hbm>>
      %dma_start3A_114 = tpu.memref_slice %arg13[%mul3A_107] : memref<512xf32, #tpu.memory_space<vmem>> -> memref<128xf32, #tpu.memory_space<vmem>>
      tpu.enqueue_dma source(%dma_start3A_114 : memref<128xf32, #tpu.memory_space<vmem>>) target(%dma_start3A_113 : memref<128xf32, #tpu.memory_space<hbm>>) target_semaphore(%arg19 : memref<!tpu.dma_semaphore, #tpu.memory_space<semaphore_mem>>)
      %add3A_115 = arith.constant 1 : i32
      %add3A_116 = arith.addi %add3A_84, %add3A_115 : i32
      %lt3A = arith.constant 2 : i32
      %lt3A_117 = arith.cmpi slt, %add3A_116, %lt3A : i32
      %convert_element_type3A = arith.extui %lt3A_117 : i1 to i32
      %cond3A = arith.constant 0 : i32
      %cond3A_118 = arith.cmpi ne, %convert_element_type3A, %cond3A : i32
      scf.if %cond3A_118 {
        %dma_start3A_156 = arith.constant 256 : i32
        %dma_start3A_157 = tpu.memref_slice %arg7[%dma_start3A_156] : memref<512xi32, #tpu.memory_space<vmem>> -> memref<128xi32, #tpu.memory_space<vmem>>
        %dma_start3A_158 = arith.constant 0 : i32
        %dma_start3A_159 = arith.constant 0 : i32
        %dma_start3A_160 = tpu.memref_slice %arg4[%dma_start3A_158, %dma_start3A_159] : memref<100000x128xf32, #tpu.memory_space<hbm>> -> memref<100000x128xf32, #tpu.memory_space<hbm>>
        tpu.enqueue_indirect_dma source(%dma_start3A_160 : memref<100000x128xf32, #tpu.memory_space<hbm>>) target(%arg9 : memref<128x128xf32, #tpu.memory_space<vmem>>) offsets(%dma_start3A_157 : memref<128xi32, #tpu.memory_space<vmem>>) semaphore(%arg15 : memref<!tpu.dma_semaphore, #tpu.memory_space<semaphore_mem>>)
        %dma_start3A_161 = arith.constant 256 : i32
        %dma_start3A_162 = tpu.memref_slice %arg8[%dma_start3A_161] : memref<512xi32, #tpu.memory_space<vmem>> -> memref<128xi32, #tpu.memory_space<vmem>>
        %dma_start3A_163 = arith.constant 0 : i32
        %dma_start3A_164 = arith.constant 0 : i32
        %dma_start3A_165 = tpu.memref_slice %arg5[%dma_start3A_163, %dma_start3A_164] : memref<100000x128xf32, #tpu.memory_space<hbm>> -> memref<100000x128xf32, #tpu.memory_space<hbm>>
        tpu.enqueue_indirect_dma source(%dma_start3A_165 : memref<100000x128xf32, #tpu.memory_space<hbm>>) target(%arg11 : memref<128x128xf32, #tpu.memory_space<vmem>>) offsets(%dma_start3A_162 : memref<128xi32, #tpu.memory_space<vmem>>) semaphore(%arg17 : memref<!tpu.dma_semaphore, #tpu.memory_space<semaphore_mem>>)
      } else {
      }
      %mul3A_119 = arith.constant 2 : i32
      %mul3A_120 = arith.muli %mul3A_119, %add3A_84 : i32
      %add3A_121 = arith.constant 1 : i32
      %add3A_122 = arith.addi %mul3A_120, %add3A_121 : i32
      %dma_wait3A_123 = arith.constant 0 : i32
      %dma_wait3A_124 = arith.constant 0 : i32
      %dma_wait3A_125 = tpu.memref_slice %arg4[%dma_wait3A_123, %dma_wait3A_124] : memref<100000x128xf32, #tpu.memory_space<hbm>> -> memref<128x128xf32, #tpu.memory_space<hbm>>
      %dma_wait3A_126 = arith.constant 0 : i32
      %dma_wait3A_127 = arith.constant 0 : i32
      %dma_wait3A_128 = tpu.memref_slice %arg4[%dma_wait3A_126, %dma_wait3A_127] : memref<100000x128xf32, #tpu.memory_space<hbm>> -> memref<128x128xf32, #tpu.memory_space<hbm>>
      tpu.wait_dma2 semaphore(%arg16 : memref<!tpu.dma_semaphore, #tpu.memory_space<semaphore_mem>>) src(%dma_wait3A_128 : memref<128x128xf32, #tpu.memory_space<hbm>>) dst(%arg10 : memref<128x128xf32, #tpu.memory_space<vmem>>)
      %dma_wait3A_129 = arith.constant 0 : i32
      %dma_wait3A_130 = arith.constant 0 : i32
      %dma_wait3A_131 = tpu.memref_slice %arg5[%dma_wait3A_129, %dma_wait3A_130] : memref<100000x128xf32, #tpu.memory_space<hbm>> -> memref<128x128xf32, #tpu.memory_space<hbm>>
      %dma_wait3A_132 = arith.constant 0 : i32
      %dma_wait3A_133 = arith.constant 0 : i32
      %dma_wait3A_134 = tpu.memref_slice %arg5[%dma_wait3A_132, %dma_wait3A_133] : memref<100000x128xf32, #tpu.memory_space<hbm>> -> memref<128x128xf32, #tpu.memory_space<hbm>>
      tpu.wait_dma2 semaphore(%arg18 : memref<!tpu.dma_semaphore, #tpu.memory_space<semaphore_mem>>) src(%dma_wait3A_134 : memref<128x128xf32, #tpu.memory_space<hbm>>) dst(%arg12 : memref<128x128xf32, #tpu.memory_space<vmem>>)
      %scan3A_135 = arith.constant 0 : i32
      %scan3A_136 = arith.constant 8 : i32
      %scan3A_137 = arith.addi %scan3A_135, %scan3A_136 : i32
      %scan3A_138 = arith.constant 1 : i32
      scf.for %scan3A_156 = %scan3A_135 to %scan3A_137 step %scan3A_138  : i32 {
        %mul3A_157 = arith.constant 1 : i32
        %mul3A_158 = arith.muli %scan3A_156, %mul3A_157 : i32
        %add3A_159 = arith.constant 0 : i32
        %add3A_160 = arith.addi %add3A_159, %mul3A_158 : i32
        %mul3A_161 = arith.constant 16 : i32
        %mul3A_162 = arith.muli %add3A_160, %mul3A_161 : i32
        %get3A = arith.index_cast %mul3A_162 : i32 to index
        %get3A_163 = arith.constant 0 : index
        %get3A_164 = tpu.vector_load %arg10[%get3A, %get3A_163] {strides = array<i32>} : memref<128x128xf32, #tpu.memory_space<vmem>>, vector<16xf32>,
        %get3A_165 = arith.index_cast %mul3A_162 : i32 to index
        %get3A_166 = arith.constant 0 : index
        %get3A_167 = tpu.vector_load %arg12[%get3A_165, %get3A_166] {strides = array<i32>} : memref<128x128xf32, #tpu.memory_space<vmem>>, vector<16xf32>,
        %get3A_168 = arith.index_cast %mul3A_162 : i32 to index
        %get3A_169 = arith.constant 16 : index
        %get3A_170 = tpu.vector_load %arg10[%get3A_168, %get3A_169] {strides = array<i32>} : memref<128x128xf32, #tpu.memory_space<vmem>>, vector<16xf32>,
        %get3A_171 = arith.index_cast %mul3A_162 : i32 to index
        %get3A_172 = arith.constant 16 : index
        %get3A_173 = tpu.vector_load %arg12[%get3A_171, %get3A_172] {strides = array<i32>} : memref<128x128xf32, #tpu.memory_space<vmem>>, vector<16xf32>,
        %get3A_174 = arith.index_cast %mul3A_162 : i32 to index
        %get3A_175 = arith.constant 32 : index
        %get3A_176 = tpu.vector_load %arg10[%get3A_174, %get3A_175] {strides = array<i32>} : memref<128x128xf32, #tpu.memory_space<vmem>>, vector<16xf32>,
        %get3A_177 = arith.index_cast %mul3A_162 : i32 to index
        %get3A_178 = arith.constant 32 : index
        %get3A_179 = tpu.vector_load %arg12[%get3A_177, %get3A_178] {strides = array<i32>} : memref<128x128xf32, #tpu.memory_space<vmem>>, vector<16xf32>,
        %get3A_180 = arith.index_cast %mul3A_162 : i32 to index
        %get3A_181 = arith.constant 48 : index
        %get3A_182 = tpu.vector_load %arg10[%get3A_180, %get3A_181] {strides = array<i32>} : memref<128x128xf32, #tpu.memory_space<vmem>>, vector<16xf32>,
        %get3A_183 = arith.index_cast %mul3A_162 : i32 to index
        %get3A_184 = arith.constant 48 : index
        %get3A_185 = tpu.vector_load %arg12[%get3A_183, %get3A_184] {strides = array<i32>} : memref<128x128xf32, #tpu.memory_space<vmem>>, vector<16xf32>,
        %get3A_186 = arith.index_cast %mul3A_162 : i32 to index
        %get3A_187 = arith.constant 64 : index
        %get3A_188 = tpu.vector_load %arg10[%get3A_186, %get3A_187] {strides = array<i32>} : memref<128x128xf32, #tpu.memory_space<vmem>>, vector<16xf32>,
        %get3A_189 = arith.index_cast %mul3A_162 : i32 to index
        %get3A_190 = arith.constant 64 : index
        %get3A_191 = tpu.vector_load %arg12[%get3A_189, %get3A_190] {strides = array<i32>} : memref<128x128xf32, #tpu.memory_space<vmem>>, vector<16xf32>,
        %get3A_192 = arith.index_cast %mul3A_162 : i32 to index
        %get3A_193 = arith.constant 80 : index
        %get3A_194 = tpu.vector_load %arg10[%get3A_192, %get3A_193] {strides = array<i32>} : memref<128x128xf32, #tpu.memory_space<vmem>>, vector<16xf32>,
        %get3A_195 = arith.index_cast %mul3A_162 : i32 to index
        %get3A_196 = arith.constant 80 : index
        %get3A_197 = tpu.vector_load %arg12[%get3A_195, %get3A_196] {strides = array<i32>} : memref<128x128xf32, #tpu.memory_space<vmem>>, vector<16xf32>,
        %get3A_198 = arith.index_cast %mul3A_162 : i32 to index
        %get3A_199 = arith.constant 96 : index
        %get3A_200 = tpu.vector_load %arg10[%get3A_198, %get3A_199] {strides = array<i32>} : memref<128x128xf32, #tpu.memory_space<vmem>>, vector<16xf32>,
        %get3A_201 = arith.index_cast %mul3A_162 : i32 to index
        %get3A_202 = arith.constant 96 : index
        %get3A_203 = tpu.vector_load %arg12[%get3A_201, %get3A_202] {strides = array<i32>} : memref<128x128xf32, #tpu.memory_space<vmem>>, vector<16xf32>,
        %get3A_204 = arith.index_cast %mul3A_162 : i32 to index
        %get3A_205 = arith.constant 112 : index
        %get3A_206 = tpu.vector_load %arg10[%get3A_204, %get3A_205] {strides = array<i32>} : memref<128x128xf32, #tpu.memory_space<vmem>>, vector<16xf32>,
        %get3A_207 = arith.index_cast %mul3A_162 : i32 to index
        %get3A_208 = arith.constant 112 : index
        %get3A_209 = tpu.vector_load %arg12[%get3A_207, %get3A_208] {strides = array<i32>} : memref<128x128xf32, #tpu.memory_space<vmem>>, vector<16xf32>,
        %mul3A_210 = arith.constant 16 : i32
        %mul3A_211 = arith.muli %add3A_160, %mul3A_210 : i32
        %add3A_212 = arith.constant 0 : i32
        %add3A_213 = arith.addi %mul3A_211, %add3A_212 : i32
        %add3A_214 = arith.constant 1 : i32
        %add3A_215 = arith.addi %add3A_213, %add3A_214 : i32
        %get3A_216 = arith.index_cast %add3A_215 : i32 to index
        %get3A_217 = arith.constant 0 : index
        %get3A_218 = tpu.vector_load %arg10[%get3A_216, %get3A_217] {strides = array<i32>} : memref<128x128xf32, #tpu.memory_space<vmem>>, vector<16xf32>,
        %get3A_219 = arith.index_cast %add3A_215 : i32 to index
        %get3A_220 = arith.constant 0 : index
        %get3A_221 = tpu.vector_load %arg12[%get3A_219, %get3A_220] {strides = array<i32>} : memref<128x128xf32, #tpu.memory_space<vmem>>, vector<16xf32>,
        %get3A_222 = arith.index_cast %add3A_215 : i32 to index
        %get3A_223 = arith.constant 16 : index
        %get3A_224 = tpu.vector_load %arg10[%get3A_222, %get3A_223] {strides = array<i32>} : memref<128x128xf32, #tpu.memory_space<vmem>>, vector<16xf32>,
        %get3A_225 = arith.index_cast %add3A_215 : i32 to index
        %get3A_226 = arith.constant 16 : index
        %get3A_227 = tpu.vector_load %arg12[%get3A_225, %get3A_226] {strides = array<i32>} : memref<128x128xf32, #tpu.memory_space<vmem>>, vector<16xf32>,
        %get3A_228 = arith.index_cast %add3A_215 : i32 to index
        %get3A_229 = arith.constant 32 : index
        %get3A_230 = tpu.vector_load %arg10[%get3A_228, %get3A_229] {strides = array<i32>} : memref<128x128xf32, #tpu.memory_space<vmem>>, vector<16xf32>,
        %get3A_231 = arith.index_cast %add3A_215 : i32 to index
        %get3A_232 = arith.constant 32 : index
        %get3A_233 = tpu.vector_load %arg12[%get3A_231, %get3A_232] {strides = array<i32>} : memref<128x128xf32, #tpu.memory_space<vmem>>, vector<16xf32>,
        %get3A_234 = arith.index_cast %add3A_215 : i32 to index
        %get3A_235 = arith.constant 48 : index
        %get3A_236 = tpu.vector_load %arg10[%get3A_234, %get3A_235] {strides = array<i32>} : memref<128x128xf32, #tpu.memory_space<vmem>>, vector<16xf32>,
        %get3A_237 = arith.index_cast %add3A_215 : i32 to index
        %get3A_238 = arith.constant 48 : index
        %get3A_239 = tpu.vector_load %arg12[%get3A_237, %get3A_238] {strides = array<i32>} : memref<128x128xf32, #tpu.memory_space<vmem>>, vector<16xf32>,
        %get3A_240 = arith.index_cast %add3A_215 : i32 to index
        %get3A_241 = arith.constant 64 : index
        %get3A_242 = tpu.vector_load %arg10[%get3A_240, %get3A_241] {strides = array<i32>} : memref<128x128xf32, #tpu.memory_space<vmem>>, vector<16xf32>,
        %get3A_243 = arith.index_cast %add3A_215 : i32 to index
        %get3A_244 = arith.constant 64 : index
        %get3A_245 = tpu.vector_load %arg12[%get3A_243, %get3A_244] {strides = array<i32>} : memref<128x128xf32, #tpu.memory_space<vmem>>, vector<16xf32>,
        %get3A_246 = arith.index_cast %add3A_215 : i32 to index
        %get3A_247 = arith.constant 80 : index
        %get3A_248 = tpu.vector_load %arg10[%get3A_246, %get3A_247] {strides = array<i32>} : memref<128x128xf32, #tpu.memory_space<vmem>>, vector<16xf32>,
        %get3A_249 = arith.index_cast %add3A_215 : i32 to index
        %get3A_250 = arith.constant 80 : index
        %get3A_251 = tpu.vector_load %arg12[%get3A_249, %get3A_250] {strides = array<i32>} : memref<128x128xf32, #tpu.memory_space<vmem>>, vector<16xf32>,
        %get3A_252 = arith.index_cast %add3A_215 : i32 to index
        %get3A_253 = arith.constant 96 : index
        %get3A_254 = tpu.vector_load %arg10[%get3A_252, %get3A_253] {strides = array<i32>} : memref<128x128xf32, #tpu.memory_space<vmem>>, vector<16xf32>,
        %get3A_255 = arith.index_cast %add3A_215 : i32 to index
        %get3A_256 = arith.constant 96 : index
        %get3A_257 = tpu.vector_load %arg12[%get3A_255, %get3A_256] {strides = array<i32>} : memref<128x128xf32, #tpu.memory_space<vmem>>, vector<16xf32>,
        %get3A_258 = arith.index_cast %add3A_215 : i32 to index
        %get3A_259 = arith.constant 112 : index
        %get3A_260 = tpu.vector_load %arg10[%get3A_258, %get3A_259] {strides = array<i32>} : memref<128x128xf32, #tpu.memory_space<vmem>>, vector<16xf32>,
        %get3A_261 = arith.index_cast %add3A_215 : i32 to index
        %get3A_262 = arith.constant 112 : index
        %get3A_263 = tpu.vector_load %arg12[%get3A_261, %get3A_262] {strides = array<i32>} : memref<128x128xf32, #tpu.memory_space<vmem>>, vector<16xf32>,
        %mul3A_264 = arith.mulf %get3A_164, %get3A_167 : vector<16xf32>
        %mul3A_265 = arith.mulf %get3A_170, %get3A_173 : vector<16xf32>
        %mul3A_266 = arith.mulf %get3A_176, %get3A_179 : vector<16xf32>
        %mul3A_267 = arith.mulf %get3A_182, %get3A_185 : vector<16xf32>
        %mul3A_268 = arith.mulf %get3A_188, %get3A_191 : vector<16xf32>
        %mul3A_269 = arith.mulf %get3A_194, %get3A_197 : vector<16xf32>
        %mul3A_270 = arith.mulf %get3A_200, %get3A_203 : vector<16xf32>
        %mul3A_271 = arith.mulf %get3A_206, %get3A_209 : vector<16xf32>
        %add3A_272 = arith.addf %mul3A_264, %mul3A_265 : vector<16xf32>
        %add3A_273 = arith.addf %mul3A_266, %mul3A_267 : vector<16xf32>
        %add3A_274 = arith.addf %mul3A_268, %mul3A_269 : vector<16xf32>
        %add3A_275 = arith.addf %mul3A_270, %mul3A_271 : vector<16xf32>
        %add3A_276 = arith.addf %add3A_272, %add3A_273 : vector<16xf32>
        %add3A_277 = arith.addf %add3A_274, %add3A_275 : vector<16xf32>
        %add3A_278 = arith.addf %add3A_276, %add3A_277 : vector<16xf32>
        %swap3A = arith.constant 0 : index
        %swap3A_279 = tpu.vector_load %arg14[%swap3A] {strides = array<i32>} : memref<272xf32, #tpu.memory_space<vmem>>, vector<16xf32>,
        tpu.vector_store %arg14[%swap3A], %add3A_278 {strides = array<i32>} : memref<272xf32, #tpu.memory_space<vmem>>, vector<16xf32>,
        %mul3A_280 = arith.constant 16 : i32
        %mul3A_281 = arith.muli %add3A_160, %mul3A_280 : i32
        %add3A_282 = arith.constant 1 : i32
        %add3A_283 = arith.addi %mul3A_281, %add3A_282 : i32
        %add3A_284 = arith.constant 1 : i32
        %add3A_285 = arith.addi %add3A_283, %add3A_284 : i32
        %get3A_286 = arith.index_cast %add3A_285 : i32 to index
        %get3A_287 = arith.constant 0 : index
        %get3A_288 = tpu.vector_load %arg10[%get3A_286, %get3A_287] {strides = array<i32>} : memref<128x128xf32, #tpu.memory_space<vmem>>, vector<16xf32>,
        %get3A_289 = arith.index_cast %add3A_285 : i32 to index
        %get3A_290 = arith.constant 0 : index
        %get3A_291 = tpu.vector_load %arg12[%get3A_289, %get3A_290] {strides = array<i32>} : memref<128x128xf32, #tpu.memory_space<vmem>>, vector<16xf32>,
        %get3A_292 = arith.index_cast %add3A_285 : i32 to index
        %get3A_293 = arith.constant 16 : index
        %get3A_294 = tpu.vector_load %arg10[%get3A_292, %get3A_293] {strides = array<i32>} : memref<128x128xf32, #tpu.memory_space<vmem>>, vector<16xf32>,
        %get3A_295 = arith.index_cast %add3A_285 : i32 to index
        %get3A_296 = arith.constant 16 : index
        %get3A_297 = tpu.vector_load %arg12[%get3A_295, %get3A_296] {strides = array<i32>} : memref<128x128xf32, #tpu.memory_space<vmem>>, vector<16xf32>,
        %get3A_298 = arith.index_cast %add3A_285 : i32 to index
        %get3A_299 = arith.constant 32 : index
        %get3A_300 = tpu.vector_load %arg10[%get3A_298, %get3A_299] {strides = array<i32>} : memref<128x128xf32, #tpu.memory_space<vmem>>, vector<16xf32>,
        %get3A_301 = arith.index_cast %add3A_285 : i32 to index
        %get3A_302 = arith.constant 32 : index
        %get3A_303 = tpu.vector_load %arg12[%get3A_301, %get3A_302] {strides = array<i32>} : memref<128x128xf32, #tpu.memory_space<vmem>>, vector<16xf32>,
        %get3A_304 = arith.index_cast %add3A_285 : i32 to index
        %get3A_305 = arith.constant 48 : index
        %get3A_306 = tpu.vector_load %arg10[%get3A_304, %get3A_305] {strides = array<i32>} : memref<128x128xf32, #tpu.memory_space<vmem>>, vector<16xf32>,
        %get3A_307 = arith.index_cast %add3A_285 : i32 to index
        %get3A_308 = arith.constant 48 : index
        %get3A_309 = tpu.vector_load %arg12[%get3A_307, %get3A_308] {strides = array<i32>} : memref<128x128xf32, #tpu.memory_space<vmem>>, vector<16xf32>,
        %get3A_310 = arith.index_cast %add3A_285 : i32 to index
        %get3A_311 = arith.constant 64 : index
        %get3A_312 = tpu.vector_load %arg10[%get3A_310, %get3A_311] {strides = array<i32>} : memref<128x128xf32, #tpu.memory_space<vmem>>, vector<16xf32>,
        %get3A_313 = arith.index_cast %add3A_285 : i32 to index
        %get3A_314 = arith.constant 64 : index
        %get3A_315 = tpu.vector_load %arg12[%get3A_313, %get3A_314] {strides = array<i32>} : memref<128x128xf32, #tpu.memory_space<vmem>>, vector<16xf32>,
        %get3A_316 = arith.index_cast %add3A_285 : i32 to index
        %get3A_317 = arith.constant 80 : index
        %get3A_318 = tpu.vector_load %arg10[%get3A_316, %get3A_317] {strides = array<i32>} : memref<128x128xf32, #tpu.memory_space<vmem>>, vector<16xf32>,
        %get3A_319 = arith.index_cast %add3A_285 : i32 to index
        %get3A_320 = arith.constant 80 : index
        %get3A_321 = tpu.vector_load %arg12[%get3A_319, %get3A_320] {strides = array<i32>} : memref<128x128xf32, #tpu.memory_space<vmem>>, vector<16xf32>,
        %get3A_322 = arith.index_cast %add3A_285 : i32 to index
        %get3A_323 = arith.constant 96 : index
        %get3A_324 = tpu.vector_load %arg10[%get3A_322, %get3A_323] {strides = array<i32>} : memref<128x128xf32, #tpu.memory_space<vmem>>, vector<16xf32>,
        %get3A_325 = arith.index_cast %add3A_285 : i32 to index
        %get3A_326 = arith.constant 96 : index
        %get3A_327 = tpu.vector_load %arg12[%get3A_325, %get3A_326] {strides = array<i32>} : memref<128x128xf32, #tpu.memory_space<vmem>>, vector<16xf32>,
        %get3A_328 = arith.index_cast %add3A_285 : i32 to index
        %get3A_329 = arith.constant 112 : index
        %get3A_330 = tpu.vector_load %arg10[%get3A_328, %get3A_329] {strides = array<i32>} : memref<128x128xf32, #tpu.memory_space<vmem>>, vector<16xf32>,
        %get3A_331 = arith.index_cast %add3A_285 : i32 to index
        %get3A_332 = arith.constant 112 : index
        %get3A_333 = tpu.vector_load %arg12[%get3A_331, %get3A_332] {strides = array<i32>} : memref<128x128xf32, #tpu.memory_space<vmem>>, vector<16xf32>,
        %mul3A_334 = arith.mulf %get3A_218, %get3A_221 : vector<16xf32>
        %mul3A_335 = arith.mulf %get3A_224, %get3A_227 : vector<16xf32>
        %mul3A_336 = arith.mulf %get3A_230, %get3A_233 : vector<16xf32>
        %mul3A_337 = arith.mulf %get3A_236, %get3A_239 : vector<16xf32>
        %mul3A_338 = arith.mulf %get3A_242, %get3A_245 : vector<16xf32>
        %mul3A_339 = arith.mulf %get3A_248, %get3A_251 : vector<16xf32>
        %mul3A_340 = arith.mulf %get3A_254, %get3A_257 : vector<16xf32>
        %mul3A_341 = arith.mulf %get3A_260, %get3A_263 : vector<16xf32>
        %add3A_342 = arith.addf %mul3A_334, %mul3A_335 : vector<16xf32>
        %add3A_343 = arith.addf %mul3A_336, %mul3A_337 : vector<16xf32>
        %add3A_344 = arith.addf %mul3A_338, %mul3A_339 : vector<16xf32>
        %add3A_345 = arith.addf %mul3A_340, %mul3A_341 : vector<16xf32>
        %add3A_346 = arith.addf %add3A_342, %add3A_343 : vector<16xf32>
        %add3A_347 = arith.addf %add3A_344, %add3A_345 : vector<16xf32>
        %add3A_348 = arith.addf %add3A_346, %add3A_347 : vector<16xf32>
        %swap3A_349 = arith.constant 17 : index
        %swap3A_350 = tpu.vector_load %arg14[%swap3A_349] {strides = array<i32>} : memref<272xf32, #tpu.memory_space<vmem>>, vector<16xf32>,
        tpu.vector_store %arg14[%swap3A_349], %add3A_348 {strides = array<i32>} : memref<272xf32, #tpu.memory_space<vmem>>, vector<16xf32>,
        %mul3A_351 = arith.constant 16 : i32
        %mul3A_352 = arith.muli %add3A_160, %mul3A_351 : i32
        %add3A_353 = arith.constant 2 : i32
        %add3A_354 = arith.addi %mul3A_352, %add3A_353 : i32
        %add3A_355 = arith.constant 1 : i32
        %add3A_356 = arith.addi %add3A_354, %add3A_355 : i32
        %get3A_357 = arith.index_cast %add3A_356 : i32 to index
        %get3A_358 = arith.constant 0 : index
        %get3A_359 = tpu.vector_load %arg10[%get3A_357, %get3A_358] {strides = array<i32>} : memref<128x128xf32, #tpu.memory_space<vmem>>, vector<16xf32>,
        %get3A_360 = arith.index_cast %add3A_356 : i32 to index
        %get3A_361 = arith.constant 0 : index
        %get3A_362 = tpu.vector_load %arg12[%get3A_360, %get3A_361] {strides = array<i32>} : memref<128x128xf32, #tpu.memory_space<vmem>>, vector<16xf32>,
        %get3A_363 = arith.index_cast %add3A_356 : i32 to index
        %get3A_364 = arith.constant 16 : index
        %get3A_365 = tpu.vector_load %arg10[%get3A_363, %get3A_364] {strides = array<i32>} : memref<128x128xf32, #tpu.memory_space<vmem>>, vector<16xf32>,
        %get3A_366 = arith.index_cast %add3A_356 : i32 to index
        %get3A_367 = arith.constant 16 : index
        %get3A_368 = tpu.vector_load %arg12[%get3A_366, %get3A_367] {strides = array<i32>} : memref<128x128xf32, #tpu.memory_space<vmem>>, vector<16xf32>,
        %get3A_369 = arith.index_cast %add3A_356 : i32 to index
        %get3A_370 = arith.constant 32 : index
        %get3A_371 = tpu.vector_load %arg10[%get3A_369, %get3A_370] {strides = array<i32>} : memref<128x128xf32, #tpu.memory_space<vmem>>, vector<16xf32>,
        %get3A_372 = arith.index_cast %add3A_356 : i32 to index
        %get3A_373 = arith.constant 32 : index
        %get3A_374 = tpu.vector_load %arg12[%get3A_372, %get3A_373] {strides = array<i32>} : memref<128x128xf32, #tpu.memory_space<vmem>>, vector<16xf32>,
        %get3A_375 = arith.index_cast %add3A_356 : i32 to index
        %get3A_376 = arith.constant 48 : index
        %get3A_377 = tpu.vector_load %arg10[%get3A_375, %get3A_376] {strides = array<i32>} : memref<128x128xf32, #tpu.memory_space<vmem>>, vector<16xf32>,
        %get3A_378 = arith.index_cast %add3A_356 : i32 to index
        %get3A_379 = arith.constant 48 : index
        %get3A_380 = tpu.vector_load %arg12[%get3A_378, %get3A_379] {strides = array<i32>} : memref<128x128xf32, #tpu.memory_space<vmem>>, vector<16xf32>,
        %get3A_381 = arith.index_cast %add3A_356 : i32 to index
        %get3A_382 = arith.constant 64 : index
        %get3A_383 = tpu.vector_load %arg10[%get3A_381, %get3A_382] {strides = array<i32>} : memref<128x128xf32, #tpu.memory_space<vmem>>, vector<16xf32>,
        %get3A_384 = arith.index_cast %add3A_356 : i32 to index
        %get3A_385 = arith.constant 64 : index
        %get3A_386 = tpu.vector_load %arg12[%get3A_384, %get3A_385] {strides = array<i32>} : memref<128x128xf32, #tpu.memory_space<vmem>>, vector<16xf32>,
        %get3A_387 = arith.index_cast %add3A_356 : i32 to index
        %get3A_388 = arith.constant 80 : index
        %get3A_389 = tpu.vector_load %arg10[%get3A_387, %get3A_388] {strides = array<i32>} : memref<128x128xf32, #tpu.memory_space<vmem>>, vector<16xf32>,
        %get3A_390 = arith.index_cast %add3A_356 : i32 to index
        %get3A_391 = arith.constant 80 : index
        %get3A_392 = tpu.vector_load %arg12[%get3A_390, %get3A_391] {strides = array<i32>} : memref<128x128xf32, #tpu.memory_space<vmem>>, vector<16xf32>,
        %get3A_393 = arith.index_cast %add3A_356 : i32 to index
        %get3A_394 = arith.constant 96 : index
        %get3A_395 = tpu.vector_load %arg10[%get3A_393, %get3A_394] {strides = array<i32>} : memref<128x128xf32, #tpu.memory_space<vmem>>, vector<16xf32>,
        %get3A_396 = arith.index_cast %add3A_356 : i32 to index
        %get3A_397 = arith.constant 96 : index
        %get3A_398 = tpu.vector_load %arg12[%get3A_396, %get3A_397] {strides = array<i32>} : memref<128x128xf32, #tpu.memory_space<vmem>>, vector<16xf32>,
        %get3A_399 = arith.index_cast %add3A_356 : i32 to index
        %get3A_400 = arith.constant 112 : index
        %get3A_401 = tpu.vector_load %arg10[%get3A_399, %get3A_400] {strides = array<i32>} : memref<128x128xf32, #tpu.memory_space<vmem>>, vector<16xf32>,
        %get3A_402 = arith.index_cast %add3A_356 : i32 to index
        %get3A_403 = arith.constant 112 : index
        %get3A_404 = tpu.vector_load %arg12[%get3A_402, %get3A_403] {strides = array<i32>} : memref<128x128xf32, #tpu.memory_space<vmem>>, vector<16xf32>,
        %mul3A_405 = arith.mulf %get3A_288, %get3A_291 : vector<16xf32>
        %mul3A_406 = arith.mulf %get3A_294, %get3A_297 : vector<16xf32>
        %mul3A_407 = arith.mulf %get3A_300, %get3A_303 : vector<16xf32>
        %mul3A_408 = arith.mulf %get3A_306, %get3A_309 : vector<16xf32>
        %mul3A_409 = arith.mulf %get3A_312, %get3A_315 : vector<16xf32>
        %mul3A_410 = arith.mulf %get3A_318, %get3A_321 : vector<16xf32>
        %mul3A_411 = arith.mulf %get3A_324, %get3A_327 : vector<16xf32>
        %mul3A_412 = arith.mulf %get3A_330, %get3A_333 : vector<16xf32>
        %add3A_413 = arith.addf %mul3A_405, %mul3A_406 : vector<16xf32>
        %add3A_414 = arith.addf %mul3A_407, %mul3A_408 : vector<16xf32>
        %add3A_415 = arith.addf %mul3A_409, %mul3A_410 : vector<16xf32>
        %add3A_416 = arith.addf %mul3A_411, %mul3A_412 : vector<16xf32>
        %add3A_417 = arith.addf %add3A_413, %add3A_414 : vector<16xf32>
        %add3A_418 = arith.addf %add3A_415, %add3A_416 : vector<16xf32>
        %add3A_419 = arith.addf %add3A_417, %add3A_418 : vector<16xf32>
        %swap3A_420 = arith.constant 34 : index
        %swap3A_421 = tpu.vector_load %arg14[%swap3A_420] {strides = array<i32>} : memref<272xf32, #tpu.memory_space<vmem>>, vector<16xf32>,
        tpu.vector_store %arg14[%swap3A_420], %add3A_419 {strides = array<i32>} : memref<272xf32, #tpu.memory_space<vmem>>, vector<16xf32>,
        %mul3A_422 = arith.constant 16 : i32
        %mul3A_423 = arith.muli %add3A_160, %mul3A_422 : i32
        %add3A_424 = arith.constant 3 : i32
        %add3A_425 = arith.addi %mul3A_423, %add3A_424 : i32
        %add3A_426 = arith.constant 1 : i32
        %add3A_427 = arith.addi %add3A_425, %add3A_426 : i32
        %get3A_428 = arith.index_cast %add3A_427 : i32 to index
        %get3A_429 = arith.constant 0 : index
        %get3A_430 = tpu.vector_load %arg10[%get3A_428, %get3A_429] {strides = array<i32>} : memref<128x128xf32, #tpu.memory_space<vmem>>, vector<16xf32>,
        %get3A_431 = arith.index_cast %add3A_427 : i32 to index
        %get3A_432 = arith.constant 0 : index
        %get3A_433 = tpu.vector_load %arg12[%get3A_431, %get3A_432] {strides = array<i32>} : memref<128x128xf32, #tpu.memory_space<vmem>>, vector<16xf32>,
        %get3A_434 = arith.index_cast %add3A_427 : i32 to index
        %get3A_435 = arith.constant 16 : index
        %get3A_436 = tpu.vector_load %arg10[%get3A_434, %get3A_435] {strides = array<i32>} : memref<128x128xf32, #tpu.memory_space<vmem>>, vector<16xf32>,
        %get3A_437 = arith.index_cast %add3A_427 : i32 to index
        %get3A_438 = arith.constant 16 : index
        %get3A_439 = tpu.vector_load %arg12[%get3A_437, %get3A_438] {strides = array<i32>} : memref<128x128xf32, #tpu.memory_space<vmem>>, vector<16xf32>,
        %get3A_440 = arith.index_cast %add3A_427 : i32 to index
        %get3A_441 = arith.constant 32 : index
        %get3A_442 = tpu.vector_load %arg10[%get3A_440, %get3A_441] {strides = array<i32>} : memref<128x128xf32, #tpu.memory_space<vmem>>, vector<16xf32>,
        %get3A_443 = arith.index_cast %add3A_427 : i32 to index
        %get3A_444 = arith.constant 32 : index
        %get3A_445 = tpu.vector_load %arg12[%get3A_443, %get3A_444] {strides = array<i32>} : memref<128x128xf32, #tpu.memory_space<vmem>>, vector<16xf32>,
        %get3A_446 = arith.index_cast %add3A_427 : i32 to index
        %get3A_447 = arith.constant 48 : index
        %get3A_448 = tpu.vector_load %arg10[%get3A_446, %get3A_447] {strides = array<i32>} : memref<128x128xf32, #tpu.memory_space<vmem>>, vector<16xf32>,
        %get3A_449 = arith.index_cast %add3A_427 : i32 to index
        %get3A_450 = arith.constant 48 : index
        %get3A_451 = tpu.vector_load %arg12[%get3A_449, %get3A_450] {strides = array<i32>} : memref<128x128xf32, #tpu.memory_space<vmem>>, vector<16xf32>,
        %get3A_452 = arith.index_cast %add3A_427 : i32 to index
        %get3A_453 = arith.constant 64 : index
        %get3A_454 = tpu.vector_load %arg10[%get3A_452, %get3A_453] {strides = array<i32>} : memref<128x128xf32, #tpu.memory_space<vmem>>, vector<16xf32>,
        %get3A_455 = arith.index_cast %add3A_427 : i32 to index
        %get3A_456 = arith.constant 64 : index
        %get3A_457 = tpu.vector_load %arg12[%get3A_455, %get3A_456] {strides = array<i32>} : memref<128x128xf32, #tpu.memory_space<vmem>>, vector<16xf32>,
        %get3A_458 = arith.index_cast %add3A_427 : i32 to index
        %get3A_459 = arith.constant 80 : index
        %get3A_460 = tpu.vector_load %arg10[%get3A_458, %get3A_459] {strides = array<i32>} : memref<128x128xf32, #tpu.memory_space<vmem>>, vector<16xf32>,
        %get3A_461 = arith.index_cast %add3A_427 : i32 to index
        %get3A_462 = arith.constant 80 : index
        %get3A_463 = tpu.vector_load %arg12[%get3A_461, %get3A_462] {strides = array<i32>} : memref<128x128xf32, #tpu.memory_space<vmem>>, vector<16xf32>,
        %get3A_464 = arith.index_cast %add3A_427 : i32 to index
        %get3A_465 = arith.constant 96 : index
        %get3A_466 = tpu.vector_load %arg10[%get3A_464, %get3A_465] {strides = array<i32>} : memref<128x128xf32, #tpu.memory_space<vmem>>, vector<16xf32>,
        %get3A_467 = arith.index_cast %add3A_427 : i32 to index
        %get3A_468 = arith.constant 96 : index
        %get3A_469 = tpu.vector_load %arg12[%get3A_467, %get3A_468] {strides = array<i32>} : memref<128x128xf32, #tpu.memory_space<vmem>>, vector<16xf32>,
        %get3A_470 = arith.index_cast %add3A_427 : i32 to index
        %get3A_471 = arith.constant 112 : index
        %get3A_472 = tpu.vector_load %arg10[%get3A_470, %get3A_471] {strides = array<i32>} : memref<128x128xf32, #tpu.memory_space<vmem>>, vector<16xf32>,
        %get3A_473 = arith.index_cast %add3A_427 : i32 to index
        %get3A_474 = arith.constant 112 : index
        %get3A_475 = tpu.vector_load %arg12[%get3A_473, %get3A_474] {strides = array<i32>} : memref<128x128xf32, #tpu.memory_space<vmem>>, vector<16xf32>,
        %mul3A_476 = arith.mulf %get3A_359, %get3A_362 : vector<16xf32>
        %mul3A_477 = arith.mulf %get3A_365, %get3A_368 : vector<16xf32>
        %mul3A_478 = arith.mulf %get3A_371, %get3A_374 : vector<16xf32>
        %mul3A_479 = arith.mulf %get3A_377, %get3A_380 : vector<16xf32>
        %mul3A_480 = arith.mulf %get3A_383, %get3A_386 : vector<16xf32>
        %mul3A_481 = arith.mulf %get3A_389, %get3A_392 : vector<16xf32>
        %mul3A_482 = arith.mulf %get3A_395, %get3A_398 : vector<16xf32>
        %mul3A_483 = arith.mulf %get3A_401, %get3A_404 : vector<16xf32>
        %add3A_484 = arith.addf %mul3A_476, %mul3A_477 : vector<16xf32>
        %add3A_485 = arith.addf %mul3A_478, %mul3A_479 : vector<16xf32>
        %add3A_486 = arith.addf %mul3A_480, %mul3A_481 : vector<16xf32>
        %add3A_487 = arith.addf %mul3A_482, %mul3A_483 : vector<16xf32>
        %add3A_488 = arith.addf %add3A_484, %add3A_485 : vector<16xf32>
        %add3A_489 = arith.addf %add3A_486, %add3A_487 : vector<16xf32>
        %add3A_490 = arith.addf %add3A_488, %add3A_489 : vector<16xf32>
        %swap3A_491 = arith.constant 51 : index
        %swap3A_492 = tpu.vector_load %arg14[%swap3A_491] {strides = array<i32>} : memref<272xf32, #tpu.memory_space<vmem>>, vector<16xf32>,
        tpu.vector_store %arg14[%swap3A_491], %add3A_490 {strides = array<i32>} : memref<272xf32, #tpu.memory_space<vmem>>, vector<16xf32>,
        %mul3A_493 = arith.constant 16 : i32
        %mul3A_494 = arith.muli %add3A_160, %mul3A_493 : i32
        %add3A_495 = arith.constant 4 : i32
        %add3A_496 = arith.addi %mul3A_494, %add3A_495 : i32
        %add3A_497 = arith.constant 1 : i32
        %add3A_498 = arith.addi %add3A_496, %add3A_497 : i32
        %get3A_499 = arith.index_cast %add3A_498 : i32 to index
        %get3A_500 = arith.constant 0 : index
        %get3A_501 = tpu.vector_load %arg10[%get3A_499, %get3A_500] {strides = array<i32>} : memref<128x128xf32, #tpu.memory_space<vmem>>, vector<16xf32>,
        %get3A_502 = arith.index_cast %add3A_498 : i32 to index
        %get3A_503 = arith.constant 0 : index
        %get3A_504 = tpu.vector_load %arg12[%get3A_502, %get3A_503] {strides = array<i32>} : memref<128x128xf32, #tpu.memory_space<vmem>>, vector<16xf32>,
        %get3A_505 = arith.index_cast %add3A_498 : i32 to index
        %get3A_506 = arith.constant 16 : index
        %get3A_507 = tpu.vector_load %arg10[%get3A_505, %get3A_506] {strides = array<i32>} : memref<128x128xf32, #tpu.memory_space<vmem>>, vector<16xf32>,
        %get3A_508 = arith.index_cast %add3A_498 : i32 to index
        %get3A_509 = arith.constant 16 : index
        %get3A_510 = tpu.vector_load %arg12[%get3A_508, %get3A_509] {strides = array<i32>} : memref<128x128xf32, #tpu.memory_space<vmem>>, vector<16xf32>,
        %get3A_511 = arith.index_cast %add3A_498 : i32 to index
        %get3A_512 = arith.constant 32 : index
        %get3A_513 = tpu.vector_load %arg10[%get3A_511, %get3A_512] {strides = array<i32>} : memref<128x128xf32, #tpu.memory_space<vmem>>, vector<16xf32>,
        %get3A_514 = arith.index_cast %add3A_498 : i32 to index
        %get3A_515 = arith.constant 32 : index
        %get3A_516 = tpu.vector_load %arg12[%get3A_514, %get3A_515] {strides = array<i32>} : memref<128x128xf32, #tpu.memory_space<vmem>>, vector<16xf32>,
        %get3A_517 = arith.index_cast %add3A_498 : i32 to index
        %get3A_518 = arith.constant 48 : index
        %get3A_519 = tpu.vector_load %arg10[%get3A_517, %get3A_518] {strides = array<i32>} : memref<128x128xf32, #tpu.memory_space<vmem>>, vector<16xf32>,
        %get3A_520 = arith.index_cast %add3A_498 : i32 to index
        %get3A_521 = arith.constant 48 : index
        %get3A_522 = tpu.vector_load %arg12[%get3A_520, %get3A_521] {strides = array<i32>} : memref<128x128xf32, #tpu.memory_space<vmem>>, vector<16xf32>,
        %get3A_523 = arith.index_cast %add3A_498 : i32 to index
        %get3A_524 = arith.constant 64 : index
        %get3A_525 = tpu.vector_load %arg10[%get3A_523, %get3A_524] {strides = array<i32>} : memref<128x128xf32, #tpu.memory_space<vmem>>, vector<16xf32>,
        %get3A_526 = arith.index_cast %add3A_498 : i32 to index
        %get3A_527 = arith.constant 64 : index
        %get3A_528 = tpu.vector_load %arg12[%get3A_526, %get3A_527] {strides = array<i32>} : memref<128x128xf32, #tpu.memory_space<vmem>>, vector<16xf32>,
        %get3A_529 = arith.index_cast %add3A_498 : i32 to index
        %get3A_530 = arith.constant 80 : index
        %get3A_531 = tpu.vector_load %arg10[%get3A_529, %get3A_530] {strides = array<i32>} : memref<128x128xf32, #tpu.memory_space<vmem>>, vector<16xf32>,
        %get3A_532 = arith.index_cast %add3A_498 : i32 to index
        %get3A_533 = arith.constant 80 : index
        %get3A_534 = tpu.vector_load %arg12[%get3A_532, %get3A_533] {strides = array<i32>} : memref<128x128xf32, #tpu.memory_space<vmem>>, vector<16xf32>,
        %get3A_535 = arith.index_cast %add3A_498 : i32 to index
        %get3A_536 = arith.constant 96 : index
        %get3A_537 = tpu.vector_load %arg10[%get3A_535, %get3A_536] {strides = array<i32>} : memref<128x128xf32, #tpu.memory_space<vmem>>, vector<16xf32>,
        %get3A_538 = arith.index_cast %add3A_498 : i32 to index
        %get3A_539 = arith.constant 96 : index
        %get3A_540 = tpu.vector_load %arg12[%get3A_538, %get3A_539] {strides = array<i32>} : memref<128x128xf32, #tpu.memory_space<vmem>>, vector<16xf32>,
        %get3A_541 = arith.index_cast %add3A_498 : i32 to index
        %get3A_542 = arith.constant 112 : index
        %get3A_543 = tpu.vector_load %arg10[%get3A_541, %get3A_542] {strides = array<i32>} : memref<128x128xf32, #tpu.memory_space<vmem>>, vector<16xf32>,
        %get3A_544 = arith.index_cast %add3A_498 : i32 to index
        %get3A_545 = arith.constant 112 : index
        %get3A_546 = tpu.vector_load %arg12[%get3A_544, %get3A_545] {strides = array<i32>} : memref<128x128xf32, #tpu.memory_space<vmem>>, vector<16xf32>,
        %mul3A_547 = arith.mulf %get3A_430, %get3A_433 : vector<16xf32>
        %mul3A_548 = arith.mulf %get3A_436, %get3A_439 : vector<16xf32>
        %mul3A_549 = arith.mulf %get3A_442, %get3A_445 : vector<16xf32>
        %mul3A_550 = arith.mulf %get3A_448, %get3A_451 : vector<16xf32>
        %mul3A_551 = arith.mulf %get3A_454, %get3A_457 : vector<16xf32>
        %mul3A_552 = arith.mulf %get3A_460, %get3A_463 : vector<16xf32>
        %mul3A_553 = arith.mulf %get3A_466, %get3A_469 : vector<16xf32>
        %mul3A_554 = arith.mulf %get3A_472, %get3A_475 : vector<16xf32>
        %add3A_555 = arith.addf %mul3A_547, %mul3A_548 : vector<16xf32>
        %add3A_556 = arith.addf %mul3A_549, %mul3A_550 : vector<16xf32>
        %add3A_557 = arith.addf %mul3A_551, %mul3A_552 : vector<16xf32>
        %add3A_558 = arith.addf %mul3A_553, %mul3A_554 : vector<16xf32>
        %add3A_559 = arith.addf %add3A_555, %add3A_556 : vector<16xf32>
        %add3A_560 = arith.addf %add3A_557, %add3A_558 : vector<16xf32>
        %add3A_561 = arith.addf %add3A_559, %add3A_560 : vector<16xf32>
        %swap3A_562 = arith.constant 68 : index
        %swap3A_563 = tpu.vector_load %arg14[%swap3A_562] {strides = array<i32>} : memref<272xf32, #tpu.memory_space<vmem>>, vector<16xf32>,
        tpu.vector_store %arg14[%swap3A_562], %add3A_561 {strides = array<i32>} : memref<272xf32, #tpu.memory_space<vmem>>, vector<16xf32>,
        %mul3A_564 = arith.constant 16 : i32
        %mul3A_565 = arith.muli %add3A_160, %mul3A_564 : i32
        %add3A_566 = arith.constant 5 : i32
        %add3A_567 = arith.addi %mul3A_565, %add3A_566 : i32
        %add3A_568 = arith.constant 1 : i32
        %add3A_569 = arith.addi %add3A_567, %add3A_568 : i32
        %get3A_570 = arith.index_cast %add3A_569 : i32 to index
        %get3A_571 = arith.constant 0 : index
        %get3A_572 = tpu.vector_load %arg10[%get3A_570, %get3A_571] {strides = array<i32>} : memref<128x128xf32, #tpu.memory_space<vmem>>, vector<16xf32>,
        %get3A_573 = arith.index_cast %add3A_569 : i32 to index
        %get3A_574 = arith.constant 0 : index
        %get3A_575 = tpu.vector_load %arg12[%get3A_573, %get3A_574] {strides = array<i32>} : memref<128x128xf32, #tpu.memory_space<vmem>>, vector<16xf32>,
        %get3A_576 = arith.index_cast %add3A_569 : i32 to index
        %get3A_577 = arith.constant 16 : index
        %get3A_578 = tpu.vector_load %arg10[%get3A_576, %get3A_577] {strides = array<i32>} : memref<128x128xf32, #tpu.memory_space<vmem>>, vector<16xf32>,
        %get3A_579 = arith.index_cast %add3A_569 : i32 to index
        %get3A_580 = arith.constant 16 : index
        %get3A_581 = tpu.vector_load %arg12[%get3A_579, %get3A_580] {strides = array<i32>} : memref<128x128xf32, #tpu.memory_space<vmem>>, vector<16xf32>,
        %get3A_582 = arith.index_cast %add3A_569 : i32 to index
        %get3A_583 = arith.constant 32 : index
        %get3A_584 = tpu.vector_load %arg10[%get3A_582, %get3A_583] {strides = array<i32>} : memref<128x128xf32, #tpu.memory_space<vmem>>, vector<16xf32>,
        %get3A_585 = arith.index_cast %add3A_569 : i32 to index
        %get3A_586 = arith.constant 32 : index
        %get3A_587 = tpu.vector_load %arg12[%get3A_585, %get3A_586] {strides = array<i32>} : memref<128x128xf32, #tpu.memory_space<vmem>>, vector<16xf32>,
        %get3A_588 = arith.index_cast %add3A_569 : i32 to index
        %get3A_589 = arith.constant 48 : index
        %get3A_590 = tpu.vector_load %arg10[%get3A_588, %get3A_589] {strides = array<i32>} : memref<128x128xf32, #tpu.memory_space<vmem>>, vector<16xf32>,
        %get3A_591 = arith.index_cast %add3A_569 : i32 to index
        %get3A_592 = arith.constant 48 : index
        %get3A_593 = tpu.vector_load %arg12[%get3A_591, %get3A_592] {strides = array<i32>} : memref<128x128xf32, #tpu.memory_space<vmem>>, vector<16xf32>,
        %get3A_594 = arith.index_cast %add3A_569 : i32 to index
        %get3A_595 = arith.constant 64 : index
        %get3A_596 = tpu.vector_load %arg10[%get3A_594, %get3A_595] {strides = array<i32>} : memref<128x128xf32, #tpu.memory_space<vmem>>, vector<16xf32>,
        %get3A_597 = arith.index_cast %add3A_569 : i32 to index
        %get3A_598 = arith.constant 64 : index
        %get3A_599 = tpu.vector_load %arg12[%get3A_597, %get3A_598] {strides = array<i32>} : memref<128x128xf32, #tpu.memory_space<vmem>>, vector<16xf32>,
        %get3A_600 = arith.index_cast %add3A_569 : i32 to index
        %get3A_601 = arith.constant 80 : index
        %get3A_602 = tpu.vector_load %arg10[%get3A_600, %get3A_601] {strides = array<i32>} : memref<128x128xf32, #tpu.memory_space<vmem>>, vector<16xf32>,
        %get3A_603 = arith.index_cast %add3A_569 : i32 to index
        %get3A_604 = arith.constant 80 : index
        %get3A_605 = tpu.vector_load %arg12[%get3A_603, %get3A_604] {strides = array<i32>} : memref<128x128xf32, #tpu.memory_space<vmem>>, vector<16xf32>,
        %get3A_606 = arith.index_cast %add3A_569 : i32 to index
        %get3A_607 = arith.constant 96 : index
        %get3A_608 = tpu.vector_load %arg10[%get3A_606, %get3A_607] {strides = array<i32>} : memref<128x128xf32, #tpu.memory_space<vmem>>, vector<16xf32>,
        %get3A_609 = arith.index_cast %add3A_569 : i32 to index
        %get3A_610 = arith.constant 96 : index
        %get3A_611 = tpu.vector_load %arg12[%get3A_609, %get3A_610] {strides = array<i32>} : memref<128x128xf32, #tpu.memory_space<vmem>>, vector<16xf32>,
        %get3A_612 = arith.index_cast %add3A_569 : i32 to index
        %get3A_613 = arith.constant 112 : index
        %get3A_614 = tpu.vector_load %arg10[%get3A_612, %get3A_613] {strides = array<i32>} : memref<128x128xf32, #tpu.memory_space<vmem>>, vector<16xf32>,
        %get3A_615 = arith.index_cast %add3A_569 : i32 to index
        %get3A_616 = arith.constant 112 : index
        %get3A_617 = tpu.vector_load %arg12[%get3A_615, %get3A_616] {strides = array<i32>} : memref<128x128xf32, #tpu.memory_space<vmem>>, vector<16xf32>,
        %mul3A_618 = arith.mulf %get3A_501, %get3A_504 : vector<16xf32>
        %mul3A_619 = arith.mulf %get3A_507, %get3A_510 : vector<16xf32>
        %mul3A_620 = arith.mulf %get3A_513, %get3A_516 : vector<16xf32>
        %mul3A_621 = arith.mulf %get3A_519, %get3A_522 : vector<16xf32>
        %mul3A_622 = arith.mulf %get3A_525, %get3A_528 : vector<16xf32>
        %mul3A_623 = arith.mulf %get3A_531, %get3A_534 : vector<16xf32>
        %mul3A_624 = arith.mulf %get3A_537, %get3A_540 : vector<16xf32>
        %mul3A_625 = arith.mulf %get3A_543, %get3A_546 : vector<16xf32>
        %add3A_626 = arith.addf %mul3A_618, %mul3A_619 : vector<16xf32>
        %add3A_627 = arith.addf %mul3A_620, %mul3A_621 : vector<16xf32>
        %add3A_628 = arith.addf %mul3A_622, %mul3A_623 : vector<16xf32>
        %add3A_629 = arith.addf %mul3A_624, %mul3A_625 : vector<16xf32>
        %add3A_630 = arith.addf %add3A_626, %add3A_627 : vector<16xf32>
        %add3A_631 = arith.addf %add3A_628, %add3A_629 : vector<16xf32>
        %add3A_632 = arith.addf %add3A_630, %add3A_631 : vector<16xf32>
        %swap3A_633 = arith.constant 85 : index
        %swap3A_634 = tpu.vector_load %arg14[%swap3A_633] {strides = array<i32>} : memref<272xf32, #tpu.memory_space<vmem>>, vector<16xf32>,
        tpu.vector_store %arg14[%swap3A_633], %add3A_632 {strides = array<i32>} : memref<272xf32, #tpu.memory_space<vmem>>, vector<16xf32>,
        %mul3A_635 = arith.constant 16 : i32
        %mul3A_636 = arith.muli %add3A_160, %mul3A_635 : i32
        %add3A_637 = arith.constant 6 : i32
        %add3A_638 = arith.addi %mul3A_636, %add3A_637 : i32
        %add3A_639 = arith.constant 1 : i32
        %add3A_640 = arith.addi %add3A_638, %add3A_639 : i32
        %get3A_641 = arith.index_cast %add3A_640 : i32 to index
        %get3A_642 = arith.constant 0 : index
        %get3A_643 = tpu.vector_load %arg10[%get3A_641, %get3A_642] {strides = array<i32>} : memref<128x128xf32, #tpu.memory_space<vmem>>, vector<16xf32>,
        %get3A_644 = arith.index_cast %add3A_640 : i32 to index
        %get3A_645 = arith.constant 0 : index
        %get3A_646 = tpu.vector_load %arg12[%get3A_644, %get3A_645] {strides = array<i32>} : memref<128x128xf32, #tpu.memory_space<vmem>>, vector<16xf32>,
        %get3A_647 = arith.index_cast %add3A_640 : i32 to index
        %get3A_648 = arith.constant 16 : index
        %get3A_649 = tpu.vector_load %arg10[%get3A_647, %get3A_648] {strides = array<i32>} : memref<128x128xf32, #tpu.memory_space<vmem>>, vector<16xf32>,
        %get3A_650 = arith.index_cast %add3A_640 : i32 to index
        %get3A_651 = arith.constant 16 : index
        %get3A_652 = tpu.vector_load %arg12[%get3A_650, %get3A_651] {strides = array<i32>} : memref<128x128xf32, #tpu.memory_space<vmem>>, vector<16xf32>,
        %get3A_653 = arith.index_cast %add3A_640 : i32 to index
        %get3A_654 = arith.constant 32 : index
        %get3A_655 = tpu.vector_load %arg10[%get3A_653, %get3A_654] {strides = array<i32>} : memref<128x128xf32, #tpu.memory_space<vmem>>, vector<16xf32>,
        %get3A_656 = arith.index_cast %add3A_640 : i32 to index
        %get3A_657 = arith.constant 32 : index
        %get3A_658 = tpu.vector_load %arg12[%get3A_656, %get3A_657] {strides = array<i32>} : memref<128x128xf32, #tpu.memory_space<vmem>>, vector<16xf32>,
        %get3A_659 = arith.index_cast %add3A_640 : i32 to index
        %get3A_660 = arith.constant 48 : index
        %get3A_661 = tpu.vector_load %arg10[%get3A_659, %get3A_660] {strides = array<i32>} : memref<128x128xf32, #tpu.memory_space<vmem>>, vector<16xf32>,
        %get3A_662 = arith.index_cast %add3A_640 : i32 to index
        %get3A_663 = arith.constant 48 : index
        %get3A_664 = tpu.vector_load %arg12[%get3A_662, %get3A_663] {strides = array<i32>} : memref<128x128xf32, #tpu.memory_space<vmem>>, vector<16xf32>,
        %get3A_665 = arith.index_cast %add3A_640 : i32 to index
        %get3A_666 = arith.constant 64 : index
        %get3A_667 = tpu.vector_load %arg10[%get3A_665, %get3A_666] {strides = array<i32>} : memref<128x128xf32, #tpu.memory_space<vmem>>, vector<16xf32>,
        %get3A_668 = arith.index_cast %add3A_640 : i32 to index
        %get3A_669 = arith.constant 64 : index
        %get3A_670 = tpu.vector_load %arg12[%get3A_668, %get3A_669] {strides = array<i32>} : memref<128x128xf32, #tpu.memory_space<vmem>>, vector<16xf32>,
        %get3A_671 = arith.index_cast %add3A_640 : i32 to index
        %get3A_672 = arith.constant 80 : index
        %get3A_673 = tpu.vector_load %arg10[%get3A_671, %get3A_672] {strides = array<i32>} : memref<128x128xf32, #tpu.memory_space<vmem>>, vector<16xf32>,
        %get3A_674 = arith.index_cast %add3A_640 : i32 to index
        %get3A_675 = arith.constant 80 : index
        %get3A_676 = tpu.vector_load %arg12[%get3A_674, %get3A_675] {strides = array<i32>} : memref<128x128xf32, #tpu.memory_space<vmem>>, vector<16xf32>,
        %get3A_677 = arith.index_cast %add3A_640 : i32 to index
        %get3A_678 = arith.constant 96 : index
        %get3A_679 = tpu.vector_load %arg10[%get3A_677, %get3A_678] {strides = array<i32>} : memref<128x128xf32, #tpu.memory_space<vmem>>, vector<16xf32>,
        %get3A_680 = arith.index_cast %add3A_640 : i32 to index
        %get3A_681 = arith.constant 96 : index
        %get3A_682 = tpu.vector_load %arg12[%get3A_680, %get3A_681] {strides = array<i32>} : memref<128x128xf32, #tpu.memory_space<vmem>>, vector<16xf32>,
        %get3A_683 = arith.index_cast %add3A_640 : i32 to index
        %get3A_684 = arith.constant 112 : index
        %get3A_685 = tpu.vector_load %arg10[%get3A_683, %get3A_684] {strides = array<i32>} : memref<128x128xf32, #tpu.memory_space<vmem>>, vector<16xf32>,
        %get3A_686 = arith.index_cast %add3A_640 : i32 to index
        %get3A_687 = arith.constant 112 : index
        %get3A_688 = tpu.vector_load %arg12[%get3A_686, %get3A_687] {strides = array<i32>} : memref<128x128xf32, #tpu.memory_space<vmem>>, vector<16xf32>,
        %mul3A_689 = arith.mulf %get3A_572, %get3A_575 : vector<16xf32>
        %mul3A_690 = arith.mulf %get3A_578, %get3A_581 : vector<16xf32>
        %mul3A_691 = arith.mulf %get3A_584, %get3A_587 : vector<16xf32>
        %mul3A_692 = arith.mulf %get3A_590, %get3A_593 : vector<16xf32>
        %mul3A_693 = arith.mulf %get3A_596, %get3A_599 : vector<16xf32>
        %mul3A_694 = arith.mulf %get3A_602, %get3A_605 : vector<16xf32>
        %mul3A_695 = arith.mulf %get3A_608, %get3A_611 : vector<16xf32>
        %mul3A_696 = arith.mulf %get3A_614, %get3A_617 : vector<16xf32>
        %add3A_697 = arith.addf %mul3A_689, %mul3A_690 : vector<16xf32>
        %add3A_698 = arith.addf %mul3A_691, %mul3A_692 : vector<16xf32>
        %add3A_699 = arith.addf %mul3A_693, %mul3A_694 : vector<16xf32>
        %add3A_700 = arith.addf %mul3A_695, %mul3A_696 : vector<16xf32>
        %add3A_701 = arith.addf %add3A_697, %add3A_698 : vector<16xf32>
        %add3A_702 = arith.addf %add3A_699, %add3A_700 : vector<16xf32>
        %add3A_703 = arith.addf %add3A_701, %add3A_702 : vector<16xf32>
        %swap3A_704 = arith.constant 102 : index
        %swap3A_705 = tpu.vector_load %arg14[%swap3A_704] {strides = array<i32>} : memref<272xf32, #tpu.memory_space<vmem>>, vector<16xf32>,
        tpu.vector_store %arg14[%swap3A_704], %add3A_703 {strides = array<i32>} : memref<272xf32, #tpu.memory_space<vmem>>, vector<16xf32>,
        %mul3A_706 = arith.constant 16 : i32
        %mul3A_707 = arith.muli %add3A_160, %mul3A_706 : i32
        %add3A_708 = arith.constant 7 : i32
        %add3A_709 = arith.addi %mul3A_707, %add3A_708 : i32
        %add3A_710 = arith.constant 1 : i32
        %add3A_711 = arith.addi %add3A_709, %add3A_710 : i32
        %get3A_712 = arith.index_cast %add3A_711 : i32 to index
        %get3A_713 = arith.constant 0 : index
        %get3A_714 = tpu.vector_load %arg10[%get3A_712, %get3A_713] {strides = array<i32>} : memref<128x128xf32, #tpu.memory_space<vmem>>, vector<16xf32>,
        %get3A_715 = arith.index_cast %add3A_711 : i32 to index
        %get3A_716 = arith.constant 0 : index
        %get3A_717 = tpu.vector_load %arg12[%get3A_715, %get3A_716] {strides = array<i32>} : memref<128x128xf32, #tpu.memory_space<vmem>>, vector<16xf32>,
        %get3A_718 = arith.index_cast %add3A_711 : i32 to index
        %get3A_719 = arith.constant 16 : index
        %get3A_720 = tpu.vector_load %arg10[%get3A_718, %get3A_719] {strides = array<i32>} : memref<128x128xf32, #tpu.memory_space<vmem>>, vector<16xf32>,
        %get3A_721 = arith.index_cast %add3A_711 : i32 to index
        %get3A_722 = arith.constant 16 : index
        %get3A_723 = tpu.vector_load %arg12[%get3A_721, %get3A_722] {strides = array<i32>} : memref<128x128xf32, #tpu.memory_space<vmem>>, vector<16xf32>,
        %get3A_724 = arith.index_cast %add3A_711 : i32 to index
        %get3A_725 = arith.constant 32 : index
        %get3A_726 = tpu.vector_load %arg10[%get3A_724, %get3A_725] {strides = array<i32>} : memref<128x128xf32, #tpu.memory_space<vmem>>, vector<16xf32>,
        %get3A_727 = arith.index_cast %add3A_711 : i32 to index
        %get3A_728 = arith.constant 32 : index
        %get3A_729 = tpu.vector_load %arg12[%get3A_727, %get3A_728] {strides = array<i32>} : memref<128x128xf32, #tpu.memory_space<vmem>>, vector<16xf32>,
        %get3A_730 = arith.index_cast %add3A_711 : i32 to index
        %get3A_731 = arith.constant 48 : index
        %get3A_732 = tpu.vector_load %arg10[%get3A_730, %get3A_731] {strides = array<i32>} : memref<128x128xf32, #tpu.memory_space<vmem>>, vector<16xf32>,
        %get3A_733 = arith.index_cast %add3A_711 : i32 to index
        %get3A_734 = arith.constant 48 : index
        %get3A_735 = tpu.vector_load %arg12[%get3A_733, %get3A_734] {strides = array<i32>} : memref<128x128xf32, #tpu.memory_space<vmem>>, vector<16xf32>,
        %get3A_736 = arith.index_cast %add3A_711 : i32 to index
        %get3A_737 = arith.constant 64 : index
        %get3A_738 = tpu.vector_load %arg10[%get3A_736, %get3A_737] {strides = array<i32>} : memref<128x128xf32, #tpu.memory_space<vmem>>, vector<16xf32>,
        %get3A_739 = arith.index_cast %add3A_711 : i32 to index
        %get3A_740 = arith.constant 64 : index
        %get3A_741 = tpu.vector_load %arg12[%get3A_739, %get3A_740] {strides = array<i32>} : memref<128x128xf32, #tpu.memory_space<vmem>>, vector<16xf32>,
        %get3A_742 = arith.index_cast %add3A_711 : i32 to index
        %get3A_743 = arith.constant 80 : index
        %get3A_744 = tpu.vector_load %arg10[%get3A_742, %get3A_743] {strides = array<i32>} : memref<128x128xf32, #tpu.memory_space<vmem>>, vector<16xf32>,
        %get3A_745 = arith.index_cast %add3A_711 : i32 to index
        %get3A_746 = arith.constant 80 : index
        %get3A_747 = tpu.vector_load %arg12[%get3A_745, %get3A_746] {strides = array<i32>} : memref<128x128xf32, #tpu.memory_space<vmem>>, vector<16xf32>,
        %get3A_748 = arith.index_cast %add3A_711 : i32 to index
        %get3A_749 = arith.constant 96 : index
        %get3A_750 = tpu.vector_load %arg10[%get3A_748, %get3A_749] {strides = array<i32>} : memref<128x128xf32, #tpu.memory_space<vmem>>, vector<16xf32>,
        %get3A_751 = arith.index_cast %add3A_711 : i32 to index
        %get3A_752 = arith.constant 96 : index
        %get3A_753 = tpu.vector_load %arg12[%get3A_751, %get3A_752] {strides = array<i32>} : memref<128x128xf32, #tpu.memory_space<vmem>>, vector<16xf32>,
        %get3A_754 = arith.index_cast %add3A_711 : i32 to index
        %get3A_755 = arith.constant 112 : index
        %get3A_756 = tpu.vector_load %arg10[%get3A_754, %get3A_755] {strides = array<i32>} : memref<128x128xf32, #tpu.memory_space<vmem>>, vector<16xf32>,
        %get3A_757 = arith.index_cast %add3A_711 : i32 to index
        %get3A_758 = arith.constant 112 : index
        %get3A_759 = tpu.vector_load %arg12[%get3A_757, %get3A_758] {strides = array<i32>} : memref<128x128xf32, #tpu.memory_space<vmem>>, vector<16xf32>,
        %mul3A_760 = arith.mulf %get3A_643, %get3A_646 : vector<16xf32>
        %mul3A_761 = arith.mulf %get3A_649, %get3A_652 : vector<16xf32>
        %mul3A_762 = arith.mulf %get3A_655, %get3A_658 : vector<16xf32>
        %mul3A_763 = arith.mulf %get3A_661, %get3A_664 : vector<16xf32>
        %mul3A_764 = arith.mulf %get3A_667, %get3A_670 : vector<16xf32>
        %mul3A_765 = arith.mulf %get3A_673, %get3A_676 : vector<16xf32>
        %mul3A_766 = arith.mulf %get3A_679, %get3A_682 : vector<16xf32>
        %mul3A_767 = arith.mulf %get3A_685, %get3A_688 : vector<16xf32>
        %add3A_768 = arith.addf %mul3A_760, %mul3A_761 : vector<16xf32>
        %add3A_769 = arith.addf %mul3A_762, %mul3A_763 : vector<16xf32>
        %add3A_770 = arith.addf %mul3A_764, %mul3A_765 : vector<16xf32>
        %add3A_771 = arith.addf %mul3A_766, %mul3A_767 : vector<16xf32>
        %add3A_772 = arith.addf %add3A_768, %add3A_769 : vector<16xf32>
        %add3A_773 = arith.addf %add3A_770, %add3A_771 : vector<16xf32>
        %add3A_774 = arith.addf %add3A_772, %add3A_773 : vector<16xf32>
        %swap3A_775 = arith.constant 119 : index
        %swap3A_776 = tpu.vector_load %arg14[%swap3A_775] {strides = array<i32>} : memref<272xf32, #tpu.memory_space<vmem>>, vector<16xf32>,
        tpu.vector_store %arg14[%swap3A_775], %add3A_774 {strides = array<i32>} : memref<272xf32, #tpu.memory_space<vmem>>, vector<16xf32>,
        %mul3A_777 = arith.constant 16 : i32
        %mul3A_778 = arith.muli %add3A_160, %mul3A_777 : i32
        %add3A_779 = arith.constant 8 : i32
        %add3A_780 = arith.addi %mul3A_778, %add3A_779 : i32
        %add3A_781 = arith.constant 1 : i32
        %add3A_782 = arith.addi %add3A_780, %add3A_781 : i32
        %get3A_783 = arith.index_cast %add3A_782 : i32 to index
        %get3A_784 = arith.constant 0 : index
        %get3A_785 = tpu.vector_load %arg10[%get3A_783, %get3A_784] {strides = array<i32>} : memref<128x128xf32, #tpu.memory_space<vmem>>, vector<16xf32>,
        %get3A_786 = arith.index_cast %add3A_782 : i32 to index
        %get3A_787 = arith.constant 0 : index
        %get3A_788 = tpu.vector_load %arg12[%get3A_786, %get3A_787] {strides = array<i32>} : memref<128x128xf32, #tpu.memory_space<vmem>>, vector<16xf32>,
        %get3A_789 = arith.index_cast %add3A_782 : i32 to index
        %get3A_790 = arith.constant 16 : index
        %get3A_791 = tpu.vector_load %arg10[%get3A_789, %get3A_790] {strides = array<i32>} : memref<128x128xf32, #tpu.memory_space<vmem>>, vector<16xf32>,
        %get3A_792 = arith.index_cast %add3A_782 : i32 to index
        %get3A_793 = arith.constant 16 : index
        %get3A_794 = tpu.vector_load %arg12[%get3A_792, %get3A_793] {strides = array<i32>} : memref<128x128xf32, #tpu.memory_space<vmem>>, vector<16xf32>,
        %get3A_795 = arith.index_cast %add3A_782 : i32 to index
        %get3A_796 = arith.constant 32 : index
        %get3A_797 = tpu.vector_load %arg10[%get3A_795, %get3A_796] {strides = array<i32>} : memref<128x128xf32, #tpu.memory_space<vmem>>, vector<16xf32>,
        %get3A_798 = arith.index_cast %add3A_782 : i32 to index
        %get3A_799 = arith.constant 32 : index
        %get3A_800 = tpu.vector_load %arg12[%get3A_798, %get3A_799] {strides = array<i32>} : memref<128x128xf32, #tpu.memory_space<vmem>>, vector<16xf32>,
        %get3A_801 = arith.index_cast %add3A_782 : i32 to index
        %get3A_802 = arith.constant 48 : index
        %get3A_803 = tpu.vector_load %arg10[%get3A_801, %get3A_802] {strides = array<i32>} : memref<128x128xf32, #tpu.memory_space<vmem>>, vector<16xf32>,
        %get3A_804 = arith.index_cast %add3A_782 : i32 to index
        %get3A_805 = arith.constant 48 : index
        %get3A_806 = tpu.vector_load %arg12[%get3A_804, %get3A_805] {strides = array<i32>} : memref<128x128xf32, #tpu.memory_space<vmem>>, vector<16xf32>,
        %get3A_807 = arith.index_cast %add3A_782 : i32 to index
        %get3A_808 = arith.constant 64 : index
        %get3A_809 = tpu.vector_load %arg10[%get3A_807, %get3A_808] {strides = array<i32>} : memref<128x128xf32, #tpu.memory_space<vmem>>, vector<16xf32>,
        %get3A_810 = arith.index_cast %add3A_782 : i32 to index
        %get3A_811 = arith.constant 64 : index
        %get3A_812 = tpu.vector_load %arg12[%get3A_810, %get3A_811] {strides = array<i32>} : memref<128x128xf32, #tpu.memory_space<vmem>>, vector<16xf32>,
        %get3A_813 = arith.index_cast %add3A_782 : i32 to index
        %get3A_814 = arith.constant 80 : index
        %get3A_815 = tpu.vector_load %arg10[%get3A_813, %get3A_814] {strides = array<i32>} : memref<128x128xf32, #tpu.memory_space<vmem>>, vector<16xf32>,
        %get3A_816 = arith.index_cast %add3A_782 : i32 to index
        %get3A_817 = arith.constant 80 : index
        %get3A_818 = tpu.vector_load %arg12[%get3A_816, %get3A_817] {strides = array<i32>} : memref<128x128xf32, #tpu.memory_space<vmem>>, vector<16xf32>,
        %get3A_819 = arith.index_cast %add3A_782 : i32 to index
        %get3A_820 = arith.constant 96 : index
        %get3A_821 = tpu.vector_load %arg10[%get3A_819, %get3A_820] {strides = array<i32>} : memref<128x128xf32, #tpu.memory_space<vmem>>, vector<16xf32>,
        %get3A_822 = arith.index_cast %add3A_782 : i32 to index
        %get3A_823 = arith.constant 96 : index
        %get3A_824 = tpu.vector_load %arg12[%get3A_822, %get3A_823] {strides = array<i32>} : memref<128x128xf32, #tpu.memory_space<vmem>>, vector<16xf32>,
        %get3A_825 = arith.index_cast %add3A_782 : i32 to index
        %get3A_826 = arith.constant 112 : index
        %get3A_827 = tpu.vector_load %arg10[%get3A_825, %get3A_826] {strides = array<i32>} : memref<128x128xf32, #tpu.memory_space<vmem>>, vector<16xf32>,
        %get3A_828 = arith.index_cast %add3A_782 : i32 to index
        %get3A_829 = arith.constant 112 : index
        %get3A_830 = tpu.vector_load %arg12[%get3A_828, %get3A_829] {strides = array<i32>} : memref<128x128xf32, #tpu.memory_space<vmem>>, vector<16xf32>,
        %mul3A_831 = arith.mulf %get3A_714, %get3A_717 : vector<16xf32>
        %mul3A_832 = arith.mulf %get3A_720, %get3A_723 : vector<16xf32>
        %mul3A_833 = arith.mulf %get3A_726, %get3A_729 : vector<16xf32>
        %mul3A_834 = arith.mulf %get3A_732, %get3A_735 : vector<16xf32>
        %mul3A_835 = arith.mulf %get3A_738, %get3A_741 : vector<16xf32>
        %mul3A_836 = arith.mulf %get3A_744, %get3A_747 : vector<16xf32>
        %mul3A_837 = arith.mulf %get3A_750, %get3A_753 : vector<16xf32>
        %mul3A_838 = arith.mulf %get3A_756, %get3A_759 : vector<16xf32>
        %add3A_839 = arith.addf %mul3A_831, %mul3A_832 : vector<16xf32>
        %add3A_840 = arith.addf %mul3A_833, %mul3A_834 : vector<16xf32>
        %add3A_841 = arith.addf %mul3A_835, %mul3A_836 : vector<16xf32>
        %add3A_842 = arith.addf %mul3A_837, %mul3A_838 : vector<16xf32>
        %add3A_843 = arith.addf %add3A_839, %add3A_840 : vector<16xf32>
        %add3A_844 = arith.addf %add3A_841, %add3A_842 : vector<16xf32>
        %add3A_845 = arith.addf %add3A_843, %add3A_844 : vector<16xf32>
        %swap3A_846 = arith.constant 136 : index
        %swap3A_847 = tpu.vector_load %arg14[%swap3A_846] {strides = array<i32>} : memref<272xf32, #tpu.memory_space<vmem>>, vector<16xf32>,
        tpu.vector_store %arg14[%swap3A_846], %add3A_845 {strides = array<i32>} : memref<272xf32, #tpu.memory_space<vmem>>, vector<16xf32>,
        %mul3A_848 = arith.constant 16 : i32
        %mul3A_849 = arith.muli %add3A_160, %mul3A_848 : i32
        %add3A_850 = arith.constant 9 : i32
        %add3A_851 = arith.addi %mul3A_849, %add3A_850 : i32
        %add3A_852 = arith.constant 1 : i32
        %add3A_853 = arith.addi %add3A_851, %add3A_852 : i32
        %get3A_854 = arith.index_cast %add3A_853 : i32 to index
        %get3A_855 = arith.constant 0 : index
        %get3A_856 = tpu.vector_load %arg10[%get3A_854, %get3A_855] {strides = array<i32>} : memref<128x128xf32, #tpu.memory_space<vmem>>, vector<16xf32>,
        %get3A_857 = arith.index_cast %add3A_853 : i32 to index
        %get3A_858 = arith.constant 0 : index
        %get3A_859 = tpu.vector_load %arg12[%get3A_857, %get3A_858] {strides = array<i32>} : memref<128x128xf32, #tpu.memory_space<vmem>>, vector<16xf32>,
        %get3A_860 = arith.index_cast %add3A_853 : i32 to index
        %get3A_861 = arith.constant 16 : index
        %get3A_862 = tpu.vector_load %arg10[%get3A_860, %get3A_861] {strides = array<i32>} : memref<128x128xf32, #tpu.memory_space<vmem>>, vector<16xf32>,
        %get3A_863 = arith.index_cast %add3A_853 : i32 to index
        %get3A_864 = arith.constant 16 : index
        %get3A_865 = tpu.vector_load %arg12[%get3A_863, %get3A_864] {strides = array<i32>} : memref<128x128xf32, #tpu.memory_space<vmem>>, vector<16xf32>,
        %get3A_866 = arith.index_cast %add3A_853 : i32 to index
        %get3A_867 = arith.constant 32 : index
        %get3A_868 = tpu.vector_load %arg10[%get3A_866, %get3A_867] {strides = array<i32>} : memref<128x128xf32, #tpu.memory_space<vmem>>, vector<16xf32>,
        %get3A_869 = arith.index_cast %add3A_853 : i32 to index
        %get3A_870 = arith.constant 32 : index
        %get3A_871 = tpu.vector_load %arg12[%get3A_869, %get3A_870] {strides = array<i32>} : memref<128x128xf32, #tpu.memory_space<vmem>>, vector<16xf32>,
        %get3A_872 = arith.index_cast %add3A_853 : i32 to index
        %get3A_873 = arith.constant 48 : index
        %get3A_874 = tpu.vector_load %arg10[%get3A_872, %get3A_873] {strides = array<i32>} : memref<128x128xf32, #tpu.memory_space<vmem>>, vector<16xf32>,
        %get3A_875 = arith.index_cast %add3A_853 : i32 to index
        %get3A_876 = arith.constant 48 : index
        %get3A_877 = tpu.vector_load %arg12[%get3A_875, %get3A_876] {strides = array<i32>} : memref<128x128xf32, #tpu.memory_space<vmem>>, vector<16xf32>,
        %get3A_878 = arith.index_cast %add3A_853 : i32 to index
        %get3A_879 = arith.constant 64 : index
        %get3A_880 = tpu.vector_load %arg10[%get3A_878, %get3A_879] {strides = array<i32>} : memref<128x128xf32, #tpu.memory_space<vmem>>, vector<16xf32>,
        %get3A_881 = arith.index_cast %add3A_853 : i32 to index
        %get3A_882 = arith.constant 64 : index
        %get3A_883 = tpu.vector_load %arg12[%get3A_881, %get3A_882] {strides = array<i32>} : memref<128x128xf32, #tpu.memory_space<vmem>>, vector<16xf32>,
        %get3A_884 = arith.index_cast %add3A_853 : i32 to index
        %get3A_885 = arith.constant 80 : index
        %get3A_886 = tpu.vector_load %arg10[%get3A_884, %get3A_885] {strides = array<i32>} : memref<128x128xf32, #tpu.memory_space<vmem>>, vector<16xf32>,
        %get3A_887 = arith.index_cast %add3A_853 : i32 to index
        %get3A_888 = arith.constant 80 : index
        %get3A_889 = tpu.vector_load %arg12[%get3A_887, %get3A_888] {strides = array<i32>} : memref<128x128xf32, #tpu.memory_space<vmem>>, vector<16xf32>,
        %get3A_890 = arith.index_cast %add3A_853 : i32 to index
        %get3A_891 = arith.constant 96 : index
        %get3A_892 = tpu.vector_load %arg10[%get3A_890, %get3A_891] {strides = array<i32>} : memref<128x128xf32, #tpu.memory_space<vmem>>, vector<16xf32>,
        %get3A_893 = arith.index_cast %add3A_853 : i32 to index
        %get3A_894 = arith.constant 96 : index
        %get3A_895 = tpu.vector_load %arg12[%get3A_893, %get3A_894] {strides = array<i32>} : memref<128x128xf32, #tpu.memory_space<vmem>>, vector<16xf32>,
        %get3A_896 = arith.index_cast %add3A_853 : i32 to index
        %get3A_897 = arith.constant 112 : index
        %get3A_898 = tpu.vector_load %arg10[%get3A_896, %get3A_897] {strides = array<i32>} : memref<128x128xf32, #tpu.memory_space<vmem>>, vector<16xf32>,
        %get3A_899 = arith.index_cast %add3A_853 : i32 to index
        %get3A_900 = arith.constant 112 : index
        %get3A_901 = tpu.vector_load %arg12[%get3A_899, %get3A_900] {strides = array<i32>} : memref<128x128xf32, #tpu.memory_space<vmem>>, vector<16xf32>,
        %mul3A_902 = arith.mulf %get3A_785, %get3A_788 : vector<16xf32>
        %mul3A_903 = arith.mulf %get3A_791, %get3A_794 : vector<16xf32>
        %mul3A_904 = arith.mulf %get3A_797, %get3A_800 : vector<16xf32>
        %mul3A_905 = arith.mulf %get3A_803, %get3A_806 : vector<16xf32>
        %mul3A_906 = arith.mulf %get3A_809, %get3A_812 : vector<16xf32>
        %mul3A_907 = arith.mulf %get3A_815, %get3A_818 : vector<16xf32>
        %mul3A_908 = arith.mulf %get3A_821, %get3A_824 : vector<16xf32>
        %mul3A_909 = arith.mulf %get3A_827, %get3A_830 : vector<16xf32>
        %add3A_910 = arith.addf %mul3A_902, %mul3A_903 : vector<16xf32>
        %add3A_911 = arith.addf %mul3A_904, %mul3A_905 : vector<16xf32>
        %add3A_912 = arith.addf %mul3A_906, %mul3A_907 : vector<16xf32>
        %add3A_913 = arith.addf %mul3A_908, %mul3A_909 : vector<16xf32>
        %add3A_914 = arith.addf %add3A_910, %add3A_911 : vector<16xf32>
        %add3A_915 = arith.addf %add3A_912, %add3A_913 : vector<16xf32>
        %add3A_916 = arith.addf %add3A_914, %add3A_915 : vector<16xf32>
        %swap3A_917 = arith.constant 153 : index
        %swap3A_918 = tpu.vector_load %arg14[%swap3A_917] {strides = array<i32>} : memref<272xf32, #tpu.memory_space<vmem>>, vector<16xf32>,
        tpu.vector_store %arg14[%swap3A_917], %add3A_916 {strides = array<i32>} : memref<272xf32, #tpu.memory_space<vmem>>, vector<16xf32>,
        %mul3A_919 = arith.constant 16 : i32
        %mul3A_920 = arith.muli %add3A_160, %mul3A_919 : i32
        %add3A_921 = arith.constant 10 : i32
        %add3A_922 = arith.addi %mul3A_920, %add3A_921 : i32
        %add3A_923 = arith.constant 1 : i32
        %add3A_924 = arith.addi %add3A_922, %add3A_923 : i32
        %get3A_925 = arith.index_cast %add3A_924 : i32 to index
        %get3A_926 = arith.constant 0 : index
        %get3A_927 = tpu.vector_load %arg10[%get3A_925, %get3A_926] {strides = array<i32>} : memref<128x128xf32, #tpu.memory_space<vmem>>, vector<16xf32>,
        %get3A_928 = arith.index_cast %add3A_924 : i32 to index
        %get3A_929 = arith.constant 0 : index
        %get3A_930 = tpu.vector_load %arg12[%get3A_928, %get3A_929] {strides = array<i32>} : memref<128x128xf32, #tpu.memory_space<vmem>>, vector<16xf32>,
        %get3A_931 = arith.index_cast %add3A_924 : i32 to index
        %get3A_932 = arith.constant 16 : index
        %get3A_933 = tpu.vector_load %arg10[%get3A_931, %get3A_932] {strides = array<i32>} : memref<128x128xf32, #tpu.memory_space<vmem>>, vector<16xf32>,
        %get3A_934 = arith.index_cast %add3A_924 : i32 to index
        %get3A_935 = arith.constant 16 : index
        %get3A_936 = tpu.vector_load %arg12[%get3A_934, %get3A_935] {strides = array<i32>} : memref<128x128xf32, #tpu.memory_space<vmem>>, vector<16xf32>,
        %get3A_937 = arith.index_cast %add3A_924 : i32 to index
        %get3A_938 = arith.constant 32 : index
        %get3A_939 = tpu.vector_load %arg10[%get3A_937, %get3A_938] {strides = array<i32>} : memref<128x128xf32, #tpu.memory_space<vmem>>, vector<16xf32>,
        %get3A_940 = arith.index_cast %add3A_924 : i32 to index
        %get3A_941 = arith.constant 32 : index
        %get3A_942 = tpu.vector_load %arg12[%get3A_940, %get3A_941] {strides = array<i32>} : memref<128x128xf32, #tpu.memory_space<vmem>>, vector<16xf32>,
        %get3A_943 = arith.index_cast %add3A_924 : i32 to index
        %get3A_944 = arith.constant 48 : index
        %get3A_945 = tpu.vector_load %arg10[%get3A_943, %get3A_944] {strides = array<i32>} : memref<128x128xf32, #tpu.memory_space<vmem>>, vector<16xf32>,
        %get3A_946 = arith.index_cast %add3A_924 : i32 to index
        %get3A_947 = arith.constant 48 : index
        %get3A_948 = tpu.vector_load %arg12[%get3A_946, %get3A_947] {strides = array<i32>} : memref<128x128xf32, #tpu.memory_space<vmem>>, vector<16xf32>,
        %get3A_949 = arith.index_cast %add3A_924 : i32 to index
        %get3A_950 = arith.constant 64 : index
        %get3A_951 = tpu.vector_load %arg10[%get3A_949, %get3A_950] {strides = array<i32>} : memref<128x128xf32, #tpu.memory_space<vmem>>, vector<16xf32>,
        %get3A_952 = arith.index_cast %add3A_924 : i32 to index
        %get3A_953 = arith.constant 64 : index
        %get3A_954 = tpu.vector_load %arg12[%get3A_952, %get3A_953] {strides = array<i32>} : memref<128x128xf32, #tpu.memory_space<vmem>>, vector<16xf32>,
        %get3A_955 = arith.index_cast %add3A_924 : i32 to index
        %get3A_956 = arith.constant 80 : index
        %get3A_957 = tpu.vector_load %arg10[%get3A_955, %get3A_956] {strides = array<i32>} : memref<128x128xf32, #tpu.memory_space<vmem>>, vector<16xf32>,
        %get3A_958 = arith.index_cast %add3A_924 : i32 to index
        %get3A_959 = arith.constant 80 : index
        %get3A_960 = tpu.vector_load %arg12[%get3A_958, %get3A_959] {strides = array<i32>} : memref<128x128xf32, #tpu.memory_space<vmem>>, vector<16xf32>,
        %get3A_961 = arith.index_cast %add3A_924 : i32 to index
        %get3A_962 = arith.constant 96 : index
        %get3A_963 = tpu.vector_load %arg10[%get3A_961, %get3A_962] {strides = array<i32>} : memref<128x128xf32, #tpu.memory_space<vmem>>, vector<16xf32>,
        %get3A_964 = arith.index_cast %add3A_924 : i32 to index
        %get3A_965 = arith.constant 96 : index
        %get3A_966 = tpu.vector_load %arg12[%get3A_964, %get3A_965] {strides = array<i32>} : memref<128x128xf32, #tpu.memory_space<vmem>>, vector<16xf32>,
        %get3A_967 = arith.index_cast %add3A_924 : i32 to index
        %get3A_968 = arith.constant 112 : index
        %get3A_969 = tpu.vector_load %arg10[%get3A_967, %get3A_968] {strides = array<i32>} : memref<128x128xf32, #tpu.memory_space<vmem>>, vector<16xf32>,
        %get3A_970 = arith.index_cast %add3A_924 : i32 to index
        %get3A_971 = arith.constant 112 : index
        %get3A_972 = tpu.vector_load %arg12[%get3A_970, %get3A_971] {strides = array<i32>} : memref<128x128xf32, #tpu.memory_space<vmem>>, vector<16xf32>,
        %mul3A_973 = arith.mulf %get3A_856, %get3A_859 : vector<16xf32>
        %mul3A_974 = arith.mulf %get3A_862, %get3A_865 : vector<16xf32>
        %mul3A_975 = arith.mulf %get3A_868, %get3A_871 : vector<16xf32>
        %mul3A_976 = arith.mulf %get3A_874, %get3A_877 : vector<16xf32>
        %mul3A_977 = arith.mulf %get3A_880, %get3A_883 : vector<16xf32>
        %mul3A_978 = arith.mulf %get3A_886, %get3A_889 : vector<16xf32>
        %mul3A_979 = arith.mulf %get3A_892, %get3A_895 : vector<16xf32>
        %mul3A_980 = arith.mulf %get3A_898, %get3A_901 : vector<16xf32>
        %add3A_981 = arith.addf %mul3A_973, %mul3A_974 : vector<16xf32>
        %add3A_982 = arith.addf %mul3A_975, %mul3A_976 : vector<16xf32>
        %add3A_983 = arith.addf %mul3A_977, %mul3A_978 : vector<16xf32>
        %add3A_984 = arith.addf %mul3A_979, %mul3A_980 : vector<16xf32>
        %add3A_985 = arith.addf %add3A_981, %add3A_982 : vector<16xf32>
        %add3A_986 = arith.addf %add3A_983, %add3A_984 : vector<16xf32>
        %add3A_987 = arith.addf %add3A_985, %add3A_986 : vector<16xf32>
        %swap3A_988 = arith.constant 170 : index
        %swap3A_989 = tpu.vector_load %arg14[%swap3A_988] {strides = array<i32>} : memref<272xf32, #tpu.memory_space<vmem>>, vector<16xf32>,
        tpu.vector_store %arg14[%swap3A_988], %add3A_987 {strides = array<i32>} : memref<272xf32, #tpu.memory_space<vmem>>, vector<16xf32>,
        %mul3A_990 = arith.constant 16 : i32
        %mul3A_991 = arith.muli %add3A_160, %mul3A_990 : i32
        %add3A_992 = arith.constant 11 : i32
        %add3A_993 = arith.addi %mul3A_991, %add3A_992 : i32
        %add3A_994 = arith.constant 1 : i32
        %add3A_995 = arith.addi %add3A_993, %add3A_994 : i32
        %get3A_996 = arith.index_cast %add3A_995 : i32 to index
        %get3A_997 = arith.constant 0 : index
        %get3A_998 = tpu.vector_load %arg10[%get3A_996, %get3A_997] {strides = array<i32>} : memref<128x128xf32, #tpu.memory_space<vmem>>, vector<16xf32>,
        %get3A_999 = arith.index_cast %add3A_995 : i32 to index
        %get3A_1000 = arith.constant 0 : index
        %get3A_1001 = tpu.vector_load %arg12[%get3A_999, %get3A_1000] {strides = array<i32>} : memref<128x128xf32, #tpu.memory_space<vmem>>, vector<16xf32>,
        %get3A_1002 = arith.index_cast %add3A_995 : i32 to index
        %get3A_1003 = arith.constant 16 : index
        %get3A_1004 = tpu.vector_load %arg10[%get3A_1002, %get3A_1003] {strides = array<i32>} : memref<128x128xf32, #tpu.memory_space<vmem>>, vector<16xf32>,
        %get3A_1005 = arith.index_cast %add3A_995 : i32 to index
        %get3A_1006 = arith.constant 16 : index
        %get3A_1007 = tpu.vector_load %arg12[%get3A_1005, %get3A_1006] {strides = array<i32>} : memref<128x128xf32, #tpu.memory_space<vmem>>, vector<16xf32>,
        %get3A_1008 = arith.index_cast %add3A_995 : i32 to index
        %get3A_1009 = arith.constant 32 : index
        %get3A_1010 = tpu.vector_load %arg10[%get3A_1008, %get3A_1009] {strides = array<i32>} : memref<128x128xf32, #tpu.memory_space<vmem>>, vector<16xf32>,
        %get3A_1011 = arith.index_cast %add3A_995 : i32 to index
        %get3A_1012 = arith.constant 32 : index
        %get3A_1013 = tpu.vector_load %arg12[%get3A_1011, %get3A_1012] {strides = array<i32>} : memref<128x128xf32, #tpu.memory_space<vmem>>, vector<16xf32>,
        %get3A_1014 = arith.index_cast %add3A_995 : i32 to index
        %get3A_1015 = arith.constant 48 : index
        %get3A_1016 = tpu.vector_load %arg10[%get3A_1014, %get3A_1015] {strides = array<i32>} : memref<128x128xf32, #tpu.memory_space<vmem>>, vector<16xf32>,
        %get3A_1017 = arith.index_cast %add3A_995 : i32 to index
        %get3A_1018 = arith.constant 48 : index
        %get3A_1019 = tpu.vector_load %arg12[%get3A_1017, %get3A_1018] {strides = array<i32>} : memref<128x128xf32, #tpu.memory_space<vmem>>, vector<16xf32>,
        %get3A_1020 = arith.index_cast %add3A_995 : i32 to index
        %get3A_1021 = arith.constant 64 : index
        %get3A_1022 = tpu.vector_load %arg10[%get3A_1020, %get3A_1021] {strides = array<i32>} : memref<128x128xf32, #tpu.memory_space<vmem>>, vector<16xf32>,
        %get3A_1023 = arith.index_cast %add3A_995 : i32 to index
        %get3A_1024 = arith.constant 64 : index
        %get3A_1025 = tpu.vector_load %arg12[%get3A_1023, %get3A_1024] {strides = array<i32>} : memref<128x128xf32, #tpu.memory_space<vmem>>, vector<16xf32>,
        %get3A_1026 = arith.index_cast %add3A_995 : i32 to index
        %get3A_1027 = arith.constant 80 : index
        %get3A_1028 = tpu.vector_load %arg10[%get3A_1026, %get3A_1027] {strides = array<i32>} : memref<128x128xf32, #tpu.memory_space<vmem>>, vector<16xf32>,
        %get3A_1029 = arith.index_cast %add3A_995 : i32 to index
        %get3A_1030 = arith.constant 80 : index
        %get3A_1031 = tpu.vector_load %arg12[%get3A_1029, %get3A_1030] {strides = array<i32>} : memref<128x128xf32, #tpu.memory_space<vmem>>, vector<16xf32>,
        %get3A_1032 = arith.index_cast %add3A_995 : i32 to index
        %get3A_1033 = arith.constant 96 : index
        %get3A_1034 = tpu.vector_load %arg10[%get3A_1032, %get3A_1033] {strides = array<i32>} : memref<128x128xf32, #tpu.memory_space<vmem>>, vector<16xf32>,
        %get3A_1035 = arith.index_cast %add3A_995 : i32 to index
        %get3A_1036 = arith.constant 96 : index
        %get3A_1037 = tpu.vector_load %arg12[%get3A_1035, %get3A_1036] {strides = array<i32>} : memref<128x128xf32, #tpu.memory_space<vmem>>, vector<16xf32>,
        %get3A_1038 = arith.index_cast %add3A_995 : i32 to index
        %get3A_1039 = arith.constant 112 : index
        %get3A_1040 = tpu.vector_load %arg10[%get3A_1038, %get3A_1039] {strides = array<i32>} : memref<128x128xf32, #tpu.memory_space<vmem>>, vector<16xf32>,
        %get3A_1041 = arith.index_cast %add3A_995 : i32 to index
        %get3A_1042 = arith.constant 112 : index
        %get3A_1043 = tpu.vector_load %arg12[%get3A_1041, %get3A_1042] {strides = array<i32>} : memref<128x128xf32, #tpu.memory_space<vmem>>, vector<16xf32>,
        %mul3A_1044 = arith.mulf %get3A_927, %get3A_930 : vector<16xf32>
        %mul3A_1045 = arith.mulf %get3A_933, %get3A_936 : vector<16xf32>
        %mul3A_1046 = arith.mulf %get3A_939, %get3A_942 : vector<16xf32>
        %mul3A_1047 = arith.mulf %get3A_945, %get3A_948 : vector<16xf32>
        %mul3A_1048 = arith.mulf %get3A_951, %get3A_954 : vector<16xf32>
        %mul3A_1049 = arith.mulf %get3A_957, %get3A_960 : vector<16xf32>
        %mul3A_1050 = arith.mulf %get3A_963, %get3A_966 : vector<16xf32>
        %mul3A_1051 = arith.mulf %get3A_969, %get3A_972 : vector<16xf32>
        %add3A_1052 = arith.addf %mul3A_1044, %mul3A_1045 : vector<16xf32>
        %add3A_1053 = arith.addf %mul3A_1046, %mul3A_1047 : vector<16xf32>
        %add3A_1054 = arith.addf %mul3A_1048, %mul3A_1049 : vector<16xf32>
        %add3A_1055 = arith.addf %mul3A_1050, %mul3A_1051 : vector<16xf32>
        %add3A_1056 = arith.addf %add3A_1052, %add3A_1053 : vector<16xf32>
        %add3A_1057 = arith.addf %add3A_1054, %add3A_1055 : vector<16xf32>
        %add3A_1058 = arith.addf %add3A_1056, %add3A_1057 : vector<16xf32>
        %swap3A_1059 = arith.constant 187 : index
        %swap3A_1060 = tpu.vector_load %arg14[%swap3A_1059] {strides = array<i32>} : memref<272xf32, #tpu.memory_space<vmem>>, vector<16xf32>,
        tpu.vector_store %arg14[%swap3A_1059], %add3A_1058 {strides = array<i32>} : memref<272xf32, #tpu.memory_space<vmem>>, vector<16xf32>,
        %mul3A_1061 = arith.constant 16 : i32
        %mul3A_1062 = arith.muli %add3A_160, %mul3A_1061 : i32
        %add3A_1063 = arith.constant 12 : i32
        %add3A_1064 = arith.addi %mul3A_1062, %add3A_1063 : i32
        %add3A_1065 = arith.constant 1 : i32
        %add3A_1066 = arith.addi %add3A_1064, %add3A_1065 : i32
        %get3A_1067 = arith.index_cast %add3A_1066 : i32 to index
        %get3A_1068 = arith.constant 0 : index
        %get3A_1069 = tpu.vector_load %arg10[%get3A_1067, %get3A_1068] {strides = array<i32>} : memref<128x128xf32, #tpu.memory_space<vmem>>, vector<16xf32>,
        %get3A_1070 = arith.index_cast %add3A_1066 : i32 to index
        %get3A_1071 = arith.constant 0 : index
        %get3A_1072 = tpu.vector_load %arg12[%get3A_1070, %get3A_1071] {strides = array<i32>} : memref<128x128xf32, #tpu.memory_space<vmem>>, vector<16xf32>,
        %get3A_1073 = arith.index_cast %add3A_1066 : i32 to index
        %get3A_1074 = arith.constant 16 : index
        %get3A_1075 = tpu.vector_load %arg10[%get3A_1073, %get3A_1074] {strides = array<i32>} : memref<128x128xf32, #tpu.memory_space<vmem>>, vector<16xf32>,
        %get3A_1076 = arith.index_cast %add3A_1066 : i32 to index
        %get3A_1077 = arith.constant 16 : index
        %get3A_1078 = tpu.vector_load %arg12[%get3A_1076, %get3A_1077] {strides = array<i32>} : memref<128x128xf32, #tpu.memory_space<vmem>>, vector<16xf32>,
        %get3A_1079 = arith.index_cast %add3A_1066 : i32 to index
        %get3A_1080 = arith.constant 32 : index
        %get3A_1081 = tpu.vector_load %arg10[%get3A_1079, %get3A_1080] {strides = array<i32>} : memref<128x128xf32, #tpu.memory_space<vmem>>, vector<16xf32>,
        %get3A_1082 = arith.index_cast %add3A_1066 : i32 to index
        %get3A_1083 = arith.constant 32 : index
        %get3A_1084 = tpu.vector_load %arg12[%get3A_1082, %get3A_1083] {strides = array<i32>} : memref<128x128xf32, #tpu.memory_space<vmem>>, vector<16xf32>,
        %get3A_1085 = arith.index_cast %add3A_1066 : i32 to index
        %get3A_1086 = arith.constant 48 : index
        %get3A_1087 = tpu.vector_load %arg10[%get3A_1085, %get3A_1086] {strides = array<i32>} : memref<128x128xf32, #tpu.memory_space<vmem>>, vector<16xf32>,
        %get3A_1088 = arith.index_cast %add3A_1066 : i32 to index
        %get3A_1089 = arith.constant 48 : index
        %get3A_1090 = tpu.vector_load %arg12[%get3A_1088, %get3A_1089] {strides = array<i32>} : memref<128x128xf32, #tpu.memory_space<vmem>>, vector<16xf32>,
        %get3A_1091 = arith.index_cast %add3A_1066 : i32 to index
        %get3A_1092 = arith.constant 64 : index
        %get3A_1093 = tpu.vector_load %arg10[%get3A_1091, %get3A_1092] {strides = array<i32>} : memref<128x128xf32, #tpu.memory_space<vmem>>, vector<16xf32>,
        %get3A_1094 = arith.index_cast %add3A_1066 : i32 to index
        %get3A_1095 = arith.constant 64 : index
        %get3A_1096 = tpu.vector_load %arg12[%get3A_1094, %get3A_1095] {strides = array<i32>} : memref<128x128xf32, #tpu.memory_space<vmem>>, vector<16xf32>,
        %get3A_1097 = arith.index_cast %add3A_1066 : i32 to index
        %get3A_1098 = arith.constant 80 : index
        %get3A_1099 = tpu.vector_load %arg10[%get3A_1097, %get3A_1098] {strides = array<i32>} : memref<128x128xf32, #tpu.memory_space<vmem>>, vector<16xf32>,
        %get3A_1100 = arith.index_cast %add3A_1066 : i32 to index
        %get3A_1101 = arith.constant 80 : index
        %get3A_1102 = tpu.vector_load %arg12[%get3A_1100, %get3A_1101] {strides = array<i32>} : memref<128x128xf32, #tpu.memory_space<vmem>>, vector<16xf32>,
        %get3A_1103 = arith.index_cast %add3A_1066 : i32 to index
        %get3A_1104 = arith.constant 96 : index
        %get3A_1105 = tpu.vector_load %arg10[%get3A_1103, %get3A_1104] {strides = array<i32>} : memref<128x128xf32, #tpu.memory_space<vmem>>, vector<16xf32>,
        %get3A_1106 = arith.index_cast %add3A_1066 : i32 to index
        %get3A_1107 = arith.constant 96 : index
        %get3A_1108 = tpu.vector_load %arg12[%get3A_1106, %get3A_1107] {strides = array<i32>} : memref<128x128xf32, #tpu.memory_space<vmem>>, vector<16xf32>,
        %get3A_1109 = arith.index_cast %add3A_1066 : i32 to index
        %get3A_1110 = arith.constant 112 : index
        %get3A_1111 = tpu.vector_load %arg10[%get3A_1109, %get3A_1110] {strides = array<i32>} : memref<128x128xf32, #tpu.memory_space<vmem>>, vector<16xf32>,
        %get3A_1112 = arith.index_cast %add3A_1066 : i32 to index
        %get3A_1113 = arith.constant 112 : index
        %get3A_1114 = tpu.vector_load %arg12[%get3A_1112, %get3A_1113] {strides = array<i32>} : memref<128x128xf32, #tpu.memory_space<vmem>>, vector<16xf32>,
        %mul3A_1115 = arith.mulf %get3A_998, %get3A_1001 : vector<16xf32>
        %mul3A_1116 = arith.mulf %get3A_1004, %get3A_1007 : vector<16xf32>
        %mul3A_1117 = arith.mulf %get3A_1010, %get3A_1013 : vector<16xf32>
        %mul3A_1118 = arith.mulf %get3A_1016, %get3A_1019 : vector<16xf32>
        %mul3A_1119 = arith.mulf %get3A_1022, %get3A_1025 : vector<16xf32>
        %mul3A_1120 = arith.mulf %get3A_1028, %get3A_1031 : vector<16xf32>
        %mul3A_1121 = arith.mulf %get3A_1034, %get3A_1037 : vector<16xf32>
        %mul3A_1122 = arith.mulf %get3A_1040, %get3A_1043 : vector<16xf32>
        %add3A_1123 = arith.addf %mul3A_1115, %mul3A_1116 : vector<16xf32>
        %add3A_1124 = arith.addf %mul3A_1117, %mul3A_1118 : vector<16xf32>
        %add3A_1125 = arith.addf %mul3A_1119, %mul3A_1120 : vector<16xf32>
        %add3A_1126 = arith.addf %mul3A_1121, %mul3A_1122 : vector<16xf32>
        %add3A_1127 = arith.addf %add3A_1123, %add3A_1124 : vector<16xf32>
        %add3A_1128 = arith.addf %add3A_1125, %add3A_1126 : vector<16xf32>
        %add3A_1129 = arith.addf %add3A_1127, %add3A_1128 : vector<16xf32>
        %swap3A_1130 = arith.constant 204 : index
        %swap3A_1131 = tpu.vector_load %arg14[%swap3A_1130] {strides = array<i32>} : memref<272xf32, #tpu.memory_space<vmem>>, vector<16xf32>,
        tpu.vector_store %arg14[%swap3A_1130], %add3A_1129 {strides = array<i32>} : memref<272xf32, #tpu.memory_space<vmem>>, vector<16xf32>,
        %mul3A_1132 = arith.constant 16 : i32
        %mul3A_1133 = arith.muli %add3A_160, %mul3A_1132 : i32
        %add3A_1134 = arith.constant 13 : i32
        %add3A_1135 = arith.addi %mul3A_1133, %add3A_1134 : i32
        %add3A_1136 = arith.constant 1 : i32
        %add3A_1137 = arith.addi %add3A_1135, %add3A_1136 : i32
        %get3A_1138 = arith.index_cast %add3A_1137 : i32 to index
        %get3A_1139 = arith.constant 0 : index
        %get3A_1140 = tpu.vector_load %arg10[%get3A_1138, %get3A_1139] {strides = array<i32>} : memref<128x128xf32, #tpu.memory_space<vmem>>, vector<16xf32>,
        %get3A_1141 = arith.index_cast %add3A_1137 : i32 to index
        %get3A_1142 = arith.constant 0 : index
        %get3A_1143 = tpu.vector_load %arg12[%get3A_1141, %get3A_1142] {strides = array<i32>} : memref<128x128xf32, #tpu.memory_space<vmem>>, vector<16xf32>,
        %get3A_1144 = arith.index_cast %add3A_1137 : i32 to index
        %get3A_1145 = arith.constant 16 : index
        %get3A_1146 = tpu.vector_load %arg10[%get3A_1144, %get3A_1145] {strides = array<i32>} : memref<128x128xf32, #tpu.memory_space<vmem>>, vector<16xf32>,
        %get3A_1147 = arith.index_cast %add3A_1137 : i32 to index
        %get3A_1148 = arith.constant 16 : index
        %get3A_1149 = tpu.vector_load %arg12[%get3A_1147, %get3A_1148] {strides = array<i32>} : memref<128x128xf32, #tpu.memory_space<vmem>>, vector<16xf32>,
        %get3A_1150 = arith.index_cast %add3A_1137 : i32 to index
        %get3A_1151 = arith.constant 32 : index
        %get3A_1152 = tpu.vector_load %arg10[%get3A_1150, %get3A_1151] {strides = array<i32>} : memref<128x128xf32, #tpu.memory_space<vmem>>, vector<16xf32>,
        %get3A_1153 = arith.index_cast %add3A_1137 : i32 to index
        %get3A_1154 = arith.constant 32 : index
        %get3A_1155 = tpu.vector_load %arg12[%get3A_1153, %get3A_1154] {strides = array<i32>} : memref<128x128xf32, #tpu.memory_space<vmem>>, vector<16xf32>,
        %get3A_1156 = arith.index_cast %add3A_1137 : i32 to index
        %get3A_1157 = arith.constant 48 : index
        %get3A_1158 = tpu.vector_load %arg10[%get3A_1156, %get3A_1157] {strides = array<i32>} : memref<128x128xf32, #tpu.memory_space<vmem>>, vector<16xf32>,
        %get3A_1159 = arith.index_cast %add3A_1137 : i32 to index
        %get3A_1160 = arith.constant 48 : index
        %get3A_1161 = tpu.vector_load %arg12[%get3A_1159, %get3A_1160] {strides = array<i32>} : memref<128x128xf32, #tpu.memory_space<vmem>>, vector<16xf32>,
        %get3A_1162 = arith.index_cast %add3A_1137 : i32 to index
        %get3A_1163 = arith.constant 64 : index
        %get3A_1164 = tpu.vector_load %arg10[%get3A_1162, %get3A_1163] {strides = array<i32>} : memref<128x128xf32, #tpu.memory_space<vmem>>, vector<16xf32>,
        %get3A_1165 = arith.index_cast %add3A_1137 : i32 to index
        %get3A_1166 = arith.constant 64 : index
        %get3A_1167 = tpu.vector_load %arg12[%get3A_1165, %get3A_1166] {strides = array<i32>} : memref<128x128xf32, #tpu.memory_space<vmem>>, vector<16xf32>,
        %get3A_1168 = arith.index_cast %add3A_1137 : i32 to index
        %get3A_1169 = arith.constant 80 : index
        %get3A_1170 = tpu.vector_load %arg10[%get3A_1168, %get3A_1169] {strides = array<i32>} : memref<128x128xf32, #tpu.memory_space<vmem>>, vector<16xf32>,
        %get3A_1171 = arith.index_cast %add3A_1137 : i32 to index
        %get3A_1172 = arith.constant 80 : index
        %get3A_1173 = tpu.vector_load %arg12[%get3A_1171, %get3A_1172] {strides = array<i32>} : memref<128x128xf32, #tpu.memory_space<vmem>>, vector<16xf32>,
        %get3A_1174 = arith.index_cast %add3A_1137 : i32 to index
        %get3A_1175 = arith.constant 96 : index
        %get3A_1176 = tpu.vector_load %arg10[%get3A_1174, %get3A_1175] {strides = array<i32>} : memref<128x128xf32, #tpu.memory_space<vmem>>, vector<16xf32>,
        %get3A_1177 = arith.index_cast %add3A_1137 : i32 to index
        %get3A_1178 = arith.constant 96 : index
        %get3A_1179 = tpu.vector_load %arg12[%get3A_1177, %get3A_1178] {strides = array<i32>} : memref<128x128xf32, #tpu.memory_space<vmem>>, vector<16xf32>,
        %get3A_1180 = arith.index_cast %add3A_1137 : i32 to index
        %get3A_1181 = arith.constant 112 : index
        %get3A_1182 = tpu.vector_load %arg10[%get3A_1180, %get3A_1181] {strides = array<i32>} : memref<128x128xf32, #tpu.memory_space<vmem>>, vector<16xf32>,
        %get3A_1183 = arith.index_cast %add3A_1137 : i32 to index
        %get3A_1184 = arith.constant 112 : index
        %get3A_1185 = tpu.vector_load %arg12[%get3A_1183, %get3A_1184] {strides = array<i32>} : memref<128x128xf32, #tpu.memory_space<vmem>>, vector<16xf32>,
        %mul3A_1186 = arith.mulf %get3A_1069, %get3A_1072 : vector<16xf32>
        %mul3A_1187 = arith.mulf %get3A_1075, %get3A_1078 : vector<16xf32>
        %mul3A_1188 = arith.mulf %get3A_1081, %get3A_1084 : vector<16xf32>
        %mul3A_1189 = arith.mulf %get3A_1087, %get3A_1090 : vector<16xf32>
        %mul3A_1190 = arith.mulf %get3A_1093, %get3A_1096 : vector<16xf32>
        %mul3A_1191 = arith.mulf %get3A_1099, %get3A_1102 : vector<16xf32>
        %mul3A_1192 = arith.mulf %get3A_1105, %get3A_1108 : vector<16xf32>
        %mul3A_1193 = arith.mulf %get3A_1111, %get3A_1114 : vector<16xf32>
        %add3A_1194 = arith.addf %mul3A_1186, %mul3A_1187 : vector<16xf32>
        %add3A_1195 = arith.addf %mul3A_1188, %mul3A_1189 : vector<16xf32>
        %add3A_1196 = arith.addf %mul3A_1190, %mul3A_1191 : vector<16xf32>
        %add3A_1197 = arith.addf %mul3A_1192, %mul3A_1193 : vector<16xf32>
        %add3A_1198 = arith.addf %add3A_1194, %add3A_1195 : vector<16xf32>
        %add3A_1199 = arith.addf %add3A_1196, %add3A_1197 : vector<16xf32>
        %add3A_1200 = arith.addf %add3A_1198, %add3A_1199 : vector<16xf32>
        %swap3A_1201 = arith.constant 221 : index
        %swap3A_1202 = tpu.vector_load %arg14[%swap3A_1201] {strides = array<i32>} : memref<272xf32, #tpu.memory_space<vmem>>, vector<16xf32>,
        tpu.vector_store %arg14[%swap3A_1201], %add3A_1200 {strides = array<i32>} : memref<272xf32, #tpu.memory_space<vmem>>, vector<16xf32>,
        %mul3A_1203 = arith.constant 16 : i32
        %mul3A_1204 = arith.muli %add3A_160, %mul3A_1203 : i32
        %add3A_1205 = arith.constant 14 : i32
        %add3A_1206 = arith.addi %mul3A_1204, %add3A_1205 : i32
        %add3A_1207 = arith.constant 1 : i32
        %add3A_1208 = arith.addi %add3A_1206, %add3A_1207 : i32
        %get3A_1209 = arith.index_cast %add3A_1208 : i32 to index
        %get3A_1210 = arith.constant 0 : index
        %get3A_1211 = tpu.vector_load %arg10[%get3A_1209, %get3A_1210] {strides = array<i32>} : memref<128x128xf32, #tpu.memory_space<vmem>>, vector<16xf32>,
        %get3A_1212 = arith.index_cast %add3A_1208 : i32 to index
        %get3A_1213 = arith.constant 0 : index
        %get3A_1214 = tpu.vector_load %arg12[%get3A_1212, %get3A_1213] {strides = array<i32>} : memref<128x128xf32, #tpu.memory_space<vmem>>, vector<16xf32>,
        %get3A_1215 = arith.index_cast %add3A_1208 : i32 to index
        %get3A_1216 = arith.constant 16 : index
        %get3A_1217 = tpu.vector_load %arg10[%get3A_1215, %get3A_1216] {strides = array<i32>} : memref<128x128xf32, #tpu.memory_space<vmem>>, vector<16xf32>,
        %get3A_1218 = arith.index_cast %add3A_1208 : i32 to index
        %get3A_1219 = arith.constant 16 : index
        %get3A_1220 = tpu.vector_load %arg12[%get3A_1218, %get3A_1219] {strides = array<i32>} : memref<128x128xf32, #tpu.memory_space<vmem>>, vector<16xf32>,
        %get3A_1221 = arith.index_cast %add3A_1208 : i32 to index
        %get3A_1222 = arith.constant 32 : index
        %get3A_1223 = tpu.vector_load %arg10[%get3A_1221, %get3A_1222] {strides = array<i32>} : memref<128x128xf32, #tpu.memory_space<vmem>>, vector<16xf32>,
        %get3A_1224 = arith.index_cast %add3A_1208 : i32 to index
        %get3A_1225 = arith.constant 32 : index
        %get3A_1226 = tpu.vector_load %arg12[%get3A_1224, %get3A_1225] {strides = array<i32>} : memref<128x128xf32, #tpu.memory_space<vmem>>, vector<16xf32>,
        %get3A_1227 = arith.index_cast %add3A_1208 : i32 to index
        %get3A_1228 = arith.constant 48 : index
        %get3A_1229 = tpu.vector_load %arg10[%get3A_1227, %get3A_1228] {strides = array<i32>} : memref<128x128xf32, #tpu.memory_space<vmem>>, vector<16xf32>,
        %get3A_1230 = arith.index_cast %add3A_1208 : i32 to index
        %get3A_1231 = arith.constant 48 : index
        %get3A_1232 = tpu.vector_load %arg12[%get3A_1230, %get3A_1231] {strides = array<i32>} : memref<128x128xf32, #tpu.memory_space<vmem>>, vector<16xf32>,
        %get3A_1233 = arith.index_cast %add3A_1208 : i32 to index
        %get3A_1234 = arith.constant 64 : index
        %get3A_1235 = tpu.vector_load %arg10[%get3A_1233, %get3A_1234] {strides = array<i32>} : memref<128x128xf32, #tpu.memory_space<vmem>>, vector<16xf32>,
        %get3A_1236 = arith.index_cast %add3A_1208 : i32 to index
        %get3A_1237 = arith.constant 64 : index
        %get3A_1238 = tpu.vector_load %arg12[%get3A_1236, %get3A_1237] {strides = array<i32>} : memref<128x128xf32, #tpu.memory_space<vmem>>, vector<16xf32>,
        %get3A_1239 = arith.index_cast %add3A_1208 : i32 to index
        %get3A_1240 = arith.constant 80 : index
        %get3A_1241 = tpu.vector_load %arg10[%get3A_1239, %get3A_1240] {strides = array<i32>} : memref<128x128xf32, #tpu.memory_space<vmem>>, vector<16xf32>,
        %get3A_1242 = arith.index_cast %add3A_1208 : i32 to index
        %get3A_1243 = arith.constant 80 : index
        %get3A_1244 = tpu.vector_load %arg12[%get3A_1242, %get3A_1243] {strides = array<i32>} : memref<128x128xf32, #tpu.memory_space<vmem>>, vector<16xf32>,
        %get3A_1245 = arith.index_cast %add3A_1208 : i32 to index
        %get3A_1246 = arith.constant 96 : index
        %get3A_1247 = tpu.vector_load %arg10[%get3A_1245, %get3A_1246] {strides = array<i32>} : memref<128x128xf32, #tpu.memory_space<vmem>>, vector<16xf32>,
        %get3A_1248 = arith.index_cast %add3A_1208 : i32 to index
        %get3A_1249 = arith.constant 96 : index
        %get3A_1250 = tpu.vector_load %arg12[%get3A_1248, %get3A_1249] {strides = array<i32>} : memref<128x128xf32, #tpu.memory_space<vmem>>, vector<16xf32>,
        %get3A_1251 = arith.index_cast %add3A_1208 : i32 to index
        %get3A_1252 = arith.constant 112 : index
        %get3A_1253 = tpu.vector_load %arg10[%get3A_1251, %get3A_1252] {strides = array<i32>} : memref<128x128xf32, #tpu.memory_space<vmem>>, vector<16xf32>,
        %get3A_1254 = arith.index_cast %add3A_1208 : i32 to index
        %get3A_1255 = arith.constant 112 : index
        %get3A_1256 = tpu.vector_load %arg12[%get3A_1254, %get3A_1255] {strides = array<i32>} : memref<128x128xf32, #tpu.memory_space<vmem>>, vector<16xf32>,
        %mul3A_1257 = arith.mulf %get3A_1140, %get3A_1143 : vector<16xf32>
        %mul3A_1258 = arith.mulf %get3A_1146, %get3A_1149 : vector<16xf32>
        %mul3A_1259 = arith.mulf %get3A_1152, %get3A_1155 : vector<16xf32>
        %mul3A_1260 = arith.mulf %get3A_1158, %get3A_1161 : vector<16xf32>
        %mul3A_1261 = arith.mulf %get3A_1164, %get3A_1167 : vector<16xf32>
        %mul3A_1262 = arith.mulf %get3A_1170, %get3A_1173 : vector<16xf32>
        %mul3A_1263 = arith.mulf %get3A_1176, %get3A_1179 : vector<16xf32>
        %mul3A_1264 = arith.mulf %get3A_1182, %get3A_1185 : vector<16xf32>
        %add3A_1265 = arith.addf %mul3A_1257, %mul3A_1258 : vector<16xf32>
        %add3A_1266 = arith.addf %mul3A_1259, %mul3A_1260 : vector<16xf32>
        %add3A_1267 = arith.addf %mul3A_1261, %mul3A_1262 : vector<16xf32>
        %add3A_1268 = arith.addf %mul3A_1263, %mul3A_1264 : vector<16xf32>
        %add3A_1269 = arith.addf %add3A_1265, %add3A_1266 : vector<16xf32>
        %add3A_1270 = arith.addf %add3A_1267, %add3A_1268 : vector<16xf32>
        %add3A_1271 = arith.addf %add3A_1269, %add3A_1270 : vector<16xf32>
        %swap3A_1272 = arith.constant 238 : index
        %swap3A_1273 = tpu.vector_load %arg14[%swap3A_1272] {strides = array<i32>} : memref<272xf32, #tpu.memory_space<vmem>>, vector<16xf32>,
        tpu.vector_store %arg14[%swap3A_1272], %add3A_1271 {strides = array<i32>} : memref<272xf32, #tpu.memory_space<vmem>>, vector<16xf32>,
        %mul3A_1274 = arith.mulf %get3A_1211, %get3A_1214 : vector<16xf32>
        %mul3A_1275 = arith.mulf %get3A_1217, %get3A_1220 : vector<16xf32>
        %mul3A_1276 = arith.mulf %get3A_1223, %get3A_1226 : vector<16xf32>
        %mul3A_1277 = arith.mulf %get3A_1229, %get3A_1232 : vector<16xf32>
        %mul3A_1278 = arith.mulf %get3A_1235, %get3A_1238 : vector<16xf32>
        %mul3A_1279 = arith.mulf %get3A_1241, %get3A_1244 : vector<16xf32>
        %mul3A_1280 = arith.mulf %get3A_1247, %get3A_1250 : vector<16xf32>
        %mul3A_1281 = arith.mulf %get3A_1253, %get3A_1256 : vector<16xf32>
        %add3A_1282 = arith.addf %mul3A_1274, %mul3A_1275 : vector<16xf32>
        %add3A_1283 = arith.addf %mul3A_1276, %mul3A_1277 : vector<16xf32>
        %add3A_1284 = arith.addf %mul3A_1278, %mul3A_1279 : vector<16xf32>
        %add3A_1285 = arith.addf %mul3A_1280, %mul3A_1281 : vector<16xf32>
        %add3A_1286 = arith.addf %add3A_1282, %add3A_1283 : vector<16xf32>
        %add3A_1287 = arith.addf %add3A_1284, %add3A_1285 : vector<16xf32>
        %add3A_1288 = arith.addf %add3A_1286, %add3A_1287 : vector<16xf32>
        %swap3A_1289 = arith.constant 255 : index
        %swap3A_1290 = tpu.vector_load %arg14[%swap3A_1289] {strides = array<i32>} : memref<272xf32, #tpu.memory_space<vmem>>, vector<16xf32>,
        tpu.vector_store %arg14[%swap3A_1289], %add3A_1288 {strides = array<i32>} : memref<272xf32, #tpu.memory_space<vmem>>, vector<16xf32>,
        %add3A_1291 = arith.constant 0 : i32
        %add3A_1292 = vector.broadcast %add3A_1291 : i32 to vector<16xi32>
        %add3A_1293 = arith.addi %mul3A_5, %add3A_1292 : vector<16xi32>
        %gather3A = tpu.vector_load_idx %arg14[%add3A_1293] : memref<272xf32, #tpu.memory_space<vmem>>[vector<16xi32>], vector<16xf32>,
        %add3A_1294 = arith.constant 1 : i32
        %add3A_1295 = vector.broadcast %add3A_1294 : i32 to vector<16xi32>
        %add3A_1296 = arith.addi %mul3A_5, %add3A_1295 : vector<16xi32>
        %gather3A_1297 = tpu.vector_load_idx %arg14[%add3A_1296] : memref<272xf32, #tpu.memory_space<vmem>>[vector<16xi32>], vector<16xf32>,
        %add3A_1298 = arith.constant 2 : i32
        %add3A_1299 = vector.broadcast %add3A_1298 : i32 to vector<16xi32>
        %add3A_1300 = arith.addi %mul3A_5, %add3A_1299 : vector<16xi32>
        %gather3A_1301 = tpu.vector_load_idx %arg14[%add3A_1300] : memref<272xf32, #tpu.memory_space<vmem>>[vector<16xi32>], vector<16xf32>,
        %add3A_1302 = arith.constant 3 : i32
        %add3A_1303 = vector.broadcast %add3A_1302 : i32 to vector<16xi32>
        %add3A_1304 = arith.addi %mul3A_5, %add3A_1303 : vector<16xi32>
        %gather3A_1305 = tpu.vector_load_idx %arg14[%add3A_1304] : memref<272xf32, #tpu.memory_space<vmem>>[vector<16xi32>], vector<16xf32>,
        %add3A_1306 = arith.constant 4 : i32
        %add3A_1307 = vector.broadcast %add3A_1306 : i32 to vector<16xi32>
        %add3A_1308 = arith.addi %mul3A_5, %add3A_1307 : vector<16xi32>
        %gather3A_1309 = tpu.vector_load_idx %arg14[%add3A_1308] : memref<272xf32, #tpu.memory_space<vmem>>[vector<16xi32>], vector<16xf32>,
        %add3A_1310 = arith.constant 5 : i32
        %add3A_1311 = vector.broadcast %add3A_1310 : i32 to vector<16xi32>
        %add3A_1312 = arith.addi %mul3A_5, %add3A_1311 : vector<16xi32>
        %gather3A_1313 = tpu.vector_load_idx %arg14[%add3A_1312] : memref<272xf32, #tpu.memory_space<vmem>>[vector<16xi32>], vector<16xf32>,
        %add3A_1314 = arith.constant 6 : i32
        %add3A_1315 = vector.broadcast %add3A_1314 : i32 to vector<16xi32>
        %add3A_1316 = arith.addi %mul3A_5, %add3A_1315 : vector<16xi32>
        %gather3A_1317 = tpu.vector_load_idx %arg14[%add3A_1316] : memref<272xf32, #tpu.memory_space<vmem>>[vector<16xi32>], vector<16xf32>,
        %add3A_1318 = arith.constant 7 : i32
        %add3A_1319 = vector.broadcast %add3A_1318 : i32 to vector<16xi32>
        %add3A_1320 = arith.addi %mul3A_5, %add3A_1319 : vector<16xi32>
        %gather3A_1321 = tpu.vector_load_idx %arg14[%add3A_1320] : memref<272xf32, #tpu.memory_space<vmem>>[vector<16xi32>], vector<16xf32>,
        %add3A_1322 = arith.constant 8 : i32
        %add3A_1323 = vector.broadcast %add3A_1322 : i32 to vector<16xi32>
        %add3A_1324 = arith.addi %mul3A_5, %add3A_1323 : vector<16xi32>
        %gather3A_1325 = tpu.vector_load_idx %arg14[%add3A_1324] : memref<272xf32, #tpu.memory_space<vmem>>[vector<16xi32>], vector<16xf32>,
        %add3A_1326 = arith.constant 9 : i32
        %add3A_1327 = vector.broadcast %add3A_1326 : i32 to vector<16xi32>
        %add3A_1328 = arith.addi %mul3A_5, %add3A_1327 : vector<16xi32>
        %gather3A_1329 = tpu.vector_load_idx %arg14[%add3A_1328] : memref<272xf32, #tpu.memory_space<vmem>>[vector<16xi32>], vector<16xf32>,
        %add3A_1330 = arith.constant 10 : i32
        %add3A_1331 = vector.broadcast %add3A_1330 : i32 to vector<16xi32>
        %add3A_1332 = arith.addi %mul3A_5, %add3A_1331 : vector<16xi32>
        %gather3A_1333 = tpu.vector_load_idx %arg14[%add3A_1332] : memref<272xf32, #tpu.memory_space<vmem>>[vector<16xi32>], vector<16xf32>,
        %add3A_1334 = arith.constant 11 : i32
        %add3A_1335 = vector.broadcast %add3A_1334 : i32 to vector<16xi32>
        %add3A_1336 = arith.addi %mul3A_5, %add3A_1335 : vector<16xi32>
        %gather3A_1337 = tpu.vector_load_idx %arg14[%add3A_1336] : memref<272xf32, #tpu.memory_space<vmem>>[vector<16xi32>], vector<16xf32>,
        %add3A_1338 = arith.constant 12 : i32
        %add3A_1339 = vector.broadcast %add3A_1338 : i32 to vector<16xi32>
        %add3A_1340 = arith.addi %mul3A_5, %add3A_1339 : vector<16xi32>
        %gather3A_1341 = tpu.vector_load_idx %arg14[%add3A_1340] : memref<272xf32, #tpu.memory_space<vmem>>[vector<16xi32>], vector<16xf32>,
        %add3A_1342 = arith.constant 13 : i32
        %add3A_1343 = vector.broadcast %add3A_1342 : i32 to vector<16xi32>
        %add3A_1344 = arith.addi %mul3A_5, %add3A_1343 : vector<16xi32>
        %gather3A_1345 = tpu.vector_load_idx %arg14[%add3A_1344] : memref<272xf32, #tpu.memory_space<vmem>>[vector<16xi32>], vector<16xf32>,
        %add3A_1346 = arith.constant 14 : i32
        %add3A_1347 = vector.broadcast %add3A_1346 : i32 to vector<16xi32>
        %add3A_1348 = arith.addi %mul3A_5, %add3A_1347 : vector<16xi32>
        %gather3A_1349 = tpu.vector_load_idx %arg14[%add3A_1348] : memref<272xf32, #tpu.memory_space<vmem>>[vector<16xi32>], vector<16xf32>,
        %add3A_1350 = arith.constant 15 : i32
        %add3A_1351 = vector.broadcast %add3A_1350 : i32 to vector<16xi32>
        %add3A_1352 = arith.addi %mul3A_5, %add3A_1351 : vector<16xi32>
        %gather3A_1353 = tpu.vector_load_idx %arg14[%add3A_1352] : memref<272xf32, #tpu.memory_space<vmem>>[vector<16xi32>], vector<16xf32>,
        %add3A_1354 = arith.addf %gather3A, %gather3A_1297 : vector<16xf32>
        %add3A_1355 = arith.addf %gather3A_1301, %gather3A_1305 : vector<16xf32>
        %add3A_1356 = arith.addf %gather3A_1309, %gather3A_1313 : vector<16xf32>
        %add3A_1357 = arith.addf %gather3A_1317, %gather3A_1321 : vector<16xf32>
        %add3A_1358 = arith.addf %gather3A_1325, %gather3A_1329 : vector<16xf32>
        %add3A_1359 = arith.addf %gather3A_1333, %gather3A_1337 : vector<16xf32>
        %add3A_1360 = arith.addf %gather3A_1341, %gather3A_1345 : vector<16xf32>
        %add3A_1361 = arith.addf %gather3A_1349, %gather3A_1353 : vector<16xf32>
        %add3A_1362 = arith.addf %add3A_1354, %add3A_1355 : vector<16xf32>
        %add3A_1363 = arith.addf %add3A_1356, %add3A_1357 : vector<16xf32>
        %add3A_1364 = arith.addf %add3A_1358, %add3A_1359 : vector<16xf32>
        %add3A_1365 = arith.addf %add3A_1360, %add3A_1361 : vector<16xf32>
        %add3A_1366 = arith.addf %add3A_1362, %add3A_1363 : vector<16xf32>
        %add3A_1367 = arith.addf %add3A_1364, %add3A_1365 : vector<16xf32>
        %add3A_1368 = arith.addf %add3A_1366, %add3A_1367 : vector<16xf32>
        %neg3A = arith.constant 0.000000e+00 : f32
        %neg3A_1369 = vector.broadcast %neg3A : f32 to vector<16xf32>
        %neg3A_1370 = arith.subf %neg3A_1369, %add3A_1368 : vector<16xf32>
        %exp3A = math.exp %neg3A_1370 : vector<16xf32>
        %add3A_1371 = arith.constant 1.000000e+00 : f32
        %add3A_1372 = vector.broadcast %add3A_1371 : f32 to vector<16xf32>
        %add3A_1373 = arith.addf %add3A_1372, %exp3A : vector<16xf32>
        %div3A = arith.constant 1.000000e+00 : f32
        %div3A_1374 = vector.broadcast %div3A : f32 to vector<16xf32>
        %div3A_1375 = arith.divf %div3A_1374, %add3A_1373 : vector<16xf32>
        %mul3A_1376 = arith.constant 128 : i32
        %mul3A_1377 = arith.muli %add3A_122, %mul3A_1376 : i32
        %mul3A_1378 = arith.constant 16 : i32
        %mul3A_1379 = arith.muli %add3A_160, %mul3A_1378 : i32
        %add3A_1380 = arith.addi %mul3A_1377, %mul3A_1379 : i32
        %swap3A_1381 = arith.index_cast %add3A_1380 : i32 to index
        %swap3A_1382 = tpu.vector_load %arg13[%swap3A_1381] {strides = array<i32>} : memref<512xf32, #tpu.memory_space<vmem>>, vector<16xf32>,
        tpu.vector_store %arg13[%swap3A_1381], %div3A_1375 {strides = array<i32>} : memref<512xf32, #tpu.memory_space<vmem>>, vector<16xf32>,
      }
      %scan3A_139 = arith.constant 8 : i32
      %mul3A_140 = arith.constant 128 : i32
      %mul3A_141 = arith.muli %add3A_122, %mul3A_140 : i32
      %mul3A_142 = arith.constant 128 : i32
      %mul3A_143 = arith.muli %add3A_122, %mul3A_142 : i32
      %add3A_144 = arith.addi %mul3A_2, %mul3A_143 : i32
      %dma_start3A_145 = tpu.memref_slice %arg13[%mul3A_141] : memref<512xf32, #tpu.memory_space<vmem>> -> memref<128xf32, #tpu.memory_space<vmem>>
      %dma_start3A_146 = tpu.memref_slice %arg6[%add3A_144] : memref<16384xf32, #tpu.memory_space<hbm>> -> memref<128xf32, #tpu.memory_space<hbm>>
      %dma_start3A_147 = tpu.memref_slice %arg6[%add3A_144] : memref<16384xf32, #tpu.memory_space<hbm>> -> memref<128xf32, #tpu.memory_space<hbm>>
      %dma_start3A_148 = tpu.memref_slice %arg13[%mul3A_141] : memref<512xf32, #tpu.memory_space<vmem>> -> memref<128xf32, #tpu.memory_space<vmem>>
      tpu.enqueue_dma source(%dma_start3A_148 : memref<128xf32, #tpu.memory_space<vmem>>) target(%dma_start3A_147 : memref<128xf32, #tpu.memory_space<hbm>>) target_semaphore(%arg19 : memref<!tpu.dma_semaphore, #tpu.memory_space<semaphore_mem>>)
      %add3A_149 = arith.constant 1 : i32
      %add3A_150 = arith.addi %add3A_84, %add3A_149 : i32
      %lt3A_151 = arith.constant 2 : i32
      %lt3A_152 = arith.cmpi slt, %add3A_150, %lt3A_151 : i32
      %convert_element_type3A_153 = arith.extui %lt3A_152 : i1 to i32
      %cond3A_154 = arith.constant 0 : i32
      %cond3A_155 = arith.cmpi ne, %convert_element_type3A_153, %cond3A_154 : i32
      scf.if %cond3A_155 {
        %dma_start3A_156 = arith.constant 384 : i32
        %dma_start3A_157 = tpu.memref_slice %arg7[%dma_start3A_156] : memref<512xi32, #tpu.memory_space<vmem>> -> memref<128xi32, #tpu.memory_space<vmem>>
        %dma_start3A_158 = arith.constant 0 : i32
        %dma_start3A_159 = arith.constant 0 : i32
        %dma_start3A_160 = tpu.memref_slice %arg4[%dma_start3A_158, %dma_start3A_159] : memref<100000x128xf32, #tpu.memory_space<hbm>> -> memref<100000x128xf32, #tpu.memory_space<hbm>>
        tpu.enqueue_indirect_dma source(%dma_start3A_160 : memref<100000x128xf32, #tpu.memory_space<hbm>>) target(%arg10 : memref<128x128xf32, #tpu.memory_space<vmem>>) offsets(%dma_start3A_157 : memref<128xi32, #tpu.memory_space<vmem>>) semaphore(%arg16 : memref<!tpu.dma_semaphore, #tpu.memory_space<semaphore_mem>>)
        %dma_start3A_161 = arith.constant 384 : i32
        %dma_start3A_162 = tpu.memref_slice %arg8[%dma_start3A_161] : memref<512xi32, #tpu.memory_space<vmem>> -> memref<128xi32, #tpu.memory_space<vmem>>
        %dma_start3A_163 = arith.constant 0 : i32
        %dma_start3A_164 = arith.constant 0 : i32
        %dma_start3A_165 = tpu.memref_slice %arg5[%dma_start3A_163, %dma_start3A_164] : memref<100000x128xf32, #tpu.memory_space<hbm>> -> memref<100000x128xf32, #tpu.memory_space<hbm>>
        tpu.enqueue_indirect_dma source(%dma_start3A_165 : memref<100000x128xf32, #tpu.memory_space<hbm>>) target(%arg12 : memref<128x128xf32, #tpu.memory_space<vmem>>) offsets(%dma_start3A_162 : memref<128xi32, #tpu.memory_space<vmem>>) semaphore(%arg18 : memref<!tpu.dma_semaphore, #tpu.memory_space<semaphore_mem>>)
      } else {
      }
    }
    %scan3A_55 = arith.constant 2 : i32
    %dma_wait3A_56 = arith.constant 0 : i32
    %dma_wait3A_57 = tpu.memref_slice %arg13[%dma_wait3A_56] : memref<512xf32, #tpu.memory_space<vmem>> -> memref<128xf32, #tpu.memory_space<vmem>>
    %dma_wait3A_58 = tpu.memref_slice %arg6[%mul3A_2] : memref<16384xf32, #tpu.memory_space<hbm>> -> memref<128xf32, #tpu.memory_space<hbm>>
    %dma_wait3A_59 = tpu.memref_slice %arg6[%mul3A_2] : memref<16384xf32, #tpu.memory_space<hbm>> -> memref<128xf32, #tpu.memory_space<hbm>>
    %dma_wait3A_60 = arith.constant 0 : i32
    %dma_wait3A_61 = tpu.memref_slice %arg13[%dma_wait3A_60] : memref<512xf32, #tpu.memory_space<vmem>> -> memref<128xf32, #tpu.memory_space<vmem>>
    tpu.wait_dma2 semaphore(%arg19 : memref<!tpu.dma_semaphore, #tpu.memory_space<semaphore_mem>>) src(%dma_wait3A_61 : memref<128xf32, #tpu.memory_space<vmem>>) dst(%dma_wait3A_59 : memref<128xf32, #tpu.memory_space<hbm>>)
    %dma_wait3A_62 = arith.constant 0 : i32
    %dma_wait3A_63 = tpu.memref_slice %arg13[%dma_wait3A_62] : memref<512xf32, #tpu.memory_space<vmem>> -> memref<128xf32, #tpu.memory_space<vmem>>
    %dma_wait3A_64 = tpu.memref_slice %arg6[%mul3A_2] : memref<16384xf32, #tpu.memory_space<hbm>> -> memref<128xf32, #tpu.memory_space<hbm>>
    %dma_wait3A_65 = tpu.memref_slice %arg6[%mul3A_2] : memref<16384xf32, #tpu.memory_space<hbm>> -> memref<128xf32, #tpu.memory_space<hbm>>
    %dma_wait3A_66 = arith.constant 0 : i32
    %dma_wait3A_67 = tpu.memref_slice %arg13[%dma_wait3A_66] : memref<512xf32, #tpu.memory_space<vmem>> -> memref<128xf32, #tpu.memory_space<vmem>>
    tpu.wait_dma2 semaphore(%arg19 : memref<!tpu.dma_semaphore, #tpu.memory_space<semaphore_mem>>) src(%dma_wait3A_67 : memref<128xf32, #tpu.memory_space<vmem>>) dst(%dma_wait3A_65 : memref<128xf32, #tpu.memory_space<hbm>>)
    %dma_wait3A_68 = arith.constant 0 : i32
    %dma_wait3A_69 = tpu.memref_slice %arg13[%dma_wait3A_68] : memref<512xf32, #tpu.memory_space<vmem>> -> memref<128xf32, #tpu.memory_space<vmem>>
    %dma_wait3A_70 = tpu.memref_slice %arg6[%mul3A_2] : memref<16384xf32, #tpu.memory_space<hbm>> -> memref<128xf32, #tpu.memory_space<hbm>>
    %dma_wait3A_71 = tpu.memref_slice %arg6[%mul3A_2] : memref<16384xf32, #tpu.memory_space<hbm>> -> memref<128xf32, #tpu.memory_space<hbm>>
    %dma_wait3A_72 = arith.constant 0 : i32
    %dma_wait3A_73 = tpu.memref_slice %arg13[%dma_wait3A_72] : memref<512xf32, #tpu.memory_space<vmem>> -> memref<128xf32, #tpu.memory_space<vmem>>
    tpu.wait_dma2 semaphore(%arg19 : memref<!tpu.dma_semaphore, #tpu.memory_space<semaphore_mem>>) src(%dma_wait3A_73 : memref<128xf32, #tpu.memory_space<vmem>>) dst(%dma_wait3A_71 : memref<128xf32, #tpu.memory_space<hbm>>)
    %dma_wait3A_74 = arith.constant 0 : i32
    %dma_wait3A_75 = tpu.memref_slice %arg13[%dma_wait3A_74] : memref<512xf32, #tpu.memory_space<vmem>> -> memref<128xf32, #tpu.memory_space<vmem>>
    %dma_wait3A_76 = tpu.memref_slice %arg6[%mul3A_2] : memref<16384xf32, #tpu.memory_space<hbm>> -> memref<128xf32, #tpu.memory_space<hbm>>
    %dma_wait3A_77 = tpu.memref_slice %arg6[%mul3A_2] : memref<16384xf32, #tpu.memory_space<hbm>> -> memref<128xf32, #tpu.memory_space<hbm>>
    %dma_wait3A_78 = arith.constant 0 : i32
    %dma_wait3A_79 = tpu.memref_slice %arg13[%dma_wait3A_78] : memref<512xf32, #tpu.memory_space<vmem>> -> memref<128xf32, #tpu.memory_space<vmem>>
    tpu.wait_dma2 semaphore(%arg19 : memref<!tpu.dma_semaphore, #tpu.memory_space<semaphore_mem>>) src(%dma_wait3A_79 : memref<128xf32, #tpu.memory_space<vmem>>) dst(%dma_wait3A_77 : memref<128xf32, #tpu.memory_space<hbm>>)
    return
  }
}

</mosaic_0001>

<sc_bundles>
// kernel: kernel.3.cloned.1.call-start
scs
__scs_entry_jumppad:
0x0: {  	(pc) =	sbr.rel $0x88, $3  }
0x1: {  	(tag) =	ssettag $0x0;
	lr =	simm.s32 $0x1  }
0x2: {  	[smem:$0x3F9D] =	sst lr;
	_ =	strace $0xD0000000  }
0x3: {  	_ = 	snop  }
0x4: {  	_ = 	snop  }
0x5: {  	_ = 	snop  }
0x6: {  	_ = 	snop  }
0x7: {  	_ = 	snop  }
__scs_overlays_trampoline_lowered:
0x8: {  	[smem:$0x3FAC] =	sst s0  }
0x9: {  	[smem:$0x3FAD] =	sst s1  }
0xa: {  	[smem:$0x3FAE] =	sst s2  }
0xb: {  	[smem:$0x3FAF] =	sst s3  }
0xc: {  	[smem:$0x3FB0] =	sst s4  }
0xd: {  	[smem:$0x3FB1] =	sst s5  }
0xe: {  	[smem:$0x3FB2] =	sst s6  }
0xf: {  	[smem:$0x3FB3] =	sst s7  }
0x10: {  	[smem:$0x3FB4] =	sst s8  }
0x11: {  	[smem:$0x3FB5] =	sst s9;
	s0 =	simm.s32 @!p0 $0x0  }
0x12: {  	s1 =	sld [smem:$0x3F9B];
	s0 =	simm.s32 @p0 $0x1  }
0x13: {  	[smem:$0x3FB6] =	sst s0;
	s0 =	simm.s32 @!p1 $0x0  }
0x14: {  	s2 =	sld [smem:$0x3F9A];
	s0 =	simm.s32 @p1 $0x1  }
0x15: {  	[smem:$0x3FB7] =	sst s0;
	s0 =	simm.s32 @!p2 $0x0  }
0x16: {  	s3 =	sld [smem:$0x3FDB];
	s0 =	simm.s32 @p2 $0x1  }
0x17: {  	s4 =	simm.s32 $0x1BF5;
	[smem:$0x3FB9] =	sst s0  }
0x18: {  	s0 =	sld [smem:$0x3F9C];
	_ =	swait.ge [sflag:s4], $0x0  }
0x19: {  	s7 =	sld [smem:$0x3F9D]  }
0x1a: {  	s8 =	sadd.s32 $0xFFFFE003, lr  }
0x1b: {  	s9 =	sadd.s32 $0xFFFFFEF7, lr;
	s5 =	simm.s32 $0xFFFFFFFF;
	p2 =	slt.u32 s8, $0xFFFFF086  }
0x1c: {  	p1 =	slt.u32 s9, $0xF7A;
	s5 =	simm.s32 @!p2 $0x0  }
0x1d: {  	s5 =	simm.s32 @p1 $0x1;
	p0 =	seq.s32 s7, s2  }
0x1e: {  	s7 =	smul.u32 @!p0 $0xF7A, s2;
	p2 =	seq.s32 @!p0 s5, $0x0  }
0x1f: {  	s9 =	smul.u32 $0xF7A, s1;
	s8 =	simm.s32 @!p0 $0x1BF5;
	p2 =	por !p2, p0  }
0x20: {  	[sflag:s8] =	ssyncset.s32 @!p0 $0xFFFFF086;
	s6 =	sadd.s32 @!p0 s3, s7;
	s7 =	simm.s32 @!p0 $0x108  }
0x21: {  	s3 =	sadd.s32 s3, s9;
	s6 =	sadd.s32 @!p0 $0x88, s6;
	s7 =	simm.s32 @p2 $0x1082  }
0x22: {  	[simem:s7], [sflag:s8] =	dma.local @!p0 [hbm:s6], $0xF7A  }
0x23: {  	s9 =	sor.u32 $0xD0000000, s2;
	s6 =	simm.s32 $0x108;
	_ =	swait.ge @!p0 [sflag:s8], $0x0  }
0x24: {  	s3 =	sadd.s32 $0x88, s3;
	s6 =	simm.s32 @!p1 $0x1082;
	[sflag:s4] =	ssyncset.s32 $0xFFFFF086  }
0x25: {  	[simem:s6], [sflag:s4] =	dma.local [hbm:s3], $0xF7A  }
0x26: {  	[smem:$0x3F9D] =	sst s1;
	(tag) =	ssettag s2;
	_ =	strace s9  }
0x27: {  	s1 =	sld [smem:$0x3FAD]  }
0x28: {  	s2 =	sld [smem:$0x3FAE]  }
0x29: {  	s4 =	sld [smem:$0x3FB0]  }
0x2a: {  	p0 =	seq.s32 s5, $0x0;
	s5 =	sld [smem:$0x3FB1]  }
0x2b: {  	s6 =	sld [smem:$0x3FB2]  }
0x2c: {  	s7 =	sld [smem:$0x3FB3]  }
0x2d: {  	s3 =	simm.s32 $0x108;
	s8 =	sld [smem:$0x3FB4]  }
0x2e: {  	s3 =	simm.s32 @!p0 $0x1082;
	s9 =	sld [smem:$0x3FB5]  }
0x2f: {  	lr =	sadd.s32 s0, s3;
	s0 =	sld [smem:$0x3FAC]  }
0x30: {  	s3 =	sld [smem:$0x3FAF]  }
0x31: {  	[smem:$0x3FB8] =	sst s10  }
0x32: {  	s10 =	sld [smem:$0x3FB6];
	_ =	sdelay $0x3  }
0x33: {  	p0 =	seq.s32 s10, $0x1;
	s10 =	sld [smem:$0x3FB8];
	_ =	sdelay $0x3  }
0x34: {  	[smem:$0x3FB8] =	sst s10  }
0x35: {  	s10 =	sld [smem:$0x3FB7];
	_ =	sdelay $0x3  }
0x36: {  	p1 =	seq.s32 s10, $0x1;
	s10 =	sld [smem:$0x3FB8];
	_ =	sdelay $0x3  }
0x37: {  	[smem:$0x3FB8] =	sst s10  }
0x38: {  	s10 =	sld [smem:$0x3FB9]  }
0x39: {  	_ = 	snop;
	(pc) =	sbr.ind lr, $3  }
0x3a: {  	_ = 	snop  }
0x3b: {  	_ = 	snop  }
0x3c: {  	p2 =	seq.s32 s10, $0x1;
	s10 =	sld [smem:$0x3FB8]  }
0x3d: {  	_ =	shalt  }
0x3e: {  	_ =	shalt  }
0x3f: {  	_ =	shalt  }
0x40: {  	_ =	shalt  }
0x41: {  	_ =	shalt  }
0x42: {  	_ =	shalt  }
0x43: {  	_ =	shalt  }
0x44: {  	_ =	shalt  }
0x45: {  	_ =	shalt  }
0x46: {  	_ =	shalt  }
0x47: {  	_ =	shalt  }
0x48: {  	_ =	shalt  }
0x49: {  	_ =	shalt  }
0x4a: {  	_ =	shalt  }
0x4b: {  	_ =	shalt  }
0x4c: {  	_ =	shalt  }
0x4d: {  	_ =	shalt  }
0x4e: {  	_ =	shalt  }
0x4f: {  	_ =	shalt  }
0x50: {  	_ =	shalt  }
0x51: {  	_ =	shalt  }
0x52: {  	_ =	shalt  }
0x53: {  	_ =	shalt  }
0x54: {  	_ =	shalt  }
0x55: {  	_ =	shalt  }
0x56: {  	_ =	shalt  }
0x57: {  	_ =	shalt  }
0x58: {  	_ =	shalt  }
0x59: {  	_ =	shalt  }
0x5a: {  	_ =	shalt  }
0x5b: {  	_ =	shalt  }
0x5c: {  	_ =	shalt  }
0x5d: {  	_ =	shalt  }
0x5e: {  	_ =	shalt  }
0x5f: {  	_ =	shalt  }
0x60: {  	_ =	shalt  }
0x61: {  	_ =	shalt  }
0x62: {  	_ =	shalt  }
0x63: {  	_ =	shalt  }
0x64: {  	_ =	shalt  }
0x65: {  	_ =	shalt  }
0x66: {  	_ =	shalt  }
0x67: {  	_ =	shalt  }
0x68: {  	_ =	shalt  }
0x69: {  	_ =	shalt  }
0x6a: {  	_ =	shalt  }
0x6b: {  	_ =	shalt  }
0x6c: {  	_ =	shalt  }
0x6d: {  	_ =	shalt  }
0x6e: {  	_ =	shalt  }
0x6f: {  	_ =	shalt  }
0x70: {  	_ =	shalt  }
0x71: {  	_ =	shalt  }
0x72: {  	_ =	shalt  }
0x73: {  	_ =	shalt  }
0x74: {  	_ =	shalt  }
0x75: {  	_ =	shalt  }
0x76: {  	_ =	shalt  }
0x77: {  	_ =	shalt  }
0x78: {  	_ =	shalt  }
0x79: {  	_ =	shalt  }
0x7a: {  	_ =	shalt  }
0x7b: {  	_ =	shalt  }
0x7c: {  	_ =	shalt  }
0x7d: {  	_ =	shalt  }
0x7e: {  	_ =	shalt  }
0x7f: {  	_ =	shalt  }
0x80: {  	_ =	shalt  }
0x81: {  	_ =	shalt  }
0x82: {  	_ =	shalt  }
0x83: {  	_ =	shalt  }
0x84: {  	_ =	shalt  }
0x85: {  	_ =	shalt  }
0x86: {  	_ =	shalt  }
0x87: {  	_ =	shalt  }
.Lfunc_end0:
.L_simem_size_0:
called_computation_lowered:
.L_overlay_start_0:
0x88: {  	s2 =	sld [smem:$0x3FD9]  }
0x89: {  	s3 =	sld [smem:$0x3FFE];
	_ =	sdelay $0x1  }
0x8a: {  	s1 =	srdreg.scid  }
0x8b: {  	s0 =	sand.u32 $0x1, s1  }
0x8c: {  	s18 =	sshll.u32 s0, $0xA;
	s2 =	sadd.s32 s3, s2  }
0x8d: {  	s2 =	sadd.s32 s2, s18  }
0x8e: {  	[smem:$0x3FC4] =	sst s2  }
0x8f: {  	_ = 	snop  }
0x90: {  	s2 =	sld [smem:$0x3FC9]  }
0x91: {  	s19 =	sld [smem:$0x3FC8]  }
0x92: {  	s4 =	sld [smem:$0x3FC7]  }
0x93: {  	s5 =	sld [smem:$0x3FC6]  }
0x94: {  	s6 =	sld [smem:$0x3FD0];
	(tm) =	ssettm $0x1  }
0x95: {  	s7 =	sld [smem:$0x3FFB];
	_ =	sdelay $0x3  }
0x96: {  	_ =	strace s7  }
0x97: {  	s7 =	sld [smem:$0x3FFC];
	_ =	sdelay $0x3  }
0x98: {  	_ =	strace s7  }
0x99: {  	s7 =	sld [smem:$0x3FFD];
	_ =	sdelay $0x3  }
0x9a: {  	_ =	strace s7  }
0x9b: {  	_ =	strace $0x8FFFFFFF  }
0x9c: {  	s20 =	sld [smem:$0x3FDB];
	_ =	sdelay $0x1  }
0x9d: {  	s8 =	simm.s32 $_scs_section_size  }
0x9e: {  	s9 =	simm.s32 $_size__tile_overlayer_lowered;
	s10 =	simm.s32 $_tile_overlayer_lowered  }
0x9f: {  	s23 =	simm.s32 $0x1BFF;
	s22 =	sshll.u32 s10, $0x1;
	s7 =	sadd.s32 s8, s20  }
0xa0: {  	s11 =	simm.s32 $0x0;
	s21 =	sshll.u32 s9, $0x1;
	s9 =	sadd.s32 s22, s7  }
0xa1: {  	[timem:s11], [sflag:s23] =	dma.local [hbm:s9], s21  }
0xa2: {  	_ =	swait.ge [sflag:s23], s21  }
0xa3: {  	s8 =	ssub.s32 $0x0, s21;
	[sflag:s23] =	ssyncset.done $0x0  }
0xa4: {  	[sflag:s23] =	ssyncadd.s32 s8;
	_ =	sdelay $0x1  }
0xa5: {  	s24 =	simm.s32 $0x1B8B  }
0xa6: {  	_ =	swait.ge [sflag:s24], $0x1  }
0xa7: {  	[sflag:s24] =	ssyncset.done $0x0  }
0xa8: {  	s25 =	simm.s32 $0x1B8E;
	[sflag:s24] =	ssyncadd.s32 $0xFFFFFFFF  }
0xa9: {  	s26 =	simm.s32 $execute0_lowered;
	[smem:$0x3FD2] =	sst s25  }
0xaa: {  	s8 =	sshll.u32 s26, $0x1;
	_ =	strace $0x80000046;
	[dreg:$0x1] =	wrdreg $0xFFFFFFFF  }
0xab: {  	s28 =	simm.s32 $_size_execute0_lowered;
	s7 =	sadd.s32 s7, s8;
	[dreg:$0x0] =	wrdreg $0x0  }
0xac: {  	s8 =	sshll.u32 s28, $0x1;
	[dreg:$0x2] =	wrdreg s7  }
0xad: {  	[dreg:$0x3] =	wrdreg s8  }
0xae: {  	[dreg:$0x4] =	wrdreg $0xC0  }
0xaf: {  	_ =	task [dreg:s11], $0x5FFFF  }
0xb0: {  	[dreg:$0x1] =	wrdreg $0xFFFFFFFF  }
0xb1: {  	[dreg:$0x0] =	wrdreg $0x60  }
0xb2: {  	[dreg:$0x2] =	wrdreg s2  }
0xb3: {  	[dreg:$0x3] =	wrdreg s19  }
0xb4: {  	[dreg:$0x4] =	wrdreg s4  }
0xb5: {  	[dreg:$0x5] =	wrdreg s5  }
0xb6: {  	[dreg:$0x6] =	wrdreg s6  }
0xb7: {  	[dreg:$0x7] =	wrdreg $0x9  }
0xb8: {  	_ =	task.clear_ibuf [dreg:s11], $0x8FFFF;
	_ =	strace $0x90000046  }
0xb9: {  	s29 =	simm.s32 $0x9;
	_ =	strace $0x80000048  }
0xba: {  	_ =	swait.ge [sflag:s29], $0x1  }
0xbb: {  	[sflag:s29] =	ssyncadd.s32 $0xFFFFFFFF  }
0xbc: {  	_ =	strace $0x90000048  }
0xbd: {  	_ =	sfence  }
0xbe: {  	s30 =	sld [smem:$0x0];
	_ =	sdelay $0x2  }
0xbf: {  	s31 =	sshll.u32 s1, $0xD;
	s1 =	sshrl.u32 s1, $0x2  }
0xc0: {  	s3 =	sand.u32 $0x4000, s31;
	s1 =	sadd.s32 s1, s30  }
0xc1: {  	s0 =	sor.u32 s3, s0;
	s1 =	sshll.u32 s1, $0x11  }
0xc2: {  	s0 =	sor.u32 s1, s0  }
0xc3: {  	s0 =	sadd.s32 $0x8F2B, s0  }
0xc4: {  	[sflag:s0] =	ssyncadd.remote.s32 $0x1  }
0xc5: {  	_ =	sfence.sel $0xFFFF  }
0xc6: {  	[dreg:$0x0] =	wrdreg $0xFFFFFFFF;
	(pc) =	sbr.abs _section_cstart, $3  }
0xc7: {  	[dreg:$0x1] =	wrdreg $0xFFFFFFFF  }
0xc8: {  	_ =	task.clear_ibuf [dreg:s11], $0x2FFFF;
	_ =	strace $0x9FFFFFFF  }
0xc9: {  	(tm) =	ssettm $0x7FFFFFFF  }
tec
execute0_lowered:
.L_overlay_start_1:
0x0: {  	(tag) =	ssettag $0x1  }
0x1: {  	s9 =	rddreg [dreg:$0x0]  }
0x2: {  	s10 =	rddreg [dreg:$0x1]  }
0x3: {  	s1 =	rddreg [dreg:$0x2]  }
0x4: {  	s3 =	rddreg [dreg:$0x3]  }
0x5: {  	s4 =	rddreg [dreg:$0x4];
	s5 =	srdreg.scid  }
0x6: {  	s0 =	rddreg [dreg:$0x5];
	s2 =	stileid.u32;
	s13 =	simm.s32 $0x1  }
0x7: {  	s14 =	simm.s32 $0x400;
	s15 =	simm.s32 $0x3;
	s16 =	simm.s32 $0x8400  }
0x8: {  	s17 =	simm.s32 $0x6;
	s18 =	simm.s32 $0x80;
	s19 =	simm.s32 $0x4400  }
0x9: {  	v0 =	vlaneseq.u32;
	s20 =	simm.s32 $0xC400;
	s21 =	simm.s32 $0x10600;
	s22 =	simm.s32 $0x2  }
0xa: {  	s23 =	simm.s32 $0x4;
	s24 =	simm.s32 $0x5;
	s6 =	sand.u32 $0x1, s5;
	v0 =	vmul.u32 $0x11, v0  }
0xb: {  	s25 =	simm.s32 $0x0;
	s7 =	sshll.u32 s2, $0xA;
	s8 =	sshll.u32 s6, $0x9  }
0xc: {  	s5 =	simm.s32 $0x0;
	s11 =	ssub.s32 $0x2, s6;
	s6 =	sor.u32 s8, s7;
	v1 =	vadd.s32 $0x1, v0;
	v2 =	vadd.s32 $0x2, v0;
	v3 =	vadd.s32 $0x3, v0  }
0xd: {  	[smem:$0x7FF] =	sst s5;
	s31 =	sshrl.u32 s11, $0x1;
	v4 =	vadd.s32 $0x4, v0;
	v5 =	vadd.s32 $0x5, v0;
	v6 =	vadd.s32 $0x6, v0;
	s8 =	sshrl.u32 s6, $0x3  }
0xe: {  	_ =	strace $0x80000047;
	v7 =	vadd.s32 $0x7, v0;
	v8 =	vadd.s32 $0x8, v0;
	v9 =	vadd.s32 $0x9, v0;
	s11 =	ssub.s32 s11, s31;
	s7 =	sadd.s32 s9, s8  }
0xf: {  	v10 =	vadd.s32 $0xA, v0;
	v11 =	vadd.s32 $0xB, v0;
	v12 =	vadd.s32 $0xC, v0;
	s12 =	sor.u32 $0x10, s8;
	s8 =	sadd.s32 s10, s8;
	s11 =	smax.u32 s11, $0x1  }
0x10: {  	v13 =	vadd.s32 $0xD, v0;
	v14 =	vadd.s32 $0xE, v0;
	v15 =	vadd.s32 $0xF, v0;
	s9 =	sadd.s32 s9, s12;
	s10 =	sadd.s32 s10, s12;
	s12 =	simm.s32 $0x200  }
.LBB2_1:
0x11: {  	[tilespmem:s5], [sflag:$0x1] =	stream.linear.gather [hbm4b:s7+s5], $0x80, $0x38;
	[tilespmem:$0x10780] =	vst v63  }
0x12: {  	_ = 	snop  }
0x13: {  	[tilespmem:s12], [sflag:$0x3] =	stream.linear.gather [hbm4b:s8+s5], $0x80, $0x38;
	[tilespmem:$0x10780] =	vst v63  }
0x14: {  	_ =	swait.ge [sflag:s13], $0x80  }
0x15: {  	[sflag:s13] =	ssyncset.done $0x0  }
0x16: {  	[sflag:s13] =	ssyncadd.s32 $0xFFFFFF80  }
0x17: {  	[tilespmem:s14], [sflag:$0x1] =	stream.indirect.gather [hbm4b:s1+s18], $0x80, s5, s18, $0xb8;
	[tilespmem:$0x10780] =	vst v63  }
0x18: {  	_ =	swait.ge [sflag:s15], $0x80  }
0x19: {  	[sflag:s15] =	ssyncset.done $0x0  }
0x1a: {  	[sflag:s15] =	ssyncadd.s32 $0xFFFFFF80  }
0x1b: {  	[tilespmem:s16], [sflag:$0x3] =	stream.indirect.gather [hbm4b:s3+s18], $0x80, s12, s18, $0xb8;
	[tilespmem:$0x10780] =	vst v63  }
0x1c: {  	_ = 	snop  }
0x1d: {  	[tilespmem:s18], [sflag:$0x6] =	stream.linear.gather [hbm4b:s9+s5], $0x180, $0x38;
	[tilespmem:$0x10780] =	vst v63  }
0x1e: {  	_ =	swait.ge [sflag:s17], $0x180  }
0x1f: {  	[sflag:s17] =	ssyncset.done $0x0  }
0x20: {  	s28 =	simm.s32 $0x280;
	[sflag:s17] =	ssyncadd.s32 $0xFFFFFE80  }
0x21: {  	[tilespmem:s28], [sflag:$0x6] =	stream.linear.gather [hbm4b:s10+s5], $0x180, $0x38;
	[tilespmem:$0x10780] =	vst v63  }
0x22: {  	_ =	swait.ge [sflag:s17], $0x180  }
0x23: {  	p1 =	por $0x1, $0x1;
	[sflag:s17] =	ssyncset.done $0x0  }
0x24: {  	s29 =	simm.s32 $0x80;
	s26 =	simm.s32 $0x0;
	[sflag:s17] =	ssyncadd.s32 $0xFFFFFE80  }
.LBB2_2:
0x25: {  	[tilespmem:s19], [sflag:$0x2] =	stream.indirect.gather [hbm4b:s1+s18], $0x80, s29, s18, $0xb8;
	[tilespmem:$0x10780] =	vst v63  }
0x26: {  	_ = 	snop  }
0x27: {  	[tilespmem:s20], [sflag:$0x4] =	stream.indirect.gather [hbm4b:s3+s18], $0x80, s28, s18, $0xb8;
	[tilespmem:$0x10780] =	vst v63  }
0x28: {  	_ =	swait.ge [sflag:s13], $0x4000  }
0x29: {  	[sflag:s13] =	ssyncset.done $0x0  }
0x2a: {  	s28 =	sshll.u32 s26, $0x8;
	[sflag:s13] =	ssyncadd.s32 $0xFFFFC000  }
0x2b: {  	s29 =	sand.u32 $0x3FFFFF00, s28;
	_ =	swait.ge [sflag:s15], $0x4000  }
0x2c: {  	s30 =	sadd.s32 $0x10400, s29;
	[sflag:s15] =	ssyncset.done $0x0  }
0x2d: {  	p0 =	por p1, p1;
	s29 =	simm.s32 $0x0;
	v16 =	vmov s30;
	[sflag:s15] =	ssyncadd.s32 $0xFFFFC000  }
.LBB2_3:
0x2e: {  	s30 =	sshll.u32 s29, $0xB  }
0x2f: {  	v17 =	vld [tilespmem:s30+$0x400]  }
0x30: {  	v18 =	vld [tilespmem:s30+$0x8400]  }
0x31: {  	v19 =	vld [tilespmem:s30+$0x410]  }
0x32: {  	v20 =	vld [tilespmem:s30+$0x8410]  }
0x33: {  	v21 =	vld [tilespmem:s30+$0x420]  }
0x34: {  	v22 =	vld [tilespmem:s30+$0x8420]  }
0x35: {  	v23 =	vld [tilespmem:s30+$0x430]  }
0x36: {  	v24 =	vld [tilespmem:s30+$0x8430]  }
0x37: {  	v25 =	vld [tilespmem:s30+$0x440]  }
0x38: {  	v26 =	vld [tilespmem:s30+$0x8440]  }
0x39: {  	v27 =	vld [tilespmem:s30+$0x450]  }
0x3a: {  	v28 =	vld [tilespmem:s30+$0x8450]  }
0x3b: {  	v29 =	vld [tilespmem:s30+$0x460]  }
0x3c: {  	v30 =	vld [tilespmem:s30+$0x8460]  }
0x3d: {  	v31 =	vld [tilespmem:s30+$0x470]  }
0x3e: {  	v32 =	vld [tilespmem:s30+$0x8470]  }
0x3f: {  	v33 =	vld [tilespmem:s30+$0x480]  }
0x40: {  	v34 =	vld [tilespmem:s30+$0x8480]  }
0x41: {  	v35 =	vld [tilespmem:s30+$0x490]  }
0x42: {  	v36 =	vld [tilespmem:s30+$0x8490]  }
0x43: {  	v37 =	vld [tilespmem:s30+$0x4A0];
	v17 =	vmul.f32 v18, v17;
	v18 =	vmul.f32 v20, v19  }
0x44: {  	v38 =	vld [tilespmem:s30+$0x84A0];
	v58 =	vmul.f32 v22, v21;
	v59 =	vmul.f32 v24, v23  }
0x45: {  	v60 =	vld [tilespmem:s30+$0x84B0];
	v61 =	vmul.f32 v26, v25;
	v62 =	vmul.f32 v28, v27  }
0x46: {  	v63 =	vld [tilespmem:s30+$0x4C0];
	v39 =	vmul.f32 v30, v29;
	v40 =	vmul.f32 v32, v31  }
0x47: {  	v41 =	vld [tilespmem:s30+$0x84C0];
	v17 =	vadd.f32 v18, v17;
	v18 =	vadd.f32 v59, v58  }
0x48: {  	v42 =	vld [tilespmem:s30+$0x4D0];
	v43 =	vadd.f32 v62, v61;
	v44 =	vadd.f32 v40, v39  }
0x49: {  	v45 =	vld [tilespmem:s30+$0x84D0]  }
0x4a: {  	v46 =	vld [tilespmem:s30+$0x4E0];
	v17 =	vadd.f32 v18, v17;
	v18 =	vadd.f32 v44, v43  }
0x4b: {  	v47 =	vld [tilespmem:s30+$0x84E0]  }
0x4c: {  	v48 =	vld [tilespmem:s30+$0x4F0];
	v17 =	vadd.f32 v18, v17  }
0x4d: {  	v19 =	vld [tilespmem:s30+$0x4B0]  }
0x4e: {  	v18 =	vld [tilespmem:s30+$0x84F0];
	[tilespmem:$0x10600] =	vst v17  }
0x4f: {  	v17 =	vld [tilespmem:s30+$0x500]  }
0x50: {  	v49 =	vld [tilespmem:s30+$0x8500]  }
0x51: {  	v50 =	vld [tilespmem:s30+$0x510]  }
0x52: {  	v51 =	vld [tilespmem:s30+$0x8510]  }
0x53: {  	v33 =	vmul.f32 v34, v33;
	v54 =	vmul.f32 v36, v35;
	v52 =	vld [tilespmem:s30+$0x520]  }
0x54: {  	v56 =	vmul.f32 v38, v37;
	v25 =	vmul.f32 v41, v63;
	v53 =	vld [tilespmem:s30+$0x8520]  }
0x55: {  	v20 =	vmul.f32 v45, v42;
	v21 =	vmul.f32 v47, v46;
	v55 =	vld [tilespmem:s30+$0x530]  }
0x56: {  	v19 =	vmul.f32 v60, v19;
	v57 =	vld [tilespmem:s30+$0x8530];
	v18 =	vmul.f32 v18, v48  }
0x57: {  	v20 =	vadd.f32 v20, v25;
	v60 =	vadd.f32 v54, v33;
	v58 =	vld [tilespmem:s30+$0x540]  }
0x58: {  	v19 =	vadd.f32 v19, v56;
	v59 =	vld [tilespmem:s30+$0x8540];
	v18 =	vadd.f32 v18, v21  }
0x59: {  	v61 =	vld [tilespmem:s30+$0x550]  }
0x5a: {  	v62 =	vld [tilespmem:s30+$0x8550];
	v19 =	vadd.f32 v19, v60;
	v18 =	vadd.f32 v18, v20  }
0x5b: {  	v63 =	vld [tilespmem:s30+$0x560]  }
0x5c: {  	v40 =	vld [tilespmem:s30+$0x8560];
	v18 =	vadd.f32 v18, v19  }
0x5d: {  	v41 =	vld [tilespmem:s30+$0x570]  }
0x5e: {  	v19 =	vld [tilespmem:s30+$0x8570];
	[tilespmem:$0x10611] =	vst v18  }
0x5f: {  	v18 =	vld [tilespmem:s30+$0x580]  }
0x60: {  	v42 =	vld [tilespmem:s30+$0x8580]  }
0x61: {  	v43 =	vld [tilespmem:s30+$0x590]  }
0x62: {  	v44 =	vld [tilespmem:s30+$0x8590]  }
0x63: {  	v17 =	vmul.f32 v49, v17;
	v47 =	vmul.f32 v51, v50;
	v45 =	vld [tilespmem:s30+$0x5A0]  }
0x64: {  	v49 =	vmul.f32 v53, v52;
	v22 =	vmul.f32 v57, v55;
	v46 =	vld [tilespmem:s30+$0x85A0]  }
0x65: {  	v23 =	vmul.f32 v59, v58;
	v21 =	vmul.f32 v62, v61;
	v48 =	vld [tilespmem:s30+$0x5B0]  }
0x66: {  	v20 =	vmul.f32 v40, v63;
	v50 =	vld [tilespmem:s30+$0x85B0];
	v19 =	vmul.f32 v19, v41  }
0x67: {  	v17 =	vadd.f32 v47, v17;
	v22 =	vadd.f32 v22, v49;
	v51 =	vld [tilespmem:s30+$0x5C0]  }
0x68: {  	v21 =	vadd.f32 v21, v23;
	v52 =	vld [tilespmem:s30+$0x85C0];
	v19 =	vadd.f32 v19, v20  }
0x69: {  	v53 =	vld [tilespmem:s30+$0x5D0]  }
0x6a: {  	v17 =	vadd.f32 v22, v17;
	v54 =	vld [tilespmem:s30+$0x85D0];
	v19 =	vadd.f32 v19, v21  }
0x6b: {  	v55 =	vld [tilespmem:s30+$0x5E0]  }
0x6c: {  	v56 =	vld [tilespmem:s30+$0x85E0];
	v17 =	vadd.f32 v19, v17  }
0x6d: {  	v57 =	vld [tilespmem:s30+$0x5F0]  }
0x6e: {  	v19 =	vld [tilespmem:s30+$0x85F0];
	[tilespmem:$0x10622] =	vst v17  }
0x6f: {  	v17 =	vld [tilespmem:s30+$0x600]  }
0x70: {  	v58 =	vld [tilespmem:s30+$0x8600]  }
0x71: {  	v59 =	vld [tilespmem:s30+$0x610]  }
0x72: {  	v60 =	vld [tilespmem:s30+$0x8610]  }
0x73: {  	v18 =	vmul.f32 v42, v18;
	v63 =	vmul.f32 v44, v43;
	v61 =	vld [tilespmem:s30+$0x620]  }
0x74: {  	v41 =	vmul.f32 v46, v45;
	v29 =	vmul.f32 v50, v48;
	v62 =	vld [tilespmem:s30+$0x8620]  }
0x75: {  	v24 =	vmul.f32 v52, v51;
	v20 =	vmul.f32 v54, v53;
	v40 =	vld [tilespmem:s30+$0x630]  }
0x76: {  	v21 =	vmul.f32 v56, v55;
	v42 =	vld [tilespmem:s30+$0x8630];
	v19 =	vmul.f32 v19, v57  }
0x77: {  	v18 =	vadd.f32 v63, v18;
	v45 =	vadd.f32 v29, v41;
	v43 =	vld [tilespmem:s30+$0x640]  }
0x78: {  	v20 =	vadd.f32 v20, v24;
	v44 =	vld [tilespmem:s30+$0x8640];
	v19 =	vadd.f32 v19, v21  }
0x79: {  	v46 =	vld [tilespmem:s30+$0x650]  }
0x7a: {  	v18 =	vadd.f32 v45, v18;
	v47 =	vld [tilespmem:s30+$0x8650];
	v19 =	vadd.f32 v19, v20  }
0x7b: {  	v48 =	vld [tilespmem:s30+$0x660]  }
0x7c: {  	v49 =	vld [tilespmem:s30+$0x8660];
	v18 =	vadd.f32 v19, v18  }
0x7d: {  	v50 =	vld [tilespmem:s30+$0x670]  }
0x7e: {  	v19 =	vld [tilespmem:s30+$0x8670];
	[tilespmem:$0x10633] =	vst v18  }
0x7f: {  	v18 =	vld [tilespmem:s30+$0x680]  }
0x80: {  	v51 =	vld [tilespmem:s30+$0x8680]  }
0x81: {  	v52 =	vld [tilespmem:s30+$0x690]  }
0x82: {  	v53 =	vld [tilespmem:s30+$0x8690]  }
0x83: {  	v17 =	vmul.f32 v58, v17;
	v56 =	vmul.f32 v60, v59;
	v54 =	vld [tilespmem:s30+$0x6A0]  }
0x84: {  	v58 =	vmul.f32 v62, v61;
	v31 =	vmul.f32 v42, v40;
	v55 =	vld [tilespmem:s30+$0x86A0]  }
0x85: {  	v22 =	vmul.f32 v44, v43;
	v21 =	vmul.f32 v47, v46;
	v57 =	vld [tilespmem:s30+$0x6B0]  }
0x86: {  	v20 =	vmul.f32 v49, v48;
	v59 =	vld [tilespmem:s30+$0x86B0];
	v19 =	vmul.f32 v19, v50  }
0x87: {  	v17 =	vadd.f32 v56, v17;
	v62 =	vadd.f32 v31, v58;
	v60 =	vld [tilespmem:s30+$0x6C0]  }
0x88: {  	v21 =	vadd.f32 v21, v22;
	v61 =	vld [tilespmem:s30+$0x86C0];
	v19 =	vadd.f32 v19, v20  }
0x89: {  	v63 =	vld [tilespmem:s30+$0x6D0]  }
0x8a: {  	v17 =	vadd.f32 v62, v17;
	v40 =	vld [tilespmem:s30+$0x86D0];
	v19 =	vadd.f32 v19, v21  }
0x8b: {  	v41 =	vld [tilespmem:s30+$0x6E0]  }
0x8c: {  	v42 =	vld [tilespmem:s30+$0x86E0];
	v17 =	vadd.f32 v19, v17  }
0x8d: {  	v43 =	vld [tilespmem:s30+$0x6F0]  }
0x8e: {  	v19 =	vld [tilespmem:s30+$0x86F0];
	[tilespmem:$0x10644] =	vst v17  }
0x8f: {  	v17 =	vld [tilespmem:s30+$0x700]  }
0x90: {  	v44 =	vld [tilespmem:s30+$0x8700]  }
0x91: {  	v45 =	vld [tilespmem:s30+$0x710]  }
0x92: {  	v46 =	vld [tilespmem:s30+$0x8710]  }
0x93: {  	v18 =	vmul.f32 v51, v18;
	v49 =	vmul.f32 v53, v52;
	v47 =	vld [tilespmem:s30+$0x720]  }
0x94: {  	v51 =	vmul.f32 v55, v54;
	v28 =	vmul.f32 v59, v57;
	v48 =	vld [tilespmem:s30+$0x8720]  }
0x95: {  	v23 =	vmul.f32 v61, v60;
	v20 =	vmul.f32 v40, v63;
	v50 =	vld [tilespmem:s30+$0x730]  }
0x96: {  	v21 =	vmul.f32 v42, v41;
	v52 =	vld [tilespmem:s30+$0x8730];
	v19 =	vmul.f32 v19, v43  }
0x97: {  	v18 =	vadd.f32 v49, v18;
	v55 =	vadd.f32 v28, v51;
	v53 =	vld [tilespmem:s30+$0x740]  }
0x98: {  	v20 =	vadd.f32 v20, v23;
	v54 =	vld [tilespmem:s30+$0x8740];
	v19 =	vadd.f32 v19, v21  }
0x99: {  	v56 =	vld [tilespmem:s30+$0x750]  }
0x9a: {  	v18 =	vadd.f32 v55, v18;
	v57 =	vld [tilespmem:s30+$0x8750];
	v19 =	vadd.f32 v19, v20  }
0x9b: {  	v58 =	vld [tilespmem:s30+$0x760]  }
0x9c: {  	v59 =	vld [tilespmem:s30+$0x8760];
	v18 =	vadd.f32 v19, v18  }
0x9d: {  	v60 =	vld [tilespmem:s30+$0x770]  }
0x9e: {  	v19 =	vld [tilespmem:s30+$0x8770];
	[tilespmem:$0x10655] =	vst v18  }
0x9f: {  	v18 =	vld [tilespmem:s30+$0x780]  }
0xa0: {  	v61 =	vld [tilespmem:s30+$0x8780]  }
0xa1: {  	v62 =	vld [tilespmem:s30+$0x790]  }
0xa2: {  	v63 =	vld [tilespmem:s30+$0x8790]  }
0xa3: {  	v17 =	vmul.f32 v44, v17;
	v42 =	vmul.f32 v46, v45;
	v40 =	vld [tilespmem:s30+$0x7A0]  }
0xa4: {  	v44 =	vmul.f32 v48, v47;
	v32 =	vmul.f32 v52, v50;
	v41 =	vld [tilespmem:s30+$0x87A0]  }
0xa5: {  	v22 =	vmul.f32 v54, v53;
	v21 =	vmul.f32 v57, v56;
	v43 =	vld [tilespmem:s30+$0x7B0]  }
0xa6: {  	v20 =	vmul.f32 v59, v58;
	v45 =	vld [tilespmem:s30+$0x87B0];
	v19 =	vmul.f32 v19, v60  }
0xa7: {  	v17 =	vadd.f32 v42, v17;
	v48 =	vadd.f32 v32, v44;
	v46 =	vld [tilespmem:s30+$0x7C0]  }
0xa8: {  	v21 =	vadd.f32 v21, v22;
	v47 =	vld [tilespmem:s30+$0x87C0];
	v19 =	vadd.f32 v19, v20  }
0xa9: {  	v49 =	vld [tilespmem:s30+$0x7D0]  }
0xaa: {  	v17 =	vadd.f32 v48, v17;
	v50 =	vld [tilespmem:s30+$0x87D0];
	v19 =	vadd.f32 v19, v21  }
0xab: {  	v51 =	vld [tilespmem:s30+$0x7E0]  }
0xac: {  	v52 =	vld [tilespmem:s30+$0x87E0];
	v17 =	vadd.f32 v19, v17  }
0xad: {  	v53 =	vld [tilespmem:s30+$0x7F0]  }
0xae: {  	v19 =	vld [tilespmem:s30+$0x87F0];
	[tilespmem:$0x10666] =	vst v17  }
0xaf: {  	v17 =	vld [tilespmem:s30+$0x800]  }
0xb0: {  	v54 =	vld [tilespmem:s30+$0x8800]  }
0xb1: {  	v55 =	vld [tilespmem:s30+$0x810]  }
0xb2: {  	v56 =	vld [tilespmem:s30+$0x8810]  }
0xb3: {  	v18 =	vmul.f32 v61, v18;
	v59 =	vmul.f32 v63, v62;
	v57 =	vld [tilespmem:s30+$0x820]  }
0xb4: {  	v61 =	vmul.f32 v41, v40;
	v30 =	vmul.f32 v45, v43;
	v58 =	vld [tilespmem:s30+$0x8820]  }
0xb5: {  	v23 =	vmul.f32 v47, v46;
	v20 =	vmul.f32 v50, v49;
	v60 =	vld [tilespmem:s30+$0x830]  }
0xb6: {  	v21 =	vmul.f32 v52, v51;
	v62 =	vld [tilespmem:s30+$0x8830];
	v19 =	vmul.f32 v19, v53  }
0xb7: {  	v18 =	vadd.f32 v59, v18;
	v41 =	vadd.f32 v30, v61;
	v63 =	vld [tilespmem:s30+$0x840]  }
0xb8: {  	v20 =	vadd.f32 v20, v23;
	v40 =	vld [tilespmem:s30+$0x8840];
	v19 =	vadd.f32 v19, v21  }
0xb9: {  	v42 =	vld [tilespmem:s30+$0x850]  }
0xba: {  	v18 =	vadd.f32 v41, v18;
	v43 =	vld [tilespmem:s30+$0x8850];
	v19 =	vadd.f32 v19, v20  }
0xbb: {  	v44 =	vld [tilespmem:s30+$0x860]  }
0xbc: {  	v45 =	vld [tilespmem:s30+$0x8860];
	v18 =	vadd.f32 v19, v18  }
0xbd: {  	v46 =	vld [tilespmem:s30+$0x870]  }
0xbe: {  	v19 =	vld [tilespmem:s30+$0x8870];
	[tilespmem:$0x10677] =	vst v18  }
0xbf: {  	v18 =	vld [tilespmem:s30+$0x880]  }
0xc0: {  	v47 =	vld [tilespmem:s30+$0x8880]  }
0xc1: {  	v48 =	vld [tilespmem:s30+$0x890]  }
0xc2: {  	v49 =	vld [tilespmem:s30+$0x8890]  }
0xc3: {  	v17 =	vmul.f32 v54, v17;
	v52 =	vmul.f32 v56, v55;
	v50 =	vld [tilespmem:s30+$0x8A0]  }
0xc4: {  	v54 =	vmul.f32 v58, v57;
	v29 =	vmul.f32 v62, v60;
	v51 =	vld [tilespmem:s30+$0x88A0]  }
0xc5: {  	v22 =	vmul.f32 v40, v63;
	v21 =	vmul.f32 v43, v42;
	v53 =	vld [tilespmem:s30+$0x8B0]  }
0xc6: {  	v20 =	vmul.f32 v45, v44;
	v55 =	vld [tilespmem:s30+$0x88B0];
	v19 =	vmul.f32 v19, v46  }
0xc7: {  	v17 =	vadd.f32 v52, v17;
	v58 =	vadd.f32 v29, v54;
	v56 =	vld [tilespmem:s30+$0x8C0]  }
0xc8: {  	v21 =	vadd.f32 v21, v22;
	v57 =	vld [tilespmem:s30+$0x88C0];
	v19 =	vadd.f32 v19, v20  }
0xc9: {  	v59 =	vld [tilespmem:s30+$0x8D0]  }
0xca: {  	v17 =	vadd.f32 v58, v17;
	v60 =	vld [tilespmem:s30+$0x88D0];
	v19 =	vadd.f32 v19, v21  }
0xcb: {  	v61 =	vld [tilespmem:s30+$0x8E0]  }
0xcc: {  	v62 =	vld [tilespmem:s30+$0x88E0];
	v17 =	vadd.f32 v19, v17  }
0xcd: {  	v63 =	vld [tilespmem:s30+$0x8F0]  }
0xce: {  	v19 =	vld [tilespmem:s30+$0x88F0];
	[tilespmem:$0x10688] =	vst v17  }
0xcf: {  	v17 =	vld [tilespmem:s30+$0x900]  }
0xd0: {  	v40 =	vld [tilespmem:s30+$0x8900]  }
0xd1: {  	v41 =	vld [tilespmem:s30+$0x910]  }
0xd2: {  	v42 =	vld [tilespmem:s30+$0x8910]  }
0xd3: {  	v18 =	vmul.f32 v47, v18;
	v45 =	vmul.f32 v49, v48;
	v43 =	vld [tilespmem:s30+$0x920]  }
0xd4: {  	v47 =	vmul.f32 v51, v50;
	v31 =	vmul.f32 v55, v53;
	v44 =	vld [tilespmem:s30+$0x8920]  }
0xd5: {  	v23 =	vmul.f32 v57, v56;
	v20 =	vmul.f32 v60, v59;
	v46 =	vld [tilespmem:s30+$0x930]  }
0xd6: {  	v21 =	vmul.f32 v62, v61;
	v48 =	vld [tilespmem:s30+$0x8930];
	v19 =	vmul.f32 v19, v63  }
0xd7: {  	v18 =	vadd.f32 v45, v18;
	v51 =	vadd.f32 v31, v47;
	v49 =	vld [tilespmem:s30+$0x940]  }
0xd8: {  	v20 =	vadd.f32 v20, v23;
	v50 =	vld [tilespmem:s30+$0x8940];
	v19 =	vadd.f32 v19, v21  }
0xd9: {  	v52 =	vld [tilespmem:s30+$0x950]  }
0xda: {  	v18 =	vadd.f32 v51, v18;
	v53 =	vld [tilespmem:s30+$0x8950];
	v19 =	vadd.f32 v19, v20  }
0xdb: {  	v54 =	vld [tilespmem:s30+$0x960]  }
0xdc: {  	v55 =	vld [tilespmem:s30+$0x8960];
	v18 =	vadd.f32 v19, v18  }
0xdd: {  	v56 =	vld [tilespmem:s30+$0x970]  }
0xde: {  	v19 =	vld [tilespmem:s30+$0x8970];
	[tilespmem:$0x10699] =	vst v18  }
0xdf: {  	v18 =	vld [tilespmem:s30+$0x980]  }
0xe0: {  	v57 =	vld [tilespmem:s30+$0x8980]  }
0xe1: {  	v58 =	vld [tilespmem:s30+$0x990]  }
0xe2: {  	v59 =	vld [tilespmem:s30+$0x8990]  }
0xe3: {  	v17 =	vmul.f32 v40, v17;
	v62 =	vmul.f32 v42, v41;
	v60 =	vld [tilespmem:s30+$0x9A0]  }
0xe4: {  	v40 =	vmul.f32 v44, v43;
	v30 =	vmul.f32 v48, v46;
	v61 =	vld [tilespmem:s30+$0x89A0]  }
0xe5: {  	v22 =	vmul.f32 v50, v49;
	v21 =	vmul.f32 v53, v52;
	v63 =	vld [tilespmem:s30+$0x9B0]  }
0xe6: {  	v20 =	vmul.f32 v55, v54;
	v41 =	vld [tilespmem:s30+$0x89B0];
	v19 =	vmul.f32 v19, v56  }
0xe7: {  	v17 =	vadd.f32 v62, v17;
	v44 =	vadd.f32 v30, v40;
	v42 =	vld [tilespmem:s30+$0x9C0]  }
0xe8: {  	v21 =	vadd.f32 v21, v22;
	v43 =	vld [tilespmem:s30+$0x89C0];
	v19 =	vadd.f32 v19, v20  }
0xe9: {  	v45 =	vld [tilespmem:s30+$0x9D0]  }
0xea: {  	v17 =	vadd.f32 v44, v17;
	v46 =	vld [tilespmem:s30+$0x89D0];
	v19 =	vadd.f32 v19, v21  }
0xeb: {  	v47 =	vld [tilespmem:s30+$0x9E0]  }
0xec: {  	v48 =	vld [tilespmem:s30+$0x89E0];
	v17 =	vadd.f32 v19, v17  }
0xed: {  	v49 =	vld [tilespmem:s30+$0x9F0]  }
0xee: {  	v19 =	vld [tilespmem:s30+$0x89F0];
	[tilespmem:$0x106AA] =	vst v17  }
0xef: {  	v17 =	vld [tilespmem:s30+$0xA00]  }
0xf0: {  	v50 =	vld [tilespmem:s30+$0x8A00]  }
0xf1: {  	v51 =	vld [tilespmem:s30+$0xA10]  }
0xf2: {  	v52 =	vld [tilespmem:s30+$0x8A10]  }
0xf3: {  	v18 =	vmul.f32 v57, v18;
	v55 =	vmul.f32 v59, v58;
	v53 =	vld [tilespmem:s30+$0xA20]  }
0xf4: {  	v57 =	vmul.f32 v61, v60;
	v29 =	vmul.f32 v41, v63;
	v54 =	vld [tilespmem:s30+$0x8A20]  }
0xf5: {  	v23 =	vmul.f32 v43, v42;
	v20 =	vmul.f32 v46, v45;
	v56 =	vld [tilespmem:s30+$0xA30]  }
0xf6: {  	v21 =	vmul.f32 v48, v47;
	v58 =	vld [tilespmem:s30+$0x8A30];
	v19 =	vmul.f32 v19, v49  }
0xf7: {  	v18 =	vadd.f32 v55, v18;
	v61 =	vadd.f32 v29, v57;
	v59 =	vld [tilespmem:s30+$0xA40]  }
0xf8: {  	v20 =	vadd.f32 v20, v23;
	v60 =	vld [tilespmem:s30+$0x8A40];
	v19 =	vadd.f32 v19, v21  }
0xf9: {  	v62 =	vld [tilespmem:s30+$0xA50]  }
0xfa: {  	v18 =	vadd.f32 v61, v18;
	v63 =	vld [tilespmem:s30+$0x8A50];
	v19 =	vadd.f32 v19, v20  }
0xfb: {  	v40 =	vld [tilespmem:s30+$0xA60]  }
0xfc: {  	v41 =	vld [tilespmem:s30+$0x8A60];
	v18 =	vadd.f32 v19, v18  }
0xfd: {  	v42 =	vld [tilespmem:s30+$0xA70]  }
0xfe: {  	v19 =	vld [tilespmem:s30+$0x8A70];
	[tilespmem:$0x106BB] =	vst v18  }
0xff: {  	v18 =	vld [tilespmem:s30+$0xA80]  }
0x100: {  	v43 =	vld [tilespmem:s30+$0x8A80]  }
0x101: {  	v44 =	vld [tilespmem:s30+$0xA90]  }
0x102: {  	v45 =	vld [tilespmem:s30+$0x8A90]  }
0x103: {  	v17 =	vmul.f32 v50, v17;
	v48 =	vmul.f32 v52, v51;
	v46 =	vld [tilespmem:s30+$0xAA0]  }
0x104: {  	v50 =	vmul.f32 v54, v53;
	v31 =	vmul.f32 v58, v56;
	v47 =	vld [tilespmem:s30+$0x8AA0]  }
0x105: {  	v22 =	vmul.f32 v60, v59;
	v21 =	vmul.f32 v63, v62;
	v49 =	vld [tilespmem:s30+$0xAB0]  }
0x106: {  	v20 =	vmul.f32 v41, v40;
	v51 =	vld [tilespmem:s30+$0x8AB0];
	v19 =	vmul.f32 v19, v42  }
0x107: {  	v17 =	vadd.f32 v48, v17;
	v54 =	vadd.f32 v31, v50;
	v52 =	vld [tilespmem:s30+$0xAC0]  }
0x108: {  	v21 =	vadd.f32 v21, v22;
	v53 =	vld [tilespmem:s30+$0x8AC0];
	v19 =	vadd.f32 v19, v20  }
0x109: {  	v55 =	vld [tilespmem:s30+$0xAD0]  }
0x10a: {  	v17 =	vadd.f32 v54, v17;
	v56 =	vld [tilespmem:s30+$0x8AD0];
	v19 =	vadd.f32 v19, v21  }
0x10b: {  	v57 =	vld [tilespmem:s30+$0xAE0]  }
0x10c: {  	v58 =	vld [tilespmem:s30+$0x8AE0];
	v17 =	vadd.f32 v19, v17  }
0x10d: {  	v59 =	vld [tilespmem:s30+$0xAF0]  }
0x10e: {  	v19 =	vld [tilespmem:s30+$0x8AF0];
	[tilespmem:$0x106CC] =	vst v17  }
0x10f: {  	v17 =	vld [tilespmem:s30+$0xB00]  }
0x110: {  	v27 =	vld [tilespmem:s30+$0x8B00]  }
0x111: {  	v31 =	vld [tilespmem:s30+$0xB10]  }
0x112: {  	v60 =	vld [tilespmem:s30+$0x8B10]  }
0x113: {  	v18 =	vmul.f32 v43, v18;
	v61 =	vmul.f32 v45, v44;
	v34 =	vld [tilespmem:s30+$0xB20]  }
0x114: {  	v62 =	vmul.f32 v47, v46;
	v30 =	vmul.f32 v51, v49;
	v35 =	vld [tilespmem:s30+$0x8B20]  }
0x115: {  	v23 =	vmul.f32 v53, v52;
	v20 =	vmul.f32 v56, v55;
	v29 =	vld [tilespmem:s30+$0xB30]  }
0x116: {  	v21 =	vmul.f32 v58, v57;
	v63 =	vld [tilespmem:s30+$0x8B30];
	v19 =	vmul.f32 v19, v59  }
0x117: {  	v18 =	vadd.f32 v61, v18;
	v49 =	vadd.f32 v30, v62;
	v25 =	vld [tilespmem:s30+$0xB40]  }
0x118: {  	v20 =	vadd.f32 v20, v23;
	v48 =	vld [tilespmem:s30+$0x8B40];
	v19 =	vadd.f32 v19, v21  }
0x119: {  	v50 =	vld [tilespmem:s30+$0xB50]  }
0x11a: {  	v18 =	vadd.f32 v49, v18;
	v51 =	vld [tilespmem:s30+$0x8B50];
	v19 =	vadd.f32 v19, v20  }
0x11b: {  	v52 =	vld [tilespmem:s30+$0xB60]  }
0x11c: {  	v53 =	vld [tilespmem:s30+$0x8B60];
	v18 =	vadd.f32 v19, v18  }
0x11d: {  	v54 =	vld [tilespmem:s30+$0xB70]  }
0x11e: {  	v19 =	vld [tilespmem:s30+$0x8B70];
	[tilespmem:$0x106DD] =	vst v18  }
0x11f: {  	v18 =	vld [tilespmem:s30+$0xB80]  }
0x120: {  	v55 =	vld [tilespmem:s30+$0x8B80]  }
0x121: {  	v56 =	vld [tilespmem:s30+$0xB90]  }
0x122: {  	v57 =	vld [tilespmem:s30+$0x8B90]  }
0x123: {  	v58 =	vld [tilespmem:s30+$0xBA0]  }
0x124: {  	v59 =	vld [tilespmem:s30+$0x8BA0]  }
0x125: {  	v39 =	vld [tilespmem:s30+$0xBB0]  }
0x126: {  	v40 =	vld [tilespmem:s30+$0x8BB0]  }
0x127: {  	v41 =	vld [tilespmem:s30+$0xBC0]  }
0x128: {  	v42 =	vld [tilespmem:s30+$0x8BC0]  }
0x129: {  	v43 =	vld [tilespmem:s30+$0xBD0]  }
0x12a: {  	v44 =	vld [tilespmem:s30+$0x8BD0]  }
0x12b: {  	v45 =	vld [tilespmem:s30+$0xBE0]  }
0x12c: {  	v17 =	vmul.f32 v27, v17;
	v60 =	vmul.f32 v60, v31;
	v46 =	vld [tilespmem:s30+$0x8BE0]  }
0x12d: {  	v62 =	vmul.f32 v35, v34;
	v29 =	vmul.f32 v63, v29;
	v61 =	vld [tilespmem:s30+$0xBF0]  }
0x12e: {  	v22 =	vmul.f32 v48, v25;
	v21 =	vmul.f32 v51, v50;
	v63 =	vld [tilespmem:s30+$0x8BF0]  }
0x12f: {  	v20 =	vmul.f32 v53, v52;
	v19 =	vmul.f32 v19, v54  }
0x130: {  	v17 =	vadd.f32 v60, v17;
	v18 =	vmul.f32 v55, v18;
	v35 =	vmul.f32 v57, v56  }
0x131: {  	v36 =	vadd.f32 v29, v62;
	v38 =	vmul.f32 v59, v58;
	v39 =	vmul.f32 v40, v39  }
0x132: {  	v21 =	vadd.f32 v21, v22;
	v40 =	vmul.f32 v42, v41;
	v41 =	vmul.f32 v44, v43  }
0x133: {  	v19 =	vadd.f32 v19, v20;
	v42 =	vmul.f32 v46, v45;
	v43 =	vmul.f32 v63, v61  }
0x134: {  	v18 =	vadd.f32 v35, v18;
	v44 =	vadd.f32 v39, v38  }
0x135: {  	v22 =	vadd.f32 v41, v40;
	v20 =	vadd.f32 v43, v42  }
0x136: {  	v17 =	vadd.f32 v36, v17;
	v19 =	vadd.f32 v19, v21  }
0x137: {  	v18 =	vadd.f32 v44, v18;
	v20 =	vadd.f32 v20, v22  }
0x138: {  	v17 =	vadd.f32 v19, v17  }
0x139: {  	v18 =	vadd.f32 v20, v18  }
0x13a: {  	[tilespmem:$0x106EE] =	vst v17  }
0x13b: {  	[tilespmem:$0x106FF] =	vst v18  }
0x13c: {  	v17 =	vld.idx.msk [tilespmem:v0+s21+$0x0], $0xffff  }
0x13d: {  	v18 =	vld.idx.msk [tilespmem:v1+s21+$0x0], $0xffff  }
0x13e: {  	v19 =	vld.idx.msk [tilespmem:v2+s21+$0x0], $0xffff  }
0x13f: {  	v45 =	vld.idx.msk [tilespmem:v3+s21+$0x0], $0xffff  }
0x140: {  	v46 =	vld.idx.msk [tilespmem:v4+s21+$0x0], $0xffff  }
0x141: {  	v47 =	vld.idx.msk [tilespmem:v5+s21+$0x0], $0xffff  }
0x142: {  	v48 =	vld.idx.msk [tilespmem:v6+s21+$0x0], $0xffff  }
0x143: {  	v49 =	vld.idx.msk [tilespmem:v7+s21+$0x0], $0xffff  }
0x144: {  	v50 =	vld.idx.msk [tilespmem:v8+s21+$0x0], $0xffff  }
0x145: {  	v51 =	vld.idx.msk [tilespmem:v9+s21+$0x0], $0xffff  }
0x146: {  	v52 =	vld.idx.msk [tilespmem:v10+s21+$0x0], $0xffff  }
0x147: {  	v53 =	vld.idx.msk [tilespmem:v11+s21+$0x0], $0xffff  }
0x148: {  	v54 =	vld.idx.msk [tilespmem:v12+s21+$0x0], $0xffff  }
0x149: {  	v55 =	vld.idx.msk [tilespmem:v13+s21+$0x0], $0xffff  }
0x14a: {  	v56 =	vld.idx.msk [tilespmem:v14+s21+$0x0], $0xffff  }
0x14b: {  	v57 =	vld.idx.msk [tilespmem:v15+s21+$0x0], $0xffff;
	_ =	sdelay $0x1  }
0x14c: {  	v17 =	vadd.f32 v18, v17;
	v18 =	vadd.f32 v45, v19  }
0x14d: {  	v19 =	vadd.f32 v47, v46;
	v58 =	vadd.f32 v49, v48  }
0x14e: {  	v59 =	vadd.f32 v51, v50;
	v60 =	vadd.f32 v53, v52  }
0x14f: {  	v61 =	vadd.f32 v55, v54;
	v62 =	vadd.f32 v57, v56  }
0x150: {  	v17 =	vadd.f32 v18, v17;
	v18 =	vadd.f32 v58, v19  }
0x151: {  	v19 =	vadd.f32 v60, v59;
	v63 =	vadd.f32 v62, v61;
	_ =	sdelay $0x1  }
0x152: {  	v17 =	vadd.f32 v18, v17;
	v18 =	vadd.f32 v63, v19;
	_ =	sdelay $0x1  }
0x153: {  	v17 =	vadd.f32 v18, v17;
	_ =	sdelay $0x1  }
0x154: {  	v17 =	vsub.f32 $0.0e+00, v17;
	_ =	sdelay $0x1  }
0x155: {  	v17 =	vmul.f32 $1.442695020e+00, v17;
	_ =	sdelay $0x1  }
0x156: {  	(erf) = vpow2.f32 v17;
	_ =	sdelay $0x8  }
0x157: {  	v17 =	vpop (erf)  }
0x158: {  	v17 =	vadd.f32 $1.000000000e+00, v17;
	_ =	sdelay $0x1  }
0x159: {  	(erf) = vrcp.f32 v17;
	_ =	sdelay $0x4  }
0x15a: {  	p1 =	sne.s32 s29, $0x7  }
.Ltmp0:
0x15b: {  	_ = 	snop;
	(pc) =	sbr.rel @p1 .LBB2_3-.Ltmp0, $4  }
0x15c: {  	_ = 	snop  }
0x15d: {  	s31 =	sshll.u32 s29, $0x4  }
0x15e: {  	s30 =	sand.u32 $0x3FFFFFF0, s31;
	v17 =	vpop (erf)  }
0x15f: {  	s29 =	sadd.s32 $0x1, s29;
	[tilespmem:v16+s30+$0x0 ss:$0x1] =	vst.idx.msk $0xffff, v17  }
0x160: {  	s29 =	sor.u32 s6, s28  }
0x161: {  	s29 =	sshrl.u32 s29, $0x3  }
0x162: {  	s28 =	sadd.s32 $0x10400, s28;
	s29 =	sadd.s32 s4, s29  }
0x163: {  	[hbm4b:s29+s5] =	stream.linear.scatter [tilespmem:s28], [sflag:$0x5], $0x80, $0x38;
	[tilespmem:$0x10780] =	vst v63  }
0x164: {  	s30 =	simm.s32 @p0 $0x400;
	s28 =	simm.s32 @p0 $0x80;
	s29 =	simm.s32 @p0 $0x100  }
0x165: {  	[tilespmem:s30], [sflag:$0x1] =	stream.indirect.gather @p0 [hbm4b:s1+s28], $0x80, s29, s28, $0xb8;
	[tilespmem:$0x10780] =	vst v63  }
0x166: {  	s29 =	simm.s32 @p0 $0x300;
	s30 =	simm.s32 @p0 $0x8400  }
0x167: {  	[tilespmem:s30], [sflag:$0x3] =	stream.indirect.gather @p0 [hbm4b:s3+s28], $0x80, s29, s28, $0xb8;
	[tilespmem:$0x10780] =	vst v63  }
0x168: {  	_ =	swait.ge [sflag:s22], $0x4000  }
0x169: {  	s26 =	sshllo.u32 s26, $0x1;
	[sflag:s22] =	ssyncset.done $0x0  }
0x16a: {  	s26 =	sshll.u32 s26, $0x7;
	[sflag:s22] =	ssyncadd.s32 $0xFFFFC000  }
0x16b: {  	s28 =	sand.u32 $0x3FFFFF80, s26;
	_ =	swait.ge [sflag:s23], $0x4000  }
0x16c: {  	s28 =	sadd.s32 $0x10400, s28;
	[sflag:s23] =	ssyncset.done $0x0  }
0x16d: {  	s29 =	simm.s32 $0x0;
	v16 =	vmov s28;
	[sflag:s23] =	ssyncadd.s32 $0xFFFFC000  }
.LBB2_5:
0x16e: {  	s30 =	sshll.u32 s29, $0xB  }
0x16f: {  	v17 =	vld [tilespmem:s30+$0x4400]  }
0x170: {  	v18 =	vld [tilespmem:s30+$0xC400]  }
0x171: {  	v19 =	vld [tilespmem:s30+$0x4410]  }
0x172: {  	v20 =	vld [tilespmem:s30+$0xC410]  }
0x173: {  	v21 =	vld [tilespmem:s30+$0x4420]  }
0x174: {  	v22 =	vld [tilespmem:s30+$0xC420]  }
0x175: {  	v23 =	vld [tilespmem:s30+$0x4430]  }
0x176: {  	v24 =	vld [tilespmem:s30+$0xC430]  }
0x177: {  	v25 =	vld [tilespmem:s30+$0x4440]  }
0x178: {  	v26 =	vld [tilespmem:s30+$0xC440]  }
0x179: {  	v27 =	vld [tilespmem:s30+$0x4450]  }
0x17a: {  	v28 =	vld [tilespmem:s30+$0xC450]  }
0x17b: {  	v29 =	vld [tilespmem:s30+$0x4460]  }
0x17c: {  	v30 =	vld [tilespmem:s30+$0xC460]  }
0x17d: {  	v31 =	vld [tilespmem:s30+$0x4470]  }
0x17e: {  	v32 =	vld [tilespmem:s30+$0xC470]  }
0x17f: {  	v33 =	vld [tilespmem:s30+$0x4480]  }
0x180: {  	v34 =	vld [tilespmem:s30+$0xC480]  }
0x181: {  	v35 =	vld [tilespmem:s30+$0x4490]  }
0x182: {  	v36 =	vld [tilespmem:s30+$0xC490]  }
0x183: {  	v37 =	vld [tilespmem:s30+$0x44A0];
	v17 =	vmul.f32 v18, v17;
	v18 =	vmul.f32 v20, v19  }
0x184: {  	v38 =	vld [tilespmem:s30+$0xC4A0];
	v58 =	vmul.f32 v22, v21;
	v59 =	vmul.f32 v24, v23  }
0x185: {  	v60 =	vld [tilespmem:s30+$0xC4B0];
	v61 =	vmul.f32 v26, v25;
	v62 =	vmul.f32 v28, v27  }
0x186: {  	v63 =	vld [tilespmem:s30+$0x44C0];
	v39 =	vmul.f32 v30, v29;
	v40 =	vmul.f32 v32, v31  }
0x187: {  	v41 =	vld [tilespmem:s30+$0xC4C0];
	v17 =	vadd.f32 v18, v17;
	v18 =	vadd.f32 v59, v58  }
0x188: {  	v42 =	vld [tilespmem:s30+$0x44D0];
	v43 =	vadd.f32 v62, v61;
	v44 =	vadd.f32 v40, v39  }
0x189: {  	v45 =	vld [tilespmem:s30+$0xC4D0]  }
0x18a: {  	v46 =	vld [tilespmem:s30+$0x44E0];
	v17 =	vadd.f32 v18, v17;
	v18 =	vadd.f32 v44, v43  }
0x18b: {  	v47 =	vld [tilespmem:s30+$0xC4E0]  }
0x18c: {  	v48 =	vld [tilespmem:s30+$0x44F0];
	v17 =	vadd.f32 v18, v17  }
0x18d: {  	v19 =	vld [tilespmem:s30+$0x44B0]  }
0x18e: {  	v18 =	vld [tilespmem:s30+$0xC4F0];
	[tilespmem:$0x10600] =	vst v17  }
0x18f: {  	v17 =	vld [tilespmem:s30+$0x4500]  }
0x190: {  	v49 =	vld [tilespmem:s30+$0xC500]  }
0x191: {  	v50 =	vld [tilespmem:s30+$0x4510]  }
0x192: {  	v51 =	vld [tilespmem:s30+$0xC510]  }
0x193: {  	v33 =	vmul.f32 v34, v33;
	v54 =	vmul.f32 v36, v35;
	v52 =	vld [tilespmem:s30+$0x4520]  }
0x194: {  	v56 =	vmul.f32 v38, v37;
	v25 =	vmul.f32 v41, v63;
	v53 =	vld [tilespmem:s30+$0xC520]  }
0x195: {  	v20 =	vmul.f32 v45, v42;
	v21 =	vmul.f32 v47, v46;
	v55 =	vld [tilespmem:s30+$0x4530]  }
0x196: {  	v19 =	vmul.f32 v60, v19;
	v57 =	vld [tilespmem:s30+$0xC530];
	v18 =	vmul.f32 v18, v48  }
0x197: {  	v20 =	vadd.f32 v20, v25;
	v60 =	vadd.f32 v54, v33;
	v58 =	vld [tilespmem:s30+$0x4540]  }
0x198: {  	v19 =	vadd.f32 v19, v56;
	v59 =	vld [tilespmem:s30+$0xC540];
	v18 =	vadd.f32 v18, v21  }
0x199: {  	v61 =	vld [tilespmem:s30+$0x4550]  }
0x19a: {  	v62 =	vld [tilespmem:s30+$0xC550];
	v19 =	vadd.f32 v19, v60;
	v18 =	vadd.f32 v18, v20  }
0x19b: {  	v63 =	vld [tilespmem:s30+$0x4560]  }
0x19c: {  	v40 =	vld [tilespmem:s30+$0xC560];
	v18 =	vadd.f32 v18, v19  }
0x19d: {  	v41 =	vld [tilespmem:s30+$0x4570]  }
0x19e: {  	v19 =	vld [tilespmem:s30+$0xC570];
	[tilespmem:$0x10611] =	vst v18  }
0x19f: {  	v18 =	vld [tilespmem:s30+$0x4580]  }
0x1a0: {  	v42 =	vld [tilespmem:s30+$0xC580]  }
0x1a1: {  	v43 =	vld [tilespmem:s30+$0x4590]  }
0x1a2: {  	v44 =	vld [tilespmem:s30+$0xC590]  }
0x1a3: {  	v17 =	vmul.f32 v49, v17;
	v47 =	vmul.f32 v51, v50;
	v45 =	vld [tilespmem:s30+$0x45A0]  }
0x1a4: {  	v49 =	vmul.f32 v53, v52;
	v22 =	vmul.f32 v57, v55;
	v46 =	vld [tilespmem:s30+$0xC5A0]  }
0x1a5: {  	v23 =	vmul.f32 v59, v58;
	v21 =	vmul.f32 v62, v61;
	v48 =	vld [tilespmem:s30+$0x45B0]  }
0x1a6: {  	v20 =	vmul.f32 v40, v63;
	v50 =	vld [tilespmem:s30+$0xC5B0];
	v19 =	vmul.f32 v19, v41  }
0x1a7: {  	v17 =	vadd.f32 v47, v17;
	v22 =	vadd.f32 v22, v49;
	v51 =	vld [tilespmem:s30+$0x45C0]  }
0x1a8: {  	v21 =	vadd.f32 v21, v23;
	v52 =	vld [tilespmem:s30+$0xC5C0];
	v19 =	vadd.f32 v19, v20  }
0x1a9: {  	v53 =	vld [tilespmem:s30+$0x45D0]  }
0x1aa: {  	v17 =	vadd.f32 v22, v17;
	v54 =	vld [tilespmem:s30+$0xC5D0];
	v19 =	vadd.f32 v19, v21  }
0x1ab: {  	v55 =	vld [tilespmem:s30+$0x45E0]  }
0x1ac: {  	v56 =	vld [tilespmem:s30+$0xC5E0];
	v17 =	vadd.f32 v19, v17  }
0x1ad: {  	v57 =	vld [tilespmem:s30+$0x45F0]  }
0x1ae: {  	v19 =	vld [tilespmem:s30+$0xC5F0];
	[tilespmem:$0x10622] =	vst v17  }
0x1af: {  	v17 =	vld [tilespmem:s30+$0x4600]  }
0x1b0: {  	v58 =	vld [tilespmem:s30+$0xC600]  }
0x1b1: {  	v59 =	vld [tilespmem:s30+$0x4610]  }
0x1b2: {  	v60 =	vld [tilespmem:s30+$0xC610]  }
0x1b3: {  	v18 =	vmul.f32 v42, v18;
	v63 =	vmul.f32 v44, v43;
	v61 =	vld [tilespmem:s30+$0x4620]  }
0x1b4: {  	v41 =	vmul.f32 v46, v45;
	v29 =	vmul.f32 v50, v48;
	v62 =	vld [tilespmem:s30+$0xC620]  }
0x1b5: {  	v24 =	vmul.f32 v52, v51;
	v20 =	vmul.f32 v54, v53;
	v40 =	vld [tilespmem:s30+$0x4630]  }
0x1b6: {  	v21 =	vmul.f32 v56, v55;
	v42 =	vld [tilespmem:s30+$0xC630];
	v19 =	vmul.f32 v19, v57  }
0x1b7: {  	v18 =	vadd.f32 v63, v18;
	v45 =	vadd.f32 v29, v41;
	v43 =	vld [tilespmem:s30+$0x4640]  }
0x1b8: {  	v20 =	vadd.f32 v20, v24;
	v44 =	vld [tilespmem:s30+$0xC640];
	v19 =	vadd.f32 v19, v21  }
0x1b9: {  	v46 =	vld [tilespmem:s30+$0x4650]  }
0x1ba: {  	v18 =	vadd.f32 v45, v18;
	v47 =	vld [tilespmem:s30+$0xC650];
	v19 =	vadd.f32 v19, v20  }
0x1bb: {  	v48 =	vld [tilespmem:s30+$0x4660]  }
0x1bc: {  	v49 =	vld [tilespmem:s30+$0xC660];
	v18 =	vadd.f32 v19, v18  }
0x1bd: {  	v50 =	vld [tilespmem:s30+$0x4670]  }
0x1be: {  	v19 =	vld [tilespmem:s30+$0xC670];
	[tilespmem:$0x10633] =	vst v18  }
0x1bf: {  	v18 =	vld [tilespmem:s30+$0x4680]  }
0x1c0: {  	v51 =	vld [tilespmem:s30+$0xC680]  }
0x1c1: {  	v52 =	vld [tilespmem:s30+$0x4690]  }
0x1c2: {  	v53 =	vld [tilespmem:s30+$0xC690]  }
0x1c3: {  	v17 =	vmul.f32 v58, v17;
	v56 =	vmul.f32 v60, v59;
	v54 =	vld [tilespmem:s30+$0x46A0]  }
0x1c4: {  	v58 =	vmul.f32 v62, v61;
	v31 =	vmul.f32 v42, v40;
	v55 =	vld [tilespmem:s30+$0xC6A0]  }
0x1c5: {  	v22 =	vmul.f32 v44, v43;
	v21 =	vmul.f32 v47, v46;
	v57 =	vld [tilespmem:s30+$0x46B0]  }
0x1c6: {  	v20 =	vmul.f32 v49, v48;
	v59 =	vld [tilespmem:s30+$0xC6B0];
	v19 =	vmul.f32 v19, v50  }
0x1c7: {  	v17 =	vadd.f32 v56, v17;
	v62 =	vadd.f32 v31, v58;
	v60 =	vld [tilespmem:s30+$0x46C0]  }
0x1c8: {  	v21 =	vadd.f32 v21, v22;
	v61 =	vld [tilespmem:s30+$0xC6C0];
	v19 =	vadd.f32 v19, v20  }
0x1c9: {  	v63 =	vld [tilespmem:s30+$0x46D0]  }
0x1ca: {  	v17 =	vadd.f32 v62, v17;
	v40 =	vld [tilespmem:s30+$0xC6D0];
	v19 =	vadd.f32 v19, v21  }
0x1cb: {  	v41 =	vld [tilespmem:s30+$0x46E0]  }
0x1cc: {  	v42 =	vld [tilespmem:s30+$0xC6E0];
	v17 =	vadd.f32 v19, v17  }
0x1cd: {  	v43 =	vld [tilespmem:s30+$0x46F0]  }
0x1ce: {  	v19 =	vld [tilespmem:s30+$0xC6F0];
	[tilespmem:$0x10644] =	vst v17  }
0x1cf: {  	v17 =	vld [tilespmem:s30+$0x4700]  }
0x1d0: {  	v44 =	vld [tilespmem:s30+$0xC700]  }
0x1d1: {  	v45 =	vld [tilespmem:s30+$0x4710]  }
0x1d2: {  	v46 =	vld [tilespmem:s30+$0xC710]  }
0x1d3: {  	v18 =	vmul.f32 v51, v18;
	v49 =	vmul.f32 v53, v52;
	v47 =	vld [tilespmem:s30+$0x4720]  }
0x1d4: {  	v51 =	vmul.f32 v55, v54;
	v28 =	vmul.f32 v59, v57;
	v48 =	vld [tilespmem:s30+$0xC720]  }
0x1d5: {  	v23 =	vmul.f32 v61, v60;
	v20 =	vmul.f32 v40, v63;
	v50 =	vld [tilespmem:s30+$0x4730]  }
0x1d6: {  	v21 =	vmul.f32 v42, v41;
	v52 =	vld [tilespmem:s30+$0xC730];
	v19 =	vmul.f32 v19, v43  }
0x1d7: {  	v18 =	vadd.f32 v49, v18;
	v55 =	vadd.f32 v28, v51;
	v53 =	vld [tilespmem:s30+$0x4740]  }
0x1d8: {  	v20 =	vadd.f32 v20, v23;
	v54 =	vld [tilespmem:s30+$0xC740];
	v19 =	vadd.f32 v19, v21  }
0x1d9: {  	v56 =	vld [tilespmem:s30+$0x4750]  }
0x1da: {  	v18 =	vadd.f32 v55, v18;
	v57 =	vld [tilespmem:s30+$0xC750];
	v19 =	vadd.f32 v19, v20  }
0x1db: {  	v58 =	vld [tilespmem:s30+$0x4760]  }
0x1dc: {  	v59 =	vld [tilespmem:s30+$0xC760];
	v18 =	vadd.f32 v19, v18  }
0x1dd: {  	v60 =	vld [tilespmem:s30+$0x4770]  }
0x1de: {  	v19 =	vld [tilespmem:s30+$0xC770];
	[tilespmem:$0x10655] =	vst v18  }
0x1df: {  	v18 =	vld [tilespmem:s30+$0x4780]  }
0x1e0: {  	v61 =	vld [tilespmem:s30+$0xC780]  }
0x1e1: {  	v62 =	vld [tilespmem:s30+$0x4790]  }
0x1e2: {  	v63 =	vld [tilespmem:s30+$0xC790]  }
0x1e3: {  	v17 =	vmul.f32 v44, v17;
	v42 =	vmul.f32 v46, v45;
	v40 =	vld [tilespmem:s30+$0x47A0]  }
0x1e4: {  	v44 =	vmul.f32 v48, v47;
	v32 =	vmul.f32 v52, v50;
	v41 =	vld [tilespmem:s30+$0xC7A0]  }
0x1e5: {  	v22 =	vmul.f32 v54, v53;
	v21 =	vmul.f32 v57, v56;
	v43 =	vld [tilespmem:s30+$0x47B0]  }
0x1e6: {  	v20 =	vmul.f32 v59, v58;
	v45 =	vld [tilespmem:s30+$0xC7B0];
	v19 =	vmul.f32 v19, v60  }
0x1e7: {  	v17 =	vadd.f32 v42, v17;
	v48 =	vadd.f32 v32, v44;
	v46 =	vld [tilespmem:s30+$0x47C0]  }
0x1e8: {  	v21 =	vadd.f32 v21, v22;
	v47 =	vld [tilespmem:s30+$0xC7C0];
	v19 =	vadd.f32 v19, v20  }
0x1e9: {  	v49 =	vld [tilespmem:s30+$0x47D0]  }
0x1ea: {  	v17 =	vadd.f32 v48, v17;
	v50 =	vld [tilespmem:s30+$0xC7D0];
	v19 =	vadd.f32 v19, v21  }
0x1eb: {  	v51 =	vld [tilespmem:s30+$0x47E0]  }
0x1ec: {  	v52 =	vld [tilespmem:s30+$0xC7E0];
	v17 =	vadd.f32 v19, v17  }
0x1ed: {  	v53 =	vld [tilespmem:s30+$0x47F0]  }
0x1ee: {  	v19 =	vld [tilespmem:s30+$0xC7F0];
	[tilespmem:$0x10666] =	vst v17  }
0x1ef: {  	v17 =	vld [tilespmem:s30+$0x4800]  }
0x1f0: {  	v54 =	vld [tilespmem:s30+$0xC800]  }
0x1f1: {  	v55 =	vld [tilespmem:s30+$0x4810]  }
0x1f2: {  	v56 =	vld [tilespmem:s30+$0xC810]  }
0x1f3: {  	v18 =	vmul.f32 v61, v18;
	v59 =	vmul.f32 v63, v62;
	v57 =	vld [tilespmem:s30+$0x4820]  }
0x1f4: {  	v61 =	vmul.f32 v41, v40;
	v30 =	vmul.f32 v45, v43;
	v58 =	vld [tilespmem:s30+$0xC820]  }
0x1f5: {  	v23 =	vmul.f32 v47, v46;
	v20 =	vmul.f32 v50, v49;
	v60 =	vld [tilespmem:s30+$0x4830]  }
0x1f6: {  	v21 =	vmul.f32 v52, v51;
	v62 =	vld [tilespmem:s30+$0xC830];
	v19 =	vmul.f32 v19, v53  }
0x1f7: {  	v18 =	vadd.f32 v59, v18;
	v41 =	vadd.f32 v30, v61;
	v63 =	vld [tilespmem:s30+$0x4840]  }
0x1f8: {  	v20 =	vadd.f32 v20, v23;
	v40 =	vld [tilespmem:s30+$0xC840];
	v19 =	vadd.f32 v19, v21  }
0x1f9: {  	v42 =	vld [tilespmem:s30+$0x4850]  }
0x1fa: {  	v18 =	vadd.f32 v41, v18;
	v43 =	vld [tilespmem:s30+$0xC850];
	v19 =	vadd.f32 v19, v20  }
0x1fb: {  	v44 =	vld [tilespmem:s30+$0x4860]  }
0x1fc: {  	v45 =	vld [tilespmem:s30+$0xC860];
	v18 =	vadd.f32 v19, v18  }
0x1fd: {  	v46 =	vld [tilespmem:s30+$0x4870]  }
0x1fe: {  	v19 =	vld [tilespmem:s30+$0xC870];
	[tilespmem:$0x10677] =	vst v18  }
0x1ff: {  	v18 =	vld [tilespmem:s30+$0x4880]  }
0x200: {  	v47 =	vld [tilespmem:s30+$0xC880]  }
0x201: {  	v48 =	vld [tilespmem:s30+$0x4890]  }
0x202: {  	v49 =	vld [tilespmem:s30+$0xC890]  }
0x203: {  	v17 =	vmul.f32 v54, v17;
	v52 =	vmul.f32 v56, v55;
	v50 =	vld [tilespmem:s30+$0x48A0]  }
0x204: {  	v54 =	vmul.f32 v58, v57;
	v29 =	vmul.f32 v62, v60;
	v51 =	vld [tilespmem:s30+$0xC8A0]  }
0x205: {  	v22 =	vmul.f32 v40, v63;
	v21 =	vmul.f32 v43, v42;
	v53 =	vld [tilespmem:s30+$0x48B0]  }
0x206: {  	v20 =	vmul.f32 v45, v44;
	v55 =	vld [tilespmem:s30+$0xC8B0];
	v19 =	vmul.f32 v19, v46  }
0x207: {  	v17 =	vadd.f32 v52, v17;
	v58 =	vadd.f32 v29, v54;
	v56 =	vld [tilespmem:s30+$0x48C0]  }
0x208: {  	v21 =	vadd.f32 v21, v22;
	v57 =	vld [tilespmem:s30+$0xC8C0];
	v19 =	vadd.f32 v19, v20  }
0x209: {  	v59 =	vld [tilespmem:s30+$0x48D0]  }
0x20a: {  	v17 =	vadd.f32 v58, v17;
	v60 =	vld [tilespmem:s30+$0xC8D0];
	v19 =	vadd.f32 v19, v21  }
0x20b: {  	v61 =	vld [tilespmem:s30+$0x48E0]  }
0x20c: {  	v62 =	vld [tilespmem:s30+$0xC8E0];
	v17 =	vadd.f32 v19, v17  }
0x20d: {  	v63 =	vld [tilespmem:s30+$0x48F0]  }
0x20e: {  	v19 =	vld [tilespmem:s30+$0xC8F0];
	[tilespmem:$0x10688] =	vst v17  }
0x20f: {  	v17 =	vld [tilespmem:s30+$0x4900]  }
0x210: {  	v40 =	vld [tilespmem:s30+$0xC900]  }
0x211: {  	v41 =	vld [tilespmem:s30+$0x4910]  }
0x212: {  	v42 =	vld [tilespmem:s30+$0xC910]  }
0x213: {  	v18 =	vmul.f32 v47, v18;
	v45 =	vmul.f32 v49, v48;
	v43 =	vld [tilespmem:s30+$0x4920]  }
0x214: {  	v47 =	vmul.f32 v51, v50;
	v31 =	vmul.f32 v55, v53;
	v44 =	vld [tilespmem:s30+$0xC920]  }
0x215: {  	v23 =	vmul.f32 v57, v56;
	v20 =	vmul.f32 v60, v59;
	v46 =	vld [tilespmem:s30+$0x4930]  }
0x216: {  	v21 =	vmul.f32 v62, v61;
	v48 =	vld [tilespmem:s30+$0xC930];
	v19 =	vmul.f32 v19, v63  }
0x217: {  	v18 =	vadd.f32 v45, v18;
	v51 =	vadd.f32 v31, v47;
	v49 =	vld [tilespmem:s30+$0x4940]  }
0x218: {  	v20 =	vadd.f32 v20, v23;
	v50 =	vld [tilespmem:s30+$0xC940];
	v19 =	vadd.f32 v19, v21  }
0x219: {  	v52 =	vld [tilespmem:s30+$0x4950]  }
0x21a: {  	v18 =	vadd.f32 v51, v18;
	v53 =	vld [tilespmem:s30+$0xC950];
	v19 =	vadd.f32 v19, v20  }
0x21b: {  	v54 =	vld [tilespmem:s30+$0x4960]  }
0x21c: {  	v55 =	vld [tilespmem:s30+$0xC960];
	v18 =	vadd.f32 v19, v18  }
0x21d: {  	v56 =	vld [tilespmem:s30+$0x4970]  }
0x21e: {  	v19 =	vld [tilespmem:s30+$0xC970];
	[tilespmem:$0x10699] =	vst v18  }
0x21f: {  	v18 =	vld [tilespmem:s30+$0x4980]  }
0x220: {  	v57 =	vld [tilespmem:s30+$0xC980]  }
0x221: {  	v58 =	vld [tilespmem:s30+$0x4990]  }
0x222: {  	v59 =	vld [tilespmem:s30+$0xC990]  }
0x223: {  	v17 =	vmul.f32 v40, v17;
	v62 =	vmul.f32 v42, v41;
	v60 =	vld [tilespmem:s30+$0x49A0]  }
0x224: {  	v40 =	vmul.f32 v44, v43;
	v30 =	vmul.f32 v48, v46;
	v61 =	vld [tilespmem:s30+$0xC9A0]  }
0x225: {  	v22 =	vmul.f32 v50, v49;
	v21 =	vmul.f32 v53, v52;
	v63 =	vld [tilespmem:s30+$0x49B0]  }
0x226: {  	v20 =	vmul.f32 v55, v54;
	v41 =	vld [tilespmem:s30+$0xC9B0];
	v19 =	vmul.f32 v19, v56  }
0x227: {  	v17 =	vadd.f32 v62, v17;
	v44 =	vadd.f32 v30, v40;
	v42 =	vld [tilespmem:s30+$0x49C0]  }
0x228: {  	v21 =	vadd.f32 v21, v22;
	v43 =	vld [tilespmem:s30+$0xC9C0];
	v19 =	vadd.f32 v19, v20  }
0x229: {  	v45 =	vld [tilespmem:s30+$0x49D0]  }
0x22a: {  	v17 =	vadd.f32 v44, v17;
	v46 =	vld [tilespmem:s30+$0xC9D0];
	v19 =	vadd.f32 v19, v21  }
0x22b: {  	v47 =	vld [tilespmem:s30+$0x49E0]  }
0x22c: {  	v48 =	vld [tilespmem:s30+$0xC9E0];
	v17 =	vadd.f32 v19, v17  }
0x22d: {  	v49 =	vld [tilespmem:s30+$0x49F0]  }
0x22e: {  	v19 =	vld [tilespmem:s30+$0xC9F0];
	[tilespmem:$0x106AA] =	vst v17  }
0x22f: {  	v17 =	vld [tilespmem:s30+$0x4A00]  }
0x230: {  	v50 =	vld [tilespmem:s30+$0xCA00]  }
0x231: {  	v51 =	vld [tilespmem:s30+$0x4A10]  }
0x232: {  	v52 =	vld [tilespmem:s30+$0xCA10]  }
0x233: {  	v18 =	vmul.f32 v57, v18;
	v55 =	vmul.f32 v59, v58;
	v53 =	vld [tilespmem:s30+$0x4A20]  }
0x234: {  	v57 =	vmul.f32 v61, v60;
	v29 =	vmul.f32 v41, v63;
	v54 =	vld [tilespmem:s30+$0xCA20]  }
0x235: {  	v23 =	vmul.f32 v43, v42;
	v20 =	vmul.f32 v46, v45;
	v56 =	vld [tilespmem:s30+$0x4A30]  }
0x236: {  	v21 =	vmul.f32 v48, v47;
	v58 =	vld [tilespmem:s30+$0xCA30];
	v19 =	vmul.f32 v19, v49  }
0x237: {  	v18 =	vadd.f32 v55, v18;
	v61 =	vadd.f32 v29, v57;
	v59 =	vld [tilespmem:s30+$0x4A40]  }
0x238: {  	v20 =	vadd.f32 v20, v23;
	v60 =	vld [tilespmem:s30+$0xCA40];
	v19 =	vadd.f32 v19, v21  }
0x239: {  	v62 =	vld [tilespmem:s30+$0x4A50]  }
0x23a: {  	v18 =	vadd.f32 v61, v18;
	v63 =	vld [tilespmem:s30+$0xCA50];
	v19 =	vadd.f32 v19, v20  }
0x23b: {  	v40 =	vld [tilespmem:s30+$0x4A60]  }
0x23c: {  	v41 =	vld [tilespmem:s30+$0xCA60];
	v18 =	vadd.f32 v19, v18  }
0x23d: {  	v42 =	vld [tilespmem:s30+$0x4A70]  }
0x23e: {  	v19 =	vld [tilespmem:s30+$0xCA70];
	[tilespmem:$0x106BB] =	vst v18  }
0x23f: {  	v18 =	vld [tilespmem:s30+$0x4A80]  }
0x240: {  	v43 =	vld [tilespmem:s30+$0xCA80]  }
0x241: {  	v44 =	vld [tilespmem:s30+$0x4A90]  }
0x242: {  	v45 =	vld [tilespmem:s30+$0xCA90]  }
0x243: {  	v17 =	vmul.f32 v50, v17;
	v48 =	vmul.f32 v52, v51;
	v46 =	vld [tilespmem:s30+$0x4AA0]  }
0x244: {  	v50 =	vmul.f32 v54, v53;
	v31 =	vmul.f32 v58, v56;
	v47 =	vld [tilespmem:s30+$0xCAA0]  }
0x245: {  	v22 =	vmul.f32 v60, v59;
	v21 =	vmul.f32 v63, v62;
	v49 =	vld [tilespmem:s30+$0x4AB0]  }
0x246: {  	v20 =	vmul.f32 v41, v40;
	v51 =	vld [tilespmem:s30+$0xCAB0];
	v19 =	vmul.f32 v19, v42  }
0x247: {  	v17 =	vadd.f32 v48, v17;
	v54 =	vadd.f32 v31, v50;
	v52 =	vld [tilespmem:s30+$0x4AC0]  }
0x248: {  	v21 =	vadd.f32 v21, v22;
	v53 =	vld [tilespmem:s30+$0xCAC0];
	v19 =	vadd.f32 v19, v20  }
0x249: {  	v55 =	vld [tilespmem:s30+$0x4AD0]  }
0x24a: {  	v17 =	vadd.f32 v54, v17;
	v56 =	vld [tilespmem:s30+$0xCAD0];
	v19 =	vadd.f32 v19, v21  }
0x24b: {  	v57 =	vld [tilespmem:s30+$0x4AE0]  }
0x24c: {  	v58 =	vld [tilespmem:s30+$0xCAE0];
	v17 =	vadd.f32 v19, v17  }
0x24d: {  	v59 =	vld [tilespmem:s30+$0x4AF0]  }
0x24e: {  	v19 =	vld [tilespmem:s30+$0xCAF0];
	[tilespmem:$0x106CC] =	vst v17  }
0x24f: {  	v17 =	vld [tilespmem:s30+$0x4B00]  }
0x250: {  	v27 =	vld [tilespmem:s30+$0xCB00]  }
0x251: {  	v31 =	vld [tilespmem:s30+$0x4B10]  }
0x252: {  	v60 =	vld [tilespmem:s30+$0xCB10]  }
0x253: {  	v18 =	vmul.f32 v43, v18;
	v61 =	vmul.f32 v45, v44;
	v34 =	vld [tilespmem:s30+$0x4B20]  }
0x254: {  	v62 =	vmul.f32 v47, v46;
	v30 =	vmul.f32 v51, v49;
	v35 =	vld [tilespmem:s30+$0xCB20]  }
0x255: {  	v23 =	vmul.f32 v53, v52;
	v20 =	vmul.f32 v56, v55;
	v29 =	vld [tilespmem:s30+$0x4B30]  }
0x256: {  	v21 =	vmul.f32 v58, v57;
	v63 =	vld [tilespmem:s30+$0xCB30];
	v19 =	vmul.f32 v19, v59  }
0x257: {  	v18 =	vadd.f32 v61, v18;
	v49 =	vadd.f32 v30, v62;
	v25 =	vld [tilespmem:s30+$0x4B40]  }
0x258: {  	v20 =	vadd.f32 v20, v23;
	v48 =	vld [tilespmem:s30+$0xCB40];
	v19 =	vadd.f32 v19, v21  }
0x259: {  	v50 =	vld [tilespmem:s30+$0x4B50]  }
0x25a: {  	v18 =	vadd.f32 v49, v18;
	v51 =	vld [tilespmem:s30+$0xCB50];
	v19 =	vadd.f32 v19, v20  }
0x25b: {  	v52 =	vld [tilespmem:s30+$0x4B60]  }
0x25c: {  	v53 =	vld [tilespmem:s30+$0xCB60];
	v18 =	vadd.f32 v19, v18  }
0x25d: {  	v54 =	vld [tilespmem:s30+$0x4B70]  }
0x25e: {  	v19 =	vld [tilespmem:s30+$0xCB70];
	[tilespmem:$0x106DD] =	vst v18  }
0x25f: {  	v18 =	vld [tilespmem:s30+$0x4B80]  }
0x260: {  	v55 =	vld [tilespmem:s30+$0xCB80]  }
0x261: {  	v56 =	vld [tilespmem:s30+$0x4B90]  }
0x262: {  	v57 =	vld [tilespmem:s30+$0xCB90]  }
0x263: {  	v58 =	vld [tilespmem:s30+$0x4BA0]  }
0x264: {  	v59 =	vld [tilespmem:s30+$0xCBA0]  }
0x265: {  	v39 =	vld [tilespmem:s30+$0x4BB0]  }
0x266: {  	v40 =	vld [tilespmem:s30+$0xCBB0]  }
0x267: {  	v41 =	vld [tilespmem:s30+$0x4BC0]  }
0x268: {  	v42 =	vld [tilespmem:s30+$0xCBC0]  }
0x269: {  	v43 =	vld [tilespmem:s30+$0x4BD0]  }
0x26a: {  	v44 =	vld [tilespmem:s30+$0xCBD0]  }
0x26b: {  	v45 =	vld [tilespmem:s30+$0x4BE0]  }
0x26c: {  	v17 =	vmul.f32 v27, v17;
	v60 =	vmul.f32 v60, v31;
	v46 =	vld [tilespmem:s30+$0xCBE0]  }
0x26d: {  	v62 =	vmul.f32 v35, v34;
	v29 =	vmul.f32 v63, v29;
	v61 =	vld [tilespmem:s30+$0x4BF0]  }
0x26e: {  	v22 =	vmul.f32 v48, v25;
	v21 =	vmul.f32 v51, v50;
	v63 =	vld [tilespmem:s30+$0xCBF0]  }
0x26f: {  	v20 =	vmul.f32 v53, v52;
	v19 =	vmul.f32 v19, v54  }
0x270: {  	v17 =	vadd.f32 v60, v17;
	v18 =	vmul.f32 v55, v18;
	v35 =	vmul.f32 v57, v56  }
0x271: {  	v36 =	vadd.f32 v29, v62;
	v38 =	vmul.f32 v59, v58;
	v39 =	vmul.f32 v40, v39  }
0x272: {  	v21 =	vadd.f32 v21, v22;
	v40 =	vmul.f32 v42, v41;
	v41 =	vmul.f32 v44, v43  }
0x273: {  	v19 =	vadd.f32 v19, v20;
	v42 =	vmul.f32 v46, v45;
	v43 =	vmul.f32 v63, v61  }
0x274: {  	v18 =	vadd.f32 v35, v18;
	v44 =	vadd.f32 v39, v38  }
0x275: {  	v22 =	vadd.f32 v41, v40;
	v20 =	vadd.f32 v43, v42  }
0x276: {  	v17 =	vadd.f32 v36, v17;
	v19 =	vadd.f32 v19, v21  }
0x277: {  	v18 =	vadd.f32 v44, v18;
	v20 =	vadd.f32 v20, v22  }
0x278: {  	v17 =	vadd.f32 v19, v17  }
0x279: {  	v18 =	vadd.f32 v20, v18  }
0x27a: {  	[tilespmem:$0x106EE] =	vst v17  }
0x27b: {  	[tilespmem:$0x106FF] =	vst v18  }
0x27c: {  	v17 =	vld.idx.msk [tilespmem:v0+s21+$0x0], $0xffff  }
0x27d: {  	v18 =	vld.idx.msk [tilespmem:v1+s21+$0x0], $0xffff  }
0x27e: {  	v19 =	vld.idx.msk [tilespmem:v2+s21+$0x0], $0xffff  }
0x27f: {  	v45 =	vld.idx.msk [tilespmem:v3+s21+$0x0], $0xffff  }
0x280: {  	v46 =	vld.idx.msk [tilespmem:v4+s21+$0x0], $0xffff  }
0x281: {  	v47 =	vld.idx.msk [tilespmem:v5+s21+$0x0], $0xffff  }
0x282: {  	v48 =	vld.idx.msk [tilespmem:v6+s21+$0x0], $0xffff  }
0x283: {  	v49 =	vld.idx.msk [tilespmem:v7+s21+$0x0], $0xffff  }
0x284: {  	v50 =	vld.idx.msk [tilespmem:v8+s21+$0x0], $0xffff  }
0x285: {  	v51 =	vld.idx.msk [tilespmem:v9+s21+$0x0], $0xffff  }
0x286: {  	v52 =	vld.idx.msk [tilespmem:v10+s21+$0x0], $0xffff  }
0x287: {  	v53 =	vld.idx.msk [tilespmem:v11+s21+$0x0], $0xffff  }
0x288: {  	v54 =	vld.idx.msk [tilespmem:v12+s21+$0x0], $0xffff  }
0x289: {  	v55 =	vld.idx.msk [tilespmem:v13+s21+$0x0], $0xffff  }
0x28a: {  	v56 =	vld.idx.msk [tilespmem:v14+s21+$0x0], $0xffff  }
0x28b: {  	v57 =	vld.idx.msk [tilespmem:v15+s21+$0x0], $0xffff;
	_ =	sdelay $0x1  }
0x28c: {  	v17 =	vadd.f32 v18, v17;
	v18 =	vadd.f32 v45, v19  }
0x28d: {  	v19 =	vadd.f32 v47, v46;
	v58 =	vadd.f32 v49, v48  }
0x28e: {  	v59 =	vadd.f32 v51, v50;
	v60 =	vadd.f32 v53, v52  }
0x28f: {  	v61 =	vadd.f32 v55, v54;
	v62 =	vadd.f32 v57, v56  }
0x290: {  	v17 =	vadd.f32 v18, v17;
	v18 =	vadd.f32 v58, v19  }
0x291: {  	v19 =	vadd.f32 v60, v59;
	v63 =	vadd.f32 v62, v61;
	_ =	sdelay $0x1  }
0x292: {  	v17 =	vadd.f32 v18, v17;
	v18 =	vadd.f32 v63, v19;
	_ =	sdelay $0x1  }
0x293: {  	v17 =	vadd.f32 v18, v17;
	_ =	sdelay $0x1  }
0x294: {  	v17 =	vsub.f32 $0.0e+00, v17;
	_ =	sdelay $0x1  }
0x295: {  	v17 =	vmul.f32 $1.442695020e+00, v17;
	_ =	sdelay $0x1  }
0x296: {  	(erf) = vpow2.f32 v17;
	_ =	sdelay $0x8  }
0x297: {  	v17 =	vpop (erf)  }
0x298: {  	v17 =	vadd.f32 $1.000000000e+00, v17;
	_ =	sdelay $0x1  }
0x299: {  	(erf) = vrcp.f32 v17;
	_ =	sdelay $0x4  }
0x29a: {  	p1 =	sne.s32 s29, $0x7  }
.Ltmp1:
0x29b: {  	_ = 	snop;
	(pc) =	sbr.rel @p1 .LBB2_5-.Ltmp1, $4  }
0x29c: {  	_ = 	snop  }
0x29d: {  	s31 =	sshll.u32 s29, $0x4  }
0x29e: {  	s30 =	sand.u32 $0x3FFFFFF0, s31;
	v17 =	vpop (erf)  }
0x29f: {  	s29 =	sadd.s32 $0x1, s29;
	[tilespmem:v16+s30+$0x0 ss:$0x1] =	vst.idx.msk $0xffff, v17  }
.Ltmp2:
0x2a0: {  	s26 =	sor.u32 s6, s26;
	(pc) =	sbr.rel @p0 .LBB2_2-.Ltmp2, $4  }
0x2a1: {  	s26 =	sshrl.u32 s26, $0x3  }
0x2a2: {  	p1 =	por $0x0, $0x0;
	s26 =	sadd.s32 s4, s26  }
0x2a3: {  	[hbm4b:s26+s5] =	stream.linear.scatter [tilespmem:s28], [sflag:$0x5], $0x80, $0x38;
	[tilespmem:$0x10780] =	vst v63  }
0x2a4: {  	s29 =	simm.s32 $0x180;
	s26 =	simm.s32 $0x1;
	s28 =	simm.s32 $0x380  }
0x2a5: {  	_ =	swait.ge [sflag:s24], $0x80  }
0x2a6: {  	[sflag:s24] =	ssyncset.done $0x0  }
0x2a7: {  	[sflag:s24] =	ssyncadd.s32 $0xFFFFFF80  }
0x2a8: {  	_ =	swait.ge [sflag:s24], $0x80  }
0x2a9: {  	[sflag:s24] =	ssyncset.done $0x0  }
0x2aa: {  	s25 =	sadd.s32 $0x1, s25;
	[sflag:s24] =	ssyncadd.s32 $0xFFFFFF80  }
0x2ab: {  	p0 =	sne.s32 s25, s11;
	_ =	swait.ge [sflag:s24], $0x80  }
.Ltmp3:
0x2ac: {  	[sflag:s24] =	ssyncset.done $0x0;
	(pc) =	sbr.rel @p0 .LBB2_1-.Ltmp3, $4  }
0x2ad: {  	[sflag:s24] =	ssyncadd.s32 $0xFFFFFF80  }
0x2ae: {  	_ =	swait.ge [sflag:s24], $0x80  }
0x2af: {  	[sflag:s24] =	ssyncset.done $0x0  }
0x2b0: {  	[sflag:s24] =	ssyncadd.s32 $0xFFFFFF80  }
0x2b1: {  	_ =	sfence.sel $0x180000  }
0x2b2: {  	[bflag:$0x0] =	sbarrier.arrive $0xFFFF  }
0x2b3: {  	p0 =	sne.s32 s2, $0x0;
	_ =	strace $0x90000047  }
0x2b4: {  	s0 =	sadd.s32 @!p0 $0x100000, s0;
	[bflag:$0x2] =	sbarrier.arrive $0xFFFF  }
0x2b5: {  	[sflag:s0] =	ssyncadd.tile.s32 @!p0 $0x1;
	_ =	shalt  }
.Lfunc_end2:
_tile_overlayer_lowered:
.L_overlay_start_2:
0x2b6: {  	(tag) =	ssettag $0x2  }
0x2b7: {  	s0 =	rddreg [dreg:$0x0];
	s2 =	stileid.u32  }
0x2b8: {  	s1 =	rddreg [dreg:$0x1];
	p0 =	sne.s32 s2, $0x0  }
0x2b9: {  	s3 =	rddreg [dreg:$0x2];
	[bflag:$0x3] =	sbarrier.arrive $0xFFFF;
	s2 =	simm.s32 @!p0 $0x1C06  }
0x2ba: {  	[timem:s3], [sflag:s2] =	dma.local @!p0 [hbm:s0], s1  }
0x2bb: {  	s0 =	simm.s32 @!p0 $0x6  }
0x2bc: {  	_ =	swait.ge @!p0 [sflag:s0], s1  }
0x2bd: {  	s1 =	ssub.s32 @!p0 $0x0, s1;
	[sflag:s0] =	ssyncset.done @!p0 $0x0  }
0x2be: {  	[sflag:s0] =	ssyncadd.s32 @!p0 s1  }
0x2bf: {  	[bflag:$0x3] =	sbarrier.arrive $0xFFFF  }
0x2c0: {  	_ =	shalt  }

</sc_bundles>
